<compile_context>
chip_gen: v7x
topology: tpu7x:2x2x1
jax: 0.10.2.dev20260603
libtpu: 0.0.44.dev20260713+nightly
codegen_flags: <defaults>
</compile_context>

<pallas_src>
import functools

import jax
import jax.numpy as jnp
from jax import lax
from jax.experimental import pallas as pl
from jax.experimental.pallas import tpu as pltpu
from jax.experimental.pallas import tpu_sc as plsc

N = 10000
E = 160000
D = 256
WID = 128
HALF = 128
NS = 16
EPT = E // NS
CH = 100
NCH = EPT // CH
NT = NCH // 2
ACCR = 10240
SPT = ACCR // NS
ZB = 80
NFULL = SPT // ZB
DR = 10112
DZ = DR // NS


def _stage_a(nf, W_attn):
    def body(nf_ref, wa_ref, mst_ref, p_ref):
        nfv = nf_ref[...]
        wa = wa_ref[0:D, 0]
        a = jnp.sum(nfv * wa[None, :], axis=1)
        p = jnp.exp(a - jnp.max(a))
        mst_ref[0:N, :] = nfv[:, 0:HALF] * p[:, None]
        mst_ref[N:2 * N, :] = nfv[:, HALF:D] * p[:, None]
        p_ref[...] = p

    return pl.pallas_call(
        body,
        out_shape=[
            jax.ShapeDtypeStruct((2 * N, WID), jnp.float32),
            jax.ShapeDtypeStruct((N,), jnp.float32),
        ],
    )(nf, W_attn)


def _edge_stage(mst, pvec, src2, dst2):
    mesh = plsc.VectorSubcoreMesh(core_axis_name="c", subcore_axis_name="s")

    @functools.partial(
        pl.kernel,
        out_type=[
            jax.ShapeDtypeStruct((2 * N, WID), jnp.float32),
            jax.ShapeDtypeStruct((DR,), jnp.float32),
        ],
        mesh=mesh,
        scratch_types=[
            [pltpu.VMEM((2, CH), jnp.int32)] * 2,
            [pltpu.VMEM((2, CH), jnp.int32)] * 2,
            [pltpu.VMEM((CH, WID), jnp.float32)] * 2,
            [pltpu.VMEM((2, CH), jnp.float32)] * 2,
            pltpu.VMEM((N,), jnp.float32),
            pltpu.VMEM((640,), jnp.float32),
            pltpu.VMEM_SHARED((ACCR, WID), jnp.float32),
            pltpu.VMEM_SHARED((DR,), jnp.float32),
            [pltpu.SemaphoreType.DMA] * 2,
            [pltpu.SemaphoreType.DMA] * 2,
            [pltpu.SemaphoreType.DMA] * 2,
            [pltpu.SemaphoreType.DMA] * 2,
            [pltpu.SemaphoreType.DMA] * 2,
        ],
        compiler_params=pltpu.CompilerParams(use_tc_tiling_on_sc=False,
                                             needs_layout_passes=False),
    )
    def run(mst_hbm, p_hbm, src_hbm, dst_hbm, out_hbm, dout_hbm,
            idxs, idxd, rows, dval, p_v, zbuf, acc_sh, den_sh,
            semis, semid, semg, sems, semd):
        c = lax.axis_index("c")
        s = lax.axis_index("s")
        coff = c * N
        irow0 = s * NCH

        def idx_start(t, r):
            base = irow0 + 2 * t
            pltpu.async_copy(src_hbm.at[pl.ds(base, 2)], idxs[r], semis[r])
            pltpu.async_copy(dst_hbm.at[pl.ds(base, 2)], idxd[r], semid[r])

        def den_wait(r):
            for k in range(2):
                pltpu.make_async_copy(dval[r].at[k],
                                      den_sh.at[idxd[r].at[k]], semd[r]).wait()

        def idx_wait_bias(t, r, emit_denom=True):
            base = irow0 + 2 * t
            pltpu.make_async_copy(src_hbm.at[pl.ds(base, 2)], idxs[r], semis[r]).wait()
            pltpu.make_async_copy(dst_hbm.at[pl.ds(base, 2)], idxd[r], semid[r]).wait()
            lanes = lax.iota(jnp.int32, 16)
            for k in range(2):
                for j in range(CH // 16):
                    sl = pl.ds(j * 16, 16)
                    dval[r][k, sl] = plsc.load_gather(p_v, [idxs[r][k, sl]])
                rem = CH - (CH // 16) * 16
                if rem:
                    sl = pl.ds(CH - 16, 16)
                    pv = plsc.load_gather(p_v, [idxs[r][k, sl]])
                    dval[r][k, sl] = jnp.where(lanes >= 16 - rem,
                                               pv, dval[r][k, sl])
                for j in range(CH // 16):
                    sl = pl.ds(j * 16, 16)
                    idxs[r][k, sl] = idxs[r][k, sl] + coff
                if rem:
                    sl = pl.ds(CH - 16, 16)
                    idxs[r][k, sl] = idxs[r][k, sl] + jnp.where(
                        lanes >= 16 - rem, coff, 0)
            if emit_denom:
                for k in range(2):
                    pltpu.async_copy(dval[r].at[k],
                                     den_sh.at[idxd[r].at[k]], semd[r],
                                     add=True)

        def gather_start(r, k, b):
            pltpu.async_copy(mst_hbm.at[idxs[r].at[k]], rows[b], semg[b])

        def gather_wait(r, k, b):
            pltpu.make_async_copy(mst_hbm.at[idxs[r].at[k]], rows[b], semg[b]).wait()

        def scat_start(r, k, b):
            pltpu.async_copy(rows[b], acc_sh.at[idxd[r].at[k]], sems[b], add=True)

        def scat_wait(r, k, b):
            pltpu.make_async_copy(rows[b], acc_sh.at[idxd[r].at[k]], sems[b]).wait()

        idx_start(0, 0)
        pltpu.async_copy(p_hbm, p_v, semg[1])

        def zrow(i, carry):
            for j in range(WID // 16):
                rows[0][i, pl.ds(j * 16, 16)] = jnp.zeros((16,), jnp.float32)
            return carry

        lax.fori_loop(0, ZB, zrow, None)

        def zline(i, carry):
            zbuf[pl.ds(i * 16, 16)] = jnp.zeros((16,), jnp.float32)
            return carry

        lax.fori_loop(0, 640 // 16, zline, None)
        base_r = s * SPT
        for i in range(NFULL):
            pltpu.async_copy(rows[0].at[pl.ds(0, ZB)],
                             acc_sh.at[pl.ds(base_r + i * ZB, ZB)], sems[0])
        pltpu.async_copy(zbuf.at[pl.ds(0, DZ)],
                         den_sh.at[pl.ds(s * DZ, DZ)], sems[0])
        for i in range(NFULL):
            pltpu.make_async_copy(rows[0].at[pl.ds(0, ZB)],
                                  acc_sh.at[pl.ds(base_r + i * ZB, ZB)],
                                  sems[0]).wait()
        pltpu.make_async_copy(zbuf.at[pl.ds(0, DZ)],
                              den_sh.at[pl.ds(s * DZ, DZ)], sems[0]).wait()
        pltpu.make_async_copy(p_hbm, p_v, semg[1]).wait()
        plsc.subcore_barrier()

        idx_wait_bias(0, 0)
        gather_start(0, 0, 0)

        def turn(t, r, rn):
            @pl.when(t >= 1)
            def _():
                scat_wait(r, 1, 1)
                den_wait(rn)

            idx_start(t + 1, rn)
            gather_start(r, 1, 1)
            gather_wait(r, 0, 0)
            scat_start(r, 0, 0)

            @pl.when(t + 1 < NT)
            def _():
                idx_wait_bias(t + 1, rn)

            @pl.when(t + 1 >= NT)
            def _():
                idx_wait_bias(t + 1, rn, emit_denom=False)

            scat_wait(r, 0, 0)
            gather_start(rn, 0, 0)
            gather_wait(r, 1, 1)
            scat_start(r, 1, 1)
            return None

        def two_turns(u, carry):
            turn(2 * u, 0, 1)
            turn(2 * u + 1, 1, 0)
            return carry

        lax.fori_loop(0, NT // 2, two_turns, None)
        scat_wait(1, 1, 1)
        den_wait(1)
        gather_wait(0, 0, 0)
        plsc.subcore_barrier()

        ob = coff + base_r
        nb = jnp.where(s == NS - 1, (N - (NS - 1) * SPT) // ZB, NFULL)

        def oblk(i, carry):
            pltpu.async_copy(acc_sh.at[pl.ds(base_r + i * ZB, ZB)],
                             out_hbm.at[pl.ds(ob + i * ZB, ZB)], sems[0])
            return carry

        lax.fori_loop(0, nb, oblk, None)

        @pl.when((c == 0) & (s == 0))
        def _():
            pltpu.sync_copy(den_sh, dout_hbm)

        def oblk_wait(i, carry):
            pltpu.make_async_copy(acc_sh.at[pl.ds(base_r + i * ZB, ZB)],
                                  out_hbm.at[pl.ds(ob + i * ZB, ZB)],
                                  sems[0]).wait()
            return carry

        lax.fori_loop(0, nb, oblk_wait, None)

    return run(mst, pvec, src2, dst2)


CB = 1000


def _stage_c(rst, denom, nf, W_lin):
    rst3 = rst.reshape(2, N, WID)

    def body(r0_ref, r1_ref, d_ref, nf_ref, wl_ref, out_ref):
        dv = d_ref[...]
        ok = dv > 0.0
        dsafe = jnp.where(ok, dv, 1.0)
        agg_lo = jnp.where(ok, r0_ref[0] / dsafe, 0.0)
        agg_hi = jnp.where(ok, r1_ref[0] / dsafe, 0.0)
        agg = jnp.concatenate([agg_lo, agg_hi], axis=1).astype(jnp.bfloat16)
        nfv = nf_ref[...].astype(jnp.bfloat16)
        wl = wl_ref[...].astype(jnp.bfloat16)
        acc = jnp.dot(nfv, wl[0:D, :], preferred_element_type=jnp.float32)
        acc = acc + jnp.dot(agg, wl[D:2 * D, :], preferred_element_type=jnp.float32)
        out_ref[...] = jnp.maximum(acc, 0.0)

    return pl.pallas_call(
        body,
        grid=(N // CB,),
        in_specs=[
            pl.BlockSpec((1, CB, WID), lambda i: (0, i, 0)),
            pl.BlockSpec((1, CB, WID), lambda i: (1, i, 0)),
            pl.BlockSpec((CB, 1), lambda i: (i, 0)),
            pl.BlockSpec((CB, D), lambda i: (i, 0)),
            pl.BlockSpec((2 * D, D), lambda i: (0, 0)),
        ],
        out_specs=pl.BlockSpec((CB, D), lambda i: (i, 0)),
        out_shape=jax.ShapeDtypeStruct((N, D), jnp.float32),
    )(rst3, rst3, denom, nf, W_lin)


def kernel(nf, edge_index, W_lin, W_attn):
    src2 = jnp.pad(edge_index[0].reshape(E // CH, CH), ((0, 2), (0, 0)))
    dst2 = jnp.pad(edge_index[1].reshape(E // CH, CH), ((0, 2), (0, 0)))
    mst, pvec = _stage_a(nf, W_attn)
    rst, dvec = _edge_stage(mst, pvec, src2, dst2)
    denom = dvec[0:N].reshape(N, 1)
    return _stage_c(rst, denom, nf, W_lin)

# --- scband reference (transcript-rebuilt; emitter-appended) ---
"""Pipeline reference for scband-gatlayer-7310034338074 (READ-ONLY COPY).

The authoritative reference and input builder live on the scoring server;
editing this copy changes nothing except your own understanding.
"""

import jax, jax.numpy as jnp
import numpy as np

N_NODES = 10000
N_EDGES = 160000
D = 256


def setup_inputs(seed: int = 0) -> dict:
    key = jax.random.key(seed)
    k1, k2, k3, k4 = jax.random.split(key, 4)
    nf = jax.random.normal(k1, (N_NODES, D), dtype=jnp.float32)
    edge_index = jax.random.randint(k2, (2, N_EDGES), 0, N_NODES, dtype=jnp.int32)
    # nn.Linear(2*input_dim, output_dim, bias=False) -> weight used as x @ W_lin, W_lin: [2D, D]
    W_lin = (jax.random.normal(k3, (2 * D, D), dtype=jnp.float32) * (1.0 / np.sqrt(2 * D))).astype(jnp.float32)
    # nn.Linear(2*output_dim, 1, bias=False) -> W_attn: [2D, 1]
    W_attn = (jax.random.normal(k4, (2 * D, 1), dtype=jnp.float32) * (1.0 / np.sqrt(2 * D))).astype(jnp.float32)
    return {"nf": nf, "edge_index": edge_index, "W_lin": W_lin, "W_attn": W_attn}


def _scatter_softmax(ef, dst, num_segments):
    seg_max = jax.ops.segment_max(ef, dst, num_segments=num_segments)
    seg_max = jnp.where(jnp.isfinite(seg_max), seg_max, 0.0)
    ex = jnp.exp(ef - seg_max[dst])
    denom = jax.ops.segment_sum(ex, dst, num_segments=num_segments)
    return ex / denom[dst]


def reference(nf, edge_index, W_lin, W_attn):
    src, dst = edge_index[0], edge_index[1]
    n = nf.shape[0]
    src_nf = nf[src]
    dst_nf = nf[dst]
    ef = (jnp.concatenate([src_nf, dst_nf], axis=-1) @ W_attn).squeeze(-1)
    alpha = _scatter_softmax(ef, dst, n)[:, None]
    msg = alpha * src_nf
    agg_nf = jax.ops.segment_sum(msg, dst, num_segments=n)
    nh = jax.nn.relu(jnp.concatenate([nf, agg_nf], axis=-1) @ W_lin)
    return nh

if __name__ == "__main__":
    import jax
    _d = setup_inputs()
    print(jax.jit(kernel)(*tuple(_d.values())))

</pallas_src>

<mosaic_0001>
#map = affine_map<(d0, d1) -> (0, 0)>
#map1 = affine_map<(d0, d1) -> (0)>
module attributes {stable_mosaic.version = 14 : i64} {
  func.func @run(%arg0: i32, %arg1: i32, %arg2: memref<20000x128xf32, #tpu.memory_space<hbm>>, %arg3: memref<10000xf32, #tpu.memory_space<hbm>>, %arg4: memref<1602x100xi32, #tpu.memory_space<hbm>>, %arg5: memref<1602x100xi32, #tpu.memory_space<hbm>>, %arg6: memref<20000x128xf32, #tpu.memory_space<hbm>>, %arg7: memref<10112xf32, #tpu.memory_space<hbm>>, %arg8: memref<2x100xi32, #tpu.memory_space<vmem>>, %arg9: memref<2x100xi32, #tpu.memory_space<vmem>>, %arg10: memref<2x100xi32, #tpu.memory_space<vmem>>, %arg11: memref<2x100xi32, #tpu.memory_space<vmem>>, %arg12: memref<100x128xf32, #tpu.memory_space<vmem>>, %arg13: memref<100x128xf32, #tpu.memory_space<vmem>>, %arg14: memref<2x100xf32, #tpu.memory_space<vmem>>, %arg15: memref<2x100xf32, #tpu.memory_space<vmem>>, %arg16: memref<10000xf32, #tpu.memory_space<vmem>>, %arg17: memref<640xf32, #tpu.memory_space<vmem>>, %arg18: memref<10240x128xf32, #tpu.memory_space<vmem_shared>>, %arg19: memref<10112xf32, #tpu.memory_space<vmem_shared>>, %arg20: memref<!tpu.dma_semaphore, #tpu.memory_space<semaphore_mem>>, %arg21: memref<!tpu.dma_semaphore, #tpu.memory_space<semaphore_mem>>, %arg22: memref<!tpu.dma_semaphore, #tpu.memory_space<semaphore_mem>>, %arg23: memref<!tpu.dma_semaphore, #tpu.memory_space<semaphore_mem>>, %arg24: memref<!tpu.dma_semaphore, #tpu.memory_space<semaphore_mem>>, %arg25: memref<!tpu.dma_semaphore, #tpu.memory_space<semaphore_mem>>, %arg26: memref<!tpu.dma_semaphore, #tpu.memory_space<semaphore_mem>>, %arg27: memref<!tpu.dma_semaphore, #tpu.memory_space<semaphore_mem>>, %arg28: memref<!tpu.dma_semaphore, #tpu.memory_space<semaphore_mem>>, %arg29: memref<!tpu.dma_semaphore, #tpu.memory_space<semaphore_mem>>) attributes {dimension_semantics = [#tpu.dimension_semantics<core_parallel>, #tpu.dimension_semantics<subcore_parallel>], iteration_bounds = array<i64: 2, 16>, scalar_prefetch = 0 : i64, scratch_operands = 22 : i64, tpu.core_type = #tpu.core_type<sc_vector_subcore>, window_params = [{transform_indices = #map}, {transform_indices = #map1}, {transform_indices = #map}, {transform_indices = #map}, {transform_indices = #map}, {transform_indices = #map1}]} {
    %mul3A = arith.constant 10000 : i32
    %mul3A_0 = arith.muli %arg0, %mul3A : i32
    %mul3A_1 = arith.constant 100 : i32
    %mul3A_2 = arith.muli %arg1, %mul3A_1 : i32
    %add3A = arith.constant 0 : i32
    %add3A_3 = arith.addi %mul3A_2, %add3A : i32
    %dma_start3A = arith.constant 0 : i32
    %dma_start3A_4 = tpu.memref_slice %arg4[%add3A_3, %dma_start3A] : memref<1602x100xi32, #tpu.memory_space<hbm>> -> memref<2x100xi32, #tpu.memory_space<hbm>>
    %dma_start3A_5 = arith.constant 0 : i32
    %dma_start3A_6 = tpu.memref_slice %arg4[%add3A_3, %dma_start3A_5] : memref<1602x100xi32, #tpu.memory_space<hbm>> -> memref<2x100xi32, #tpu.memory_space<hbm>>
    tpu.enqueue_dma source(%dma_start3A_6 : memref<2x100xi32, #tpu.memory_space<hbm>>) target(%arg8 : memref<2x100xi32, #tpu.memory_space<vmem>>) target_semaphore(%arg20 : memref<!tpu.dma_semaphore, #tpu.memory_space<semaphore_mem>>)
    %dma_start3A_7 = arith.constant 0 : i32
    %dma_start3A_8 = tpu.memref_slice %arg5[%add3A_3, %dma_start3A_7] : memref<1602x100xi32, #tpu.memory_space<hbm>> -> memref<2x100xi32, #tpu.memory_space<hbm>>
    %dma_start3A_9 = arith.constant 0 : i32
    %dma_start3A_10 = tpu.memref_slice %arg5[%add3A_3, %dma_start3A_9] : memref<1602x100xi32, #tpu.memory_space<hbm>> -> memref<2x100xi32, #tpu.memory_space<hbm>>
    tpu.enqueue_dma source(%dma_start3A_10 : memref<2x100xi32, #tpu.memory_space<hbm>>) target(%arg10 : memref<2x100xi32, #tpu.memory_space<vmem>>) target_semaphore(%arg22 : memref<!tpu.dma_semaphore, #tpu.memory_space<semaphore_mem>>)
    tpu.enqueue_dma source(%arg3 : memref<10000xf32, #tpu.memory_space<hbm>>) target(%arg16 : memref<10000xf32, #tpu.memory_space<vmem>>) target_semaphore(%arg25 : memref<!tpu.dma_semaphore, #tpu.memory_space<semaphore_mem>>)
    %scan3A = arith.constant 0 : i32
    %scan3A_11 = arith.constant 80 : i32
    %scan3A_12 = arith.addi %scan3A, %scan3A_11 : i32
    %scan3A_13 = arith.constant 1 : i32
    scf.for %scan3A_620 = %scan3A to %scan3A_12 step %scan3A_13  : i32 {
      %broadcast_in_dim3A_621 = arith.constant 0.000000e+00 : f32
      %broadcast_in_dim3A_622 = vector.broadcast %broadcast_in_dim3A_621 : f32 to vector<16xf32>
      %swap3A_623 = arith.index_cast %scan3A_620 : i32 to index
      %swap3A_624 = arith.constant 0 : index
      %swap3A_625 = tpu.vector_load %arg12[%swap3A_623, %swap3A_624] {strides = array<i32>} : memref<100x128xf32, #tpu.memory_space<vmem>>, vector<16xf32>,
      tpu.vector_store %arg12[%swap3A_623, %swap3A_624], %broadcast_in_dim3A_622 {strides = array<i32>} : memref<100x128xf32, #tpu.memory_space<vmem>>, vector<16xf32>,
      %broadcast_in_dim3A_626 = arith.constant 0.000000e+00 : f32
      %broadcast_in_dim3A_627 = vector.broadcast %broadcast_in_dim3A_626 : f32 to vector<16xf32>
      %swap3A_628 = arith.index_cast %scan3A_620 : i32 to index
      %swap3A_629 = arith.constant 16 : index
      %swap3A_630 = tpu.vector_load %arg12[%swap3A_628, %swap3A_629] {strides = array<i32>} : memref<100x128xf32, #tpu.memory_space<vmem>>, vector<16xf32>,
      tpu.vector_store %arg12[%swap3A_628, %swap3A_629], %broadcast_in_dim3A_627 {strides = array<i32>} : memref<100x128xf32, #tpu.memory_space<vmem>>, vector<16xf32>,
      %broadcast_in_dim3A_631 = arith.constant 0.000000e+00 : f32
      %broadcast_in_dim3A_632 = vector.broadcast %broadcast_in_dim3A_631 : f32 to vector<16xf32>
      %swap3A_633 = arith.index_cast %scan3A_620 : i32 to index
      %swap3A_634 = arith.constant 32 : index
      %swap3A_635 = tpu.vector_load %arg12[%swap3A_633, %swap3A_634] {strides = array<i32>} : memref<100x128xf32, #tpu.memory_space<vmem>>, vector<16xf32>,
      tpu.vector_store %arg12[%swap3A_633, %swap3A_634], %broadcast_in_dim3A_632 {strides = array<i32>} : memref<100x128xf32, #tpu.memory_space<vmem>>, vector<16xf32>,
      %broadcast_in_dim3A_636 = arith.constant 0.000000e+00 : f32
      %broadcast_in_dim3A_637 = vector.broadcast %broadcast_in_dim3A_636 : f32 to vector<16xf32>
      %swap3A_638 = arith.index_cast %scan3A_620 : i32 to index
      %swap3A_639 = arith.constant 48 : index
      %swap3A_640 = tpu.vector_load %arg12[%swap3A_638, %swap3A_639] {strides = array<i32>} : memref<100x128xf32, #tpu.memory_space<vmem>>, vector<16xf32>,
      tpu.vector_store %arg12[%swap3A_638, %swap3A_639], %broadcast_in_dim3A_637 {strides = array<i32>} : memref<100x128xf32, #tpu.memory_space<vmem>>, vector<16xf32>,
      %broadcast_in_dim3A_641 = arith.constant 0.000000e+00 : f32
      %broadcast_in_dim3A_642 = vector.broadcast %broadcast_in_dim3A_641 : f32 to vector<16xf32>
      %swap3A_643 = arith.index_cast %scan3A_620 : i32 to index
      %swap3A_644 = arith.constant 64 : index
      %swap3A_645 = tpu.vector_load %arg12[%swap3A_643, %swap3A_644] {strides = array<i32>} : memref<100x128xf32, #tpu.memory_space<vmem>>, vector<16xf32>,
      tpu.vector_store %arg12[%swap3A_643, %swap3A_644], %broadcast_in_dim3A_642 {strides = array<i32>} : memref<100x128xf32, #tpu.memory_space<vmem>>, vector<16xf32>,
      %broadcast_in_dim3A_646 = arith.constant 0.000000e+00 : f32
      %broadcast_in_dim3A_647 = vector.broadcast %broadcast_in_dim3A_646 : f32 to vector<16xf32>
      %swap3A_648 = arith.index_cast %scan3A_620 : i32 to index
      %swap3A_649 = arith.constant 80 : index
      %swap3A_650 = tpu.vector_load %arg12[%swap3A_648, %swap3A_649] {strides = array<i32>} : memref<100x128xf32, #tpu.memory_space<vmem>>, vector<16xf32>,
      tpu.vector_store %arg12[%swap3A_648, %swap3A_649], %broadcast_in_dim3A_647 {strides = array<i32>} : memref<100x128xf32, #tpu.memory_space<vmem>>, vector<16xf32>,
      %broadcast_in_dim3A_651 = arith.constant 0.000000e+00 : f32
      %broadcast_in_dim3A_652 = vector.broadcast %broadcast_in_dim3A_651 : f32 to vector<16xf32>
      %swap3A_653 = arith.index_cast %scan3A_620 : i32 to index
      %swap3A_654 = arith.constant 96 : index
      %swap3A_655 = tpu.vector_load %arg12[%swap3A_653, %swap3A_654] {strides = array<i32>} : memref<100x128xf32, #tpu.memory_space<vmem>>, vector<16xf32>,
      tpu.vector_store %arg12[%swap3A_653, %swap3A_654], %broadcast_in_dim3A_652 {strides = array<i32>} : memref<100x128xf32, #tpu.memory_space<vmem>>, vector<16xf32>,
      %broadcast_in_dim3A_656 = arith.constant 0.000000e+00 : f32
      %broadcast_in_dim3A_657 = vector.broadcast %broadcast_in_dim3A_656 : f32 to vector<16xf32>
      %swap3A_658 = arith.index_cast %scan3A_620 : i32 to index
      %swap3A_659 = arith.constant 112 : index
      %swap3A_660 = tpu.vector_load %arg12[%swap3A_658, %swap3A_659] {strides = array<i32>} : memref<100x128xf32, #tpu.memory_space<vmem>>, vector<16xf32>,
      tpu.vector_store %arg12[%swap3A_658, %swap3A_659], %broadcast_in_dim3A_657 {strides = array<i32>} : memref<100x128xf32, #tpu.memory_space<vmem>>, vector<16xf32>,
    }
    %scan3A_14 = arith.constant 80 : i32
    %scan3A_15 = arith.constant 0 : i32
    %scan3A_16 = arith.constant 40 : i32
    %scan3A_17 = arith.addi %scan3A_15, %scan3A_16 : i32
    %scan3A_18 = arith.constant 1 : i32
    scf.for %scan3A_620 = %scan3A_15 to %scan3A_17 step %scan3A_18  : i32 {
      %broadcast_in_dim3A_621 = arith.constant 0.000000e+00 : f32
      %broadcast_in_dim3A_622 = vector.broadcast %broadcast_in_dim3A_621 : f32 to vector<16xf32>
      %mul3A_623 = arith.constant 16 : i32
      %mul3A_624 = arith.muli %scan3A_620, %mul3A_623 : i32
      %swap3A_625 = arith.index_cast %mul3A_624 : i32 to index
      %swap3A_626 = tpu.vector_load %arg17[%swap3A_625] {strides = array<i32>} : memref<640xf32, #tpu.memory_space<vmem>>, vector<16xf32>,
      tpu.vector_store %arg17[%swap3A_625], %broadcast_in_dim3A_622 {strides = array<i32>} : memref<640xf32, #tpu.memory_space<vmem>>, vector<16xf32>,
    }
    %scan3A_19 = arith.constant 40 : i32
    %mul3A_20 = arith.constant 640 : i32
    %mul3A_21 = arith.muli %arg1, %mul3A_20 : i32
    %add3A_22 = arith.constant 0 : i32
    %add3A_23 = arith.addi %mul3A_21, %add3A_22 : i32
    %dma_start3A_24 = arith.constant 0 : i32
    %dma_start3A_25 = arith.constant 0 : i32
    %dma_start3A_26 = tpu.memref_slice %arg12[%dma_start3A_24, %dma_start3A_25] : memref<100x128xf32, #tpu.memory_space<vmem>> -> memref<80x128xf32, #tpu.memory_space<vmem>>
    %dma_start3A_27 = arith.constant 0 : i32
    %dma_start3A_28 = tpu.memref_slice %arg18[%add3A_23, %dma_start3A_27] : memref<10240x128xf32, #tpu.memory_space<vmem_shared>> -> memref<80x128xf32, #tpu.memory_space<vmem_shared>>
    %dma_start3A_29 = arith.constant 0 : i32
    %dma_start3A_30 = tpu.memref_slice %arg18[%add3A_23, %dma_start3A_29] : memref<10240x128xf32, #tpu.memory_space<vmem_shared>> -> memref<80x128xf32, #tpu.memory_space<vmem_shared>>
    %dma_start3A_31 = arith.constant 0 : i32
    %dma_start3A_32 = arith.constant 0 : i32
    %dma_start3A_33 = tpu.memref_slice %arg12[%dma_start3A_31, %dma_start3A_32] : memref<100x128xf32, #tpu.memory_space<vmem>> -> memref<80x128xf32, #tpu.memory_space<vmem>>
    tpu.enqueue_dma source(%dma_start3A_33 : memref<80x128xf32, #tpu.memory_space<vmem>>) target(%dma_start3A_30 : memref<80x128xf32, #tpu.memory_space<vmem_shared>>) target_semaphore(%arg26 : memref<!tpu.dma_semaphore, #tpu.memory_space<semaphore_mem>>)
    %add3A_34 = arith.constant 80 : i32
    %add3A_35 = arith.addi %mul3A_21, %add3A_34 : i32
    %dma_start3A_36 = arith.constant 0 : i32
    %dma_start3A_37 = arith.constant 0 : i32
    %dma_start3A_38 = tpu.memref_slice %arg12[%dma_start3A_36, %dma_start3A_37] : memref<100x128xf32, #tpu.memory_space<vmem>> -> memref<80x128xf32, #tpu.memory_space<vmem>>
    %dma_start3A_39 = arith.constant 0 : i32
    %dma_start3A_40 = tpu.memref_slice %arg18[%add3A_35, %dma_start3A_39] : memref<10240x128xf32, #tpu.memory_space<vmem_shared>> -> memref<80x128xf32, #tpu.memory_space<vmem_shared>>
    %dma_start3A_41 = arith.constant 0 : i32
    %dma_start3A_42 = tpu.memref_slice %arg18[%add3A_35, %dma_start3A_41] : memref<10240x128xf32, #tpu.memory_space<vmem_shared>> -> memref<80x128xf32, #tpu.memory_space<vmem_shared>>
    %dma_start3A_43 = arith.constant 0 : i32
    %dma_start3A_44 = arith.constant 0 : i32
    %dma_start3A_45 = tpu.memref_slice %arg12[%dma_start3A_43, %dma_start3A_44] : memref<100x128xf32, #tpu.memory_space<vmem>> -> memref<80x128xf32, #tpu.memory_space<vmem>>
    tpu.enqueue_dma source(%dma_start3A_45 : memref<80x128xf32, #tpu.memory_space<vmem>>) target(%dma_start3A_42 : memref<80x128xf32, #tpu.memory_space<vmem_shared>>) target_semaphore(%arg26 : memref<!tpu.dma_semaphore, #tpu.memory_space<semaphore_mem>>)
    %add3A_46 = arith.constant 160 : i32
    %add3A_47 = arith.addi %mul3A_21, %add3A_46 : i32
    %dma_start3A_48 = arith.constant 0 : i32
    %dma_start3A_49 = arith.constant 0 : i32
    %dma_start3A_50 = tpu.memref_slice %arg12[%dma_start3A_48, %dma_start3A_49] : memref<100x128xf32, #tpu.memory_space<vmem>> -> memref<80x128xf32, #tpu.memory_space<vmem>>
    %dma_start3A_51 = arith.constant 0 : i32
    %dma_start3A_52 = tpu.memref_slice %arg18[%add3A_47, %dma_start3A_51] : memref<10240x128xf32, #tpu.memory_space<vmem_shared>> -> memref<80x128xf32, #tpu.memory_space<vmem_shared>>
    %dma_start3A_53 = arith.constant 0 : i32
    %dma_start3A_54 = tpu.memref_slice %arg18[%add3A_47, %dma_start3A_53] : memref<10240x128xf32, #tpu.memory_space<vmem_shared>> -> memref<80x128xf32, #tpu.memory_space<vmem_shared>>
    %dma_start3A_55 = arith.constant 0 : i32
    %dma_start3A_56 = arith.constant 0 : i32
    %dma_start3A_57 = tpu.memref_slice %arg12[%dma_start3A_55, %dma_start3A_56] : memref<100x128xf32, #tpu.memory_space<vmem>> -> memref<80x128xf32, #tpu.memory_space<vmem>>
    tpu.enqueue_dma source(%dma_start3A_57 : memref<80x128xf32, #tpu.memory_space<vmem>>) target(%dma_start3A_54 : memref<80x128xf32, #tpu.memory_space<vmem_shared>>) target_semaphore(%arg26 : memref<!tpu.dma_semaphore, #tpu.memory_space<semaphore_mem>>)
    %add3A_58 = arith.constant 240 : i32
    %add3A_59 = arith.addi %mul3A_21, %add3A_58 : i32
    %dma_start3A_60 = arith.constant 0 : i32
    %dma_start3A_61 = arith.constant 0 : i32
    %dma_start3A_62 = tpu.memref_slice %arg12[%dma_start3A_60, %dma_start3A_61] : memref<100x128xf32, #tpu.memory_space<vmem>> -> memref<80x128xf32, #tpu.memory_space<vmem>>
    %dma_start3A_63 = arith.constant 0 : i32
    %dma_start3A_64 = tpu.memref_slice %arg18[%add3A_59, %dma_start3A_63] : memref<10240x128xf32, #tpu.memory_space<vmem_shared>> -> memref<80x128xf32, #tpu.memory_space<vmem_shared>>
    %dma_start3A_65 = arith.constant 0 : i32
    %dma_start3A_66 = tpu.memref_slice %arg18[%add3A_59, %dma_start3A_65] : memref<10240x128xf32, #tpu.memory_space<vmem_shared>> -> memref<80x128xf32, #tpu.memory_space<vmem_shared>>
    %dma_start3A_67 = arith.constant 0 : i32
    %dma_start3A_68 = arith.constant 0 : i32
    %dma_start3A_69 = tpu.memref_slice %arg12[%dma_start3A_67, %dma_start3A_68] : memref<100x128xf32, #tpu.memory_space<vmem>> -> memref<80x128xf32, #tpu.memory_space<vmem>>
    tpu.enqueue_dma source(%dma_start3A_69 : memref<80x128xf32, #tpu.memory_space<vmem>>) target(%dma_start3A_66 : memref<80x128xf32, #tpu.memory_space<vmem_shared>>) target_semaphore(%arg26 : memref<!tpu.dma_semaphore, #tpu.memory_space<semaphore_mem>>)
    %add3A_70 = arith.constant 320 : i32
    %add3A_71 = arith.addi %mul3A_21, %add3A_70 : i32
    %dma_start3A_72 = arith.constant 0 : i32
    %dma_start3A_73 = arith.constant 0 : i32
    %dma_start3A_74 = tpu.memref_slice %arg12[%dma_start3A_72, %dma_start3A_73] : memref<100x128xf32, #tpu.memory_space<vmem>> -> memref<80x128xf32, #tpu.memory_space<vmem>>
    %dma_start3A_75 = arith.constant 0 : i32
    %dma_start3A_76 = tpu.memref_slice %arg18[%add3A_71, %dma_start3A_75] : memref<10240x128xf32, #tpu.memory_space<vmem_shared>> -> memref<80x128xf32, #tpu.memory_space<vmem_shared>>
    %dma_start3A_77 = arith.constant 0 : i32
    %dma_start3A_78 = tpu.memref_slice %arg18[%add3A_71, %dma_start3A_77] : memref<10240x128xf32, #tpu.memory_space<vmem_shared>> -> memref<80x128xf32, #tpu.memory_space<vmem_shared>>
    %dma_start3A_79 = arith.constant 0 : i32
    %dma_start3A_80 = arith.constant 0 : i32
    %dma_start3A_81 = tpu.memref_slice %arg12[%dma_start3A_79, %dma_start3A_80] : memref<100x128xf32, #tpu.memory_space<vmem>> -> memref<80x128xf32, #tpu.memory_space<vmem>>
    tpu.enqueue_dma source(%dma_start3A_81 : memref<80x128xf32, #tpu.memory_space<vmem>>) target(%dma_start3A_78 : memref<80x128xf32, #tpu.memory_space<vmem_shared>>) target_semaphore(%arg26 : memref<!tpu.dma_semaphore, #tpu.memory_space<semaphore_mem>>)
    %add3A_82 = arith.constant 400 : i32
    %add3A_83 = arith.addi %mul3A_21, %add3A_82 : i32
    %dma_start3A_84 = arith.constant 0 : i32
    %dma_start3A_85 = arith.constant 0 : i32
    %dma_start3A_86 = tpu.memref_slice %arg12[%dma_start3A_84, %dma_start3A_85] : memref<100x128xf32, #tpu.memory_space<vmem>> -> memref<80x128xf32, #tpu.memory_space<vmem>>
    %dma_start3A_87 = arith.constant 0 : i32
    %dma_start3A_88 = tpu.memref_slice %arg18[%add3A_83, %dma_start3A_87] : memref<10240x128xf32, #tpu.memory_space<vmem_shared>> -> memref<80x128xf32, #tpu.memory_space<vmem_shared>>
    %dma_start3A_89 = arith.constant 0 : i32
    %dma_start3A_90 = tpu.memref_slice %arg18[%add3A_83, %dma_start3A_89] : memref<10240x128xf32, #tpu.memory_space<vmem_shared>> -> memref<80x128xf32, #tpu.memory_space<vmem_shared>>
    %dma_start3A_91 = arith.constant 0 : i32
    %dma_start3A_92 = arith.constant 0 : i32
    %dma_start3A_93 = tpu.memref_slice %arg12[%dma_start3A_91, %dma_start3A_92] : memref<100x128xf32, #tpu.memory_space<vmem>> -> memref<80x128xf32, #tpu.memory_space<vmem>>
    tpu.enqueue_dma source(%dma_start3A_93 : memref<80x128xf32, #tpu.memory_space<vmem>>) target(%dma_start3A_90 : memref<80x128xf32, #tpu.memory_space<vmem_shared>>) target_semaphore(%arg26 : memref<!tpu.dma_semaphore, #tpu.memory_space<semaphore_mem>>)
    %add3A_94 = arith.constant 480 : i32
    %add3A_95 = arith.addi %mul3A_21, %add3A_94 : i32
    %dma_start3A_96 = arith.constant 0 : i32
    %dma_start3A_97 = arith.constant 0 : i32
    %dma_start3A_98 = tpu.memref_slice %arg12[%dma_start3A_96, %dma_start3A_97] : memref<100x128xf32, #tpu.memory_space<vmem>> -> memref<80x128xf32, #tpu.memory_space<vmem>>
    %dma_start3A_99 = arith.constant 0 : i32
    %dma_start3A_100 = tpu.memref_slice %arg18[%add3A_95, %dma_start3A_99] : memref<10240x128xf32, #tpu.memory_space<vmem_shared>> -> memref<80x128xf32, #tpu.memory_space<vmem_shared>>
    %dma_start3A_101 = arith.constant 0 : i32
    %dma_start3A_102 = tpu.memref_slice %arg18[%add3A_95, %dma_start3A_101] : memref<10240x128xf32, #tpu.memory_space<vmem_shared>> -> memref<80x128xf32, #tpu.memory_space<vmem_shared>>
    %dma_start3A_103 = arith.constant 0 : i32
    %dma_start3A_104 = arith.constant 0 : i32
    %dma_start3A_105 = tpu.memref_slice %arg12[%dma_start3A_103, %dma_start3A_104] : memref<100x128xf32, #tpu.memory_space<vmem>> -> memref<80x128xf32, #tpu.memory_space<vmem>>
    tpu.enqueue_dma source(%dma_start3A_105 : memref<80x128xf32, #tpu.memory_space<vmem>>) target(%dma_start3A_102 : memref<80x128xf32, #tpu.memory_space<vmem_shared>>) target_semaphore(%arg26 : memref<!tpu.dma_semaphore, #tpu.memory_space<semaphore_mem>>)
    %add3A_106 = arith.constant 560 : i32
    %add3A_107 = arith.addi %mul3A_21, %add3A_106 : i32
    %dma_start3A_108 = arith.constant 0 : i32
    %dma_start3A_109 = arith.constant 0 : i32
    %dma_start3A_110 = tpu.memref_slice %arg12[%dma_start3A_108, %dma_start3A_109] : memref<100x128xf32, #tpu.memory_space<vmem>> -> memref<80x128xf32, #tpu.memory_space<vmem>>
    %dma_start3A_111 = arith.constant 0 : i32
    %dma_start3A_112 = tpu.memref_slice %arg18[%add3A_107, %dma_start3A_111] : memref<10240x128xf32, #tpu.memory_space<vmem_shared>> -> memref<80x128xf32, #tpu.memory_space<vmem_shared>>
    %dma_start3A_113 = arith.constant 0 : i32
    %dma_start3A_114 = tpu.memref_slice %arg18[%add3A_107, %dma_start3A_113] : memref<10240x128xf32, #tpu.memory_space<vmem_shared>> -> memref<80x128xf32, #tpu.memory_space<vmem_shared>>
    %dma_start3A_115 = arith.constant 0 : i32
    %dma_start3A_116 = arith.constant 0 : i32
    %dma_start3A_117 = tpu.memref_slice %arg12[%dma_start3A_115, %dma_start3A_116] : memref<100x128xf32, #tpu.memory_space<vmem>> -> memref<80x128xf32, #tpu.memory_space<vmem>>
    tpu.enqueue_dma source(%dma_start3A_117 : memref<80x128xf32, #tpu.memory_space<vmem>>) target(%dma_start3A_114 : memref<80x128xf32, #tpu.memory_space<vmem_shared>>) target_semaphore(%arg26 : memref<!tpu.dma_semaphore, #tpu.memory_space<semaphore_mem>>)
    %mul3A_118 = arith.constant 632 : i32
    %mul3A_119 = arith.muli %arg1, %mul3A_118 : i32
    %dma_start3A_120 = arith.constant 0 : i32
    %dma_start3A_121 = tpu.memref_slice %arg17[%dma_start3A_120] : memref<640xf32, #tpu.memory_space<vmem>> -> memref<632xf32, #tpu.memory_space<vmem>>
    %dma_start3A_122 = tpu.memref_slice %arg19[%mul3A_119] : memref<10112xf32, #tpu.memory_space<vmem_shared>> -> memref<632xf32, #tpu.memory_space<vmem_shared>>
    %dma_start3A_123 = tpu.memref_slice %arg19[%mul3A_119] : memref<10112xf32, #tpu.memory_space<vmem_shared>> -> memref<632xf32, #tpu.memory_space<vmem_shared>>
    %dma_start3A_124 = arith.constant 0 : i32
    %dma_start3A_125 = tpu.memref_slice %arg17[%dma_start3A_124] : memref<640xf32, #tpu.memory_space<vmem>> -> memref<632xf32, #tpu.memory_space<vmem>>
    tpu.enqueue_dma source(%dma_start3A_125 : memref<632xf32, #tpu.memory_space<vmem>>) target(%dma_start3A_123 : memref<632xf32, #tpu.memory_space<vmem_shared>>) target_semaphore(%arg26 : memref<!tpu.dma_semaphore, #tpu.memory_space<semaphore_mem>>)
    %add3A_126 = arith.constant 0 : i32
    %add3A_127 = arith.addi %mul3A_21, %add3A_126 : i32
    %dma_wait3A = arith.constant 0 : i32
    %dma_wait3A_128 = arith.constant 0 : i32
    %dma_wait3A_129 = tpu.memref_slice %arg12[%dma_wait3A, %dma_wait3A_128] : memref<100x128xf32, #tpu.memory_space<vmem>> -> memref<80x128xf32, #tpu.memory_space<vmem>>
    %dma_wait3A_130 = arith.constant 0 : i32
    %dma_wait3A_131 = tpu.memref_slice %arg18[%add3A_127, %dma_wait3A_130] : memref<10240x128xf32, #tpu.memory_space<vmem_shared>> -> memref<80x128xf32, #tpu.memory_space<vmem_shared>>
    %dma_wait3A_132 = arith.constant 0 : i32
    %dma_wait3A_133 = tpu.memref_slice %arg18[%add3A_127, %dma_wait3A_132] : memref<10240x128xf32, #tpu.memory_space<vmem_shared>> -> memref<80x128xf32, #tpu.memory_space<vmem_shared>>
    %dma_wait3A_134 = arith.constant 0 : i32
    %dma_wait3A_135 = arith.constant 0 : i32
    %dma_wait3A_136 = tpu.memref_slice %arg12[%dma_wait3A_134, %dma_wait3A_135] : memref<100x128xf32, #tpu.memory_space<vmem>> -> memref<80x128xf32, #tpu.memory_space<vmem>>
    tpu.wait_dma2 semaphore(%arg26 : memref<!tpu.dma_semaphore, #tpu.memory_space<semaphore_mem>>) src(%dma_wait3A_136 : memref<80x128xf32, #tpu.memory_space<vmem>>) dst(%dma_wait3A_133 : memref<80x128xf32, #tpu.memory_space<vmem_shared>>)
    %add3A_137 = arith.constant 80 : i32
    %add3A_138 = arith.addi %mul3A_21, %add3A_137 : i32
    %dma_wait3A_139 = arith.constant 0 : i32
    %dma_wait3A_140 = arith.constant 0 : i32
    %dma_wait3A_141 = tpu.memref_slice %arg12[%dma_wait3A_139, %dma_wait3A_140] : memref<100x128xf32, #tpu.memory_space<vmem>> -> memref<80x128xf32, #tpu.memory_space<vmem>>
    %dma_wait3A_142 = arith.constant 0 : i32
    %dma_wait3A_143 = tpu.memref_slice %arg18[%add3A_138, %dma_wait3A_142] : memref<10240x128xf32, #tpu.memory_space<vmem_shared>> -> memref<80x128xf32, #tpu.memory_space<vmem_shared>>
    %dma_wait3A_144 = arith.constant 0 : i32
    %dma_wait3A_145 = tpu.memref_slice %arg18[%add3A_138, %dma_wait3A_144] : memref<10240x128xf32, #tpu.memory_space<vmem_shared>> -> memref<80x128xf32, #tpu.memory_space<vmem_shared>>
    %dma_wait3A_146 = arith.constant 0 : i32
    %dma_wait3A_147 = arith.constant 0 : i32
    %dma_wait3A_148 = tpu.memref_slice %arg12[%dma_wait3A_146, %dma_wait3A_147] : memref<100x128xf32, #tpu.memory_space<vmem>> -> memref<80x128xf32, #tpu.memory_space<vmem>>
    tpu.wait_dma2 semaphore(%arg26 : memref<!tpu.dma_semaphore, #tpu.memory_space<semaphore_mem>>) src(%dma_wait3A_148 : memref<80x128xf32, #tpu.memory_space<vmem>>) dst(%dma_wait3A_145 : memref<80x128xf32, #tpu.memory_space<vmem_shared>>)
    %add3A_149 = arith.constant 160 : i32
    %add3A_150 = arith.addi %mul3A_21, %add3A_149 : i32
    %dma_wait3A_151 = arith.constant 0 : i32
    %dma_wait3A_152 = arith.constant 0 : i32
    %dma_wait3A_153 = tpu.memref_slice %arg12[%dma_wait3A_151, %dma_wait3A_152] : memref<100x128xf32, #tpu.memory_space<vmem>> -> memref<80x128xf32, #tpu.memory_space<vmem>>
    %dma_wait3A_154 = arith.constant 0 : i32
    %dma_wait3A_155 = tpu.memref_slice %arg18[%add3A_150, %dma_wait3A_154] : memref<10240x128xf32, #tpu.memory_space<vmem_shared>> -> memref<80x128xf32, #tpu.memory_space<vmem_shared>>
    %dma_wait3A_156 = arith.constant 0 : i32
    %dma_wait3A_157 = tpu.memref_slice %arg18[%add3A_150, %dma_wait3A_156] : memref<10240x128xf32, #tpu.memory_space<vmem_shared>> -> memref<80x128xf32, #tpu.memory_space<vmem_shared>>
    %dma_wait3A_158 = arith.constant 0 : i32
    %dma_wait3A_159 = arith.constant 0 : i32
    %dma_wait3A_160 = tpu.memref_slice %arg12[%dma_wait3A_158, %dma_wait3A_159] : memref<100x128xf32, #tpu.memory_space<vmem>> -> memref<80x128xf32, #tpu.memory_space<vmem>>
    tpu.wait_dma2 semaphore(%arg26 : memref<!tpu.dma_semaphore, #tpu.memory_space<semaphore_mem>>) src(%dma_wait3A_160 : memref<80x128xf32, #tpu.memory_space<vmem>>) dst(%dma_wait3A_157 : memref<80x128xf32, #tpu.memory_space<vmem_shared>>)
    %add3A_161 = arith.constant 240 : i32
    %add3A_162 = arith.addi %mul3A_21, %add3A_161 : i32
    %dma_wait3A_163 = arith.constant 0 : i32
    %dma_wait3A_164 = arith.constant 0 : i32
    %dma_wait3A_165 = tpu.memref_slice %arg12[%dma_wait3A_163, %dma_wait3A_164] : memref<100x128xf32, #tpu.memory_space<vmem>> -> memref<80x128xf32, #tpu.memory_space<vmem>>
    %dma_wait3A_166 = arith.constant 0 : i32
    %dma_wait3A_167 = tpu.memref_slice %arg18[%add3A_162, %dma_wait3A_166] : memref<10240x128xf32, #tpu.memory_space<vmem_shared>> -> memref<80x128xf32, #tpu.memory_space<vmem_shared>>
    %dma_wait3A_168 = arith.constant 0 : i32
    %dma_wait3A_169 = tpu.memref_slice %arg18[%add3A_162, %dma_wait3A_168] : memref<10240x128xf32, #tpu.memory_space<vmem_shared>> -> memref<80x128xf32, #tpu.memory_space<vmem_shared>>
    %dma_wait3A_170 = arith.constant 0 : i32
    %dma_wait3A_171 = arith.constant 0 : i32
    %dma_wait3A_172 = tpu.memref_slice %arg12[%dma_wait3A_170, %dma_wait3A_171] : memref<100x128xf32, #tpu.memory_space<vmem>> -> memref<80x128xf32, #tpu.memory_space<vmem>>
    tpu.wait_dma2 semaphore(%arg26 : memref<!tpu.dma_semaphore, #tpu.memory_space<semaphore_mem>>) src(%dma_wait3A_172 : memref<80x128xf32, #tpu.memory_space<vmem>>) dst(%dma_wait3A_169 : memref<80x128xf32, #tpu.memory_space<vmem_shared>>)
    %add3A_173 = arith.constant 320 : i32
    %add3A_174 = arith.addi %mul3A_21, %add3A_173 : i32
    %dma_wait3A_175 = arith.constant 0 : i32
    %dma_wait3A_176 = arith.constant 0 : i32
    %dma_wait3A_177 = tpu.memref_slice %arg12[%dma_wait3A_175, %dma_wait3A_176] : memref<100x128xf32, #tpu.memory_space<vmem>> -> memref<80x128xf32, #tpu.memory_space<vmem>>
    %dma_wait3A_178 = arith.constant 0 : i32
    %dma_wait3A_179 = tpu.memref_slice %arg18[%add3A_174, %dma_wait3A_178] : memref<10240x128xf32, #tpu.memory_space<vmem_shared>> -> memref<80x128xf32, #tpu.memory_space<vmem_shared>>
    %dma_wait3A_180 = arith.constant 0 : i32
    %dma_wait3A_181 = tpu.memref_slice %arg18[%add3A_174, %dma_wait3A_180] : memref<10240x128xf32, #tpu.memory_space<vmem_shared>> -> memref<80x128xf32, #tpu.memory_space<vmem_shared>>
    %dma_wait3A_182 = arith.constant 0 : i32
    %dma_wait3A_183 = arith.constant 0 : i32
    %dma_wait3A_184 = tpu.memref_slice %arg12[%dma_wait3A_182, %dma_wait3A_183] : memref<100x128xf32, #tpu.memory_space<vmem>> -> memref<80x128xf32, #tpu.memory_space<vmem>>
    tpu.wait_dma2 semaphore(%arg26 : memref<!tpu.dma_semaphore, #tpu.memory_space<semaphore_mem>>) src(%dma_wait3A_184 : memref<80x128xf32, #tpu.memory_space<vmem>>) dst(%dma_wait3A_181 : memref<80x128xf32, #tpu.memory_space<vmem_shared>>)
    %add3A_185 = arith.constant 400 : i32
    %add3A_186 = arith.addi %mul3A_21, %add3A_185 : i32
    %dma_wait3A_187 = arith.constant 0 : i32
    %dma_wait3A_188 = arith.constant 0 : i32
    %dma_wait3A_189 = tpu.memref_slice %arg12[%dma_wait3A_187, %dma_wait3A_188] : memref<100x128xf32, #tpu.memory_space<vmem>> -> memref<80x128xf32, #tpu.memory_space<vmem>>
    %dma_wait3A_190 = arith.constant 0 : i32
    %dma_wait3A_191 = tpu.memref_slice %arg18[%add3A_186, %dma_wait3A_190] : memref<10240x128xf32, #tpu.memory_space<vmem_shared>> -> memref<80x128xf32, #tpu.memory_space<vmem_shared>>
    %dma_wait3A_192 = arith.constant 0 : i32
    %dma_wait3A_193 = tpu.memref_slice %arg18[%add3A_186, %dma_wait3A_192] : memref<10240x128xf32, #tpu.memory_space<vmem_shared>> -> memref<80x128xf32, #tpu.memory_space<vmem_shared>>
    %dma_wait3A_194 = arith.constant 0 : i32
    %dma_wait3A_195 = arith.constant 0 : i32
    %dma_wait3A_196 = tpu.memref_slice %arg12[%dma_wait3A_194, %dma_wait3A_195] : memref<100x128xf32, #tpu.memory_space<vmem>> -> memref<80x128xf32, #tpu.memory_space<vmem>>
    tpu.wait_dma2 semaphore(%arg26 : memref<!tpu.dma_semaphore, #tpu.memory_space<semaphore_mem>>) src(%dma_wait3A_196 : memref<80x128xf32, #tpu.memory_space<vmem>>) dst(%dma_wait3A_193 : memref<80x128xf32, #tpu.memory_space<vmem_shared>>)
    %add3A_197 = arith.constant 480 : i32
    %add3A_198 = arith.addi %mul3A_21, %add3A_197 : i32
    %dma_wait3A_199 = arith.constant 0 : i32
    %dma_wait3A_200 = arith.constant 0 : i32
    %dma_wait3A_201 = tpu.memref_slice %arg12[%dma_wait3A_199, %dma_wait3A_200] : memref<100x128xf32, #tpu.memory_space<vmem>> -> memref<80x128xf32, #tpu.memory_space<vmem>>
    %dma_wait3A_202 = arith.constant 0 : i32
    %dma_wait3A_203 = tpu.memref_slice %arg18[%add3A_198, %dma_wait3A_202] : memref<10240x128xf32, #tpu.memory_space<vmem_shared>> -> memref<80x128xf32, #tpu.memory_space<vmem_shared>>
    %dma_wait3A_204 = arith.constant 0 : i32
    %dma_wait3A_205 = tpu.memref_slice %arg18[%add3A_198, %dma_wait3A_204] : memref<10240x128xf32, #tpu.memory_space<vmem_shared>> -> memref<80x128xf32, #tpu.memory_space<vmem_shared>>
    %dma_wait3A_206 = arith.constant 0 : i32
    %dma_wait3A_207 = arith.constant 0 : i32
    %dma_wait3A_208 = tpu.memref_slice %arg12[%dma_wait3A_206, %dma_wait3A_207] : memref<100x128xf32, #tpu.memory_space<vmem>> -> memref<80x128xf32, #tpu.memory_space<vmem>>
    tpu.wait_dma2 semaphore(%arg26 : memref<!tpu.dma_semaphore, #tpu.memory_space<semaphore_mem>>) src(%dma_wait3A_208 : memref<80x128xf32, #tpu.memory_space<vmem>>) dst(%dma_wait3A_205 : memref<80x128xf32, #tpu.memory_space<vmem_shared>>)
    %add3A_209 = arith.constant 560 : i32
    %add3A_210 = arith.addi %mul3A_21, %add3A_209 : i32
    %dma_wait3A_211 = arith.constant 0 : i32
    %dma_wait3A_212 = arith.constant 0 : i32
    %dma_wait3A_213 = tpu.memref_slice %arg12[%dma_wait3A_211, %dma_wait3A_212] : memref<100x128xf32, #tpu.memory_space<vmem>> -> memref<80x128xf32, #tpu.memory_space<vmem>>
    %dma_wait3A_214 = arith.constant 0 : i32
    %dma_wait3A_215 = tpu.memref_slice %arg18[%add3A_210, %dma_wait3A_214] : memref<10240x128xf32, #tpu.memory_space<vmem_shared>> -> memref<80x128xf32, #tpu.memory_space<vmem_shared>>
    %dma_wait3A_216 = arith.constant 0 : i32
    %dma_wait3A_217 = tpu.memref_slice %arg18[%add3A_210, %dma_wait3A_216] : memref<10240x128xf32, #tpu.memory_space<vmem_shared>> -> memref<80x128xf32, #tpu.memory_space<vmem_shared>>
    %dma_wait3A_218 = arith.constant 0 : i32
    %dma_wait3A_219 = arith.constant 0 : i32
    %dma_wait3A_220 = tpu.memref_slice %arg12[%dma_wait3A_218, %dma_wait3A_219] : memref<100x128xf32, #tpu.memory_space<vmem>> -> memref<80x128xf32, #tpu.memory_space<vmem>>
    tpu.wait_dma2 semaphore(%arg26 : memref<!tpu.dma_semaphore, #tpu.memory_space<semaphore_mem>>) src(%dma_wait3A_220 : memref<80x128xf32, #tpu.memory_space<vmem>>) dst(%dma_wait3A_217 : memref<80x128xf32, #tpu.memory_space<vmem_shared>>)
    %mul3A_221 = arith.constant 632 : i32
    %mul3A_222 = arith.muli %arg1, %mul3A_221 : i32
    %dma_wait3A_223 = arith.constant 0 : i32
    %dma_wait3A_224 = tpu.memref_slice %arg17[%dma_wait3A_223] : memref<640xf32, #tpu.memory_space<vmem>> -> memref<632xf32, #tpu.memory_space<vmem>>
    %dma_wait3A_225 = tpu.memref_slice %arg19[%mul3A_222] : memref<10112xf32, #tpu.memory_space<vmem_shared>> -> memref<632xf32, #tpu.memory_space<vmem_shared>>
    %dma_wait3A_226 = tpu.memref_slice %arg19[%mul3A_222] : memref<10112xf32, #tpu.memory_space<vmem_shared>> -> memref<632xf32, #tpu.memory_space<vmem_shared>>
    %dma_wait3A_227 = arith.constant 0 : i32
    %dma_wait3A_228 = tpu.memref_slice %arg17[%dma_wait3A_227] : memref<640xf32, #tpu.memory_space<vmem>> -> memref<632xf32, #tpu.memory_space<vmem>>
    tpu.wait_dma2 semaphore(%arg26 : memref<!tpu.dma_semaphore, #tpu.memory_space<semaphore_mem>>) src(%dma_wait3A_228 : memref<632xf32, #tpu.memory_space<vmem>>) dst(%dma_wait3A_226 : memref<632xf32, #tpu.memory_space<vmem_shared>>)
    tpu.wait_dma2 semaphore(%arg25 : memref<!tpu.dma_semaphore, #tpu.memory_space<semaphore_mem>>) src(%arg3 : memref<10000xf32, #tpu.memory_space<hbm>>) dst(%arg16 : memref<10000xf32, #tpu.memory_space<vmem>>)
    %barrier3A = arith.constant 0 : index
    tpu.barrier barrier_id(%barrier3A)
    %add3A_229 = arith.constant 0 : i32
    %add3A_230 = arith.addi %mul3A_2, %add3A_229 : i32
    %dma_wait3A_231 = arith.constant 0 : i32
    %dma_wait3A_232 = tpu.memref_slice %arg4[%add3A_230, %dma_wait3A_231] : memref<1602x100xi32, #tpu.memory_space<hbm>> -> memref<2x100xi32, #tpu.memory_space<hbm>>
    %dma_wait3A_233 = arith.constant 0 : i32
    %dma_wait3A_234 = tpu.memref_slice %arg4[%add3A_230, %dma_wait3A_233] : memref<1602x100xi32, #tpu.memory_space<hbm>> -> memref<2x100xi32, #tpu.memory_space<hbm>>
    tpu.wait_dma2 semaphore(%arg20 : memref<!tpu.dma_semaphore, #tpu.memory_space<semaphore_mem>>) src(%dma_wait3A_234 : memref<2x100xi32, #tpu.memory_space<hbm>>) dst(%arg8 : memref<2x100xi32, #tpu.memory_space<vmem>>)
    %dma_wait3A_235 = arith.constant 0 : i32
    %dma_wait3A_236 = tpu.memref_slice %arg5[%add3A_230, %dma_wait3A_235] : memref<1602x100xi32, #tpu.memory_space<hbm>> -> memref<2x100xi32, #tpu.memory_space<hbm>>
    %dma_wait3A_237 = arith.constant 0 : i32
    %dma_wait3A_238 = tpu.memref_slice %arg5[%add3A_230, %dma_wait3A_237] : memref<1602x100xi32, #tpu.memory_space<hbm>> -> memref<2x100xi32, #tpu.memory_space<hbm>>
    tpu.wait_dma2 semaphore(%arg22 : memref<!tpu.dma_semaphore, #tpu.memory_space<semaphore_mem>>) src(%dma_wait3A_238 : memref<2x100xi32, #tpu.memory_space<hbm>>) dst(%arg10 : memref<2x100xi32, #tpu.memory_space<vmem>>)
    %iota3A = tpu.iota {dimensions = array<i32: 0>} : vector<16xi32>
    %get3A = arith.constant 0 : i32
    %get3A_239 = arith.index_cast %get3A : i32 to index
    %get3A_240 = arith.constant 0 : index
    %get3A_241 = tpu.vector_load %arg8[%get3A_239, %get3A_240] {strides = array<i32>} : memref<2x100xi32, #tpu.memory_space<vmem>>, vector<16xi32>,
    %gather3A = tpu.vector_load_idx %arg16[%get3A_241] : memref<10000xf32, #tpu.memory_space<vmem>>[vector<16xi32>], vector<16xf32>,
    %swap3A = arith.constant 0 : i32
    %swap3A_242 = arith.index_cast %swap3A : i32 to index
    %swap3A_243 = arith.constant 0 : index
    %swap3A_244 = tpu.vector_load %arg14[%swap3A_242, %swap3A_243] {strides = array<i32>} : memref<2x100xf32, #tpu.memory_space<vmem>>, vector<16xf32>,
    tpu.vector_store %arg14[%swap3A_242, %swap3A_243], %gather3A {strides = array<i32>} : memref<2x100xf32, #tpu.memory_space<vmem>>, vector<16xf32>,
    %get3A_245 = arith.constant 0 : i32
    %get3A_246 = arith.index_cast %get3A_245 : i32 to index
    %get3A_247 = arith.constant 16 : index
    %get3A_248 = tpu.vector_load %arg8[%get3A_246, %get3A_247] {strides = array<i32>} : memref<2x100xi32, #tpu.memory_space<vmem>>, vector<16xi32>,
    %gather3A_249 = tpu.vector_load_idx %arg16[%get3A_248] : memref<10000xf32, #tpu.memory_space<vmem>>[vector<16xi32>], vector<16xf32>,
    %swap3A_250 = arith.constant 0 : i32
    %swap3A_251 = arith.index_cast %swap3A_250 : i32 to index
    %swap3A_252 = arith.constant 16 : index
    %swap3A_253 = tpu.vector_load %arg14[%swap3A_251, %swap3A_252] {strides = array<i32>} : memref<2x100xf32, #tpu.memory_space<vmem>>, vector<16xf32>,
    tpu.vector_store %arg14[%swap3A_251, %swap3A_252], %gather3A_249 {strides = array<i32>} : memref<2x100xf32, #tpu.memory_space<vmem>>, vector<16xf32>,
    %get3A_254 = arith.constant 0 : i32
    %get3A_255 = arith.index_cast %get3A_254 : i32 to index
    %get3A_256 = arith.constant 32 : index
    %get3A_257 = tpu.vector_load %arg8[%get3A_255, %get3A_256] {strides = array<i32>} : memref<2x100xi32, #tpu.memory_space<vmem>>, vector<16xi32>,
    %gather3A_258 = tpu.vector_load_idx %arg16[%get3A_257] : memref<10000xf32, #tpu.memory_space<vmem>>[vector<16xi32>], vector<16xf32>,
    %swap3A_259 = arith.constant 0 : i32
    %swap3A_260 = arith.index_cast %swap3A_259 : i32 to index
    %swap3A_261 = arith.constant 32 : index
    %swap3A_262 = tpu.vector_load %arg14[%swap3A_260, %swap3A_261] {strides = array<i32>} : memref<2x100xf32, #tpu.memory_space<vmem>>, vector<16xf32>,
    tpu.vector_store %arg14[%swap3A_260, %swap3A_261], %gather3A_258 {strides = array<i32>} : memref<2x100xf32, #tpu.memory_space<vmem>>, vector<16xf32>,
    %get3A_263 = arith.constant 0 : i32
    %get3A_264 = arith.index_cast %get3A_263 : i32 to index
    %get3A_265 = arith.constant 48 : index
    %get3A_266 = tpu.vector_load %arg8[%get3A_264, %get3A_265] {strides = array<i32>} : memref<2x100xi32, #tpu.memory_space<vmem>>, vector<16xi32>,
    %gather3A_267 = tpu.vector_load_idx %arg16[%get3A_266] : memref<10000xf32, #tpu.memory_space<vmem>>[vector<16xi32>], vector<16xf32>,
    %swap3A_268 = arith.constant 0 : i32
    %swap3A_269 = arith.index_cast %swap3A_268 : i32 to index
    %swap3A_270 = arith.constant 48 : index
    %swap3A_271 = tpu.vector_load %arg14[%swap3A_269, %swap3A_270] {strides = array<i32>} : memref<2x100xf32, #tpu.memory_space<vmem>>, vector<16xf32>,
    tpu.vector_store %arg14[%swap3A_269, %swap3A_270], %gather3A_267 {strides = array<i32>} : memref<2x100xf32, #tpu.memory_space<vmem>>, vector<16xf32>,
    %get3A_272 = arith.constant 0 : i32
    %get3A_273 = arith.index_cast %get3A_272 : i32 to index
    %get3A_274 = arith.constant 64 : index
    %get3A_275 = tpu.vector_load %arg8[%get3A_273, %get3A_274] {strides = array<i32>} : memref<2x100xi32, #tpu.memory_space<vmem>>, vector<16xi32>,
    %gather3A_276 = tpu.vector_load_idx %arg16[%get3A_275] : memref<10000xf32, #tpu.memory_space<vmem>>[vector<16xi32>], vector<16xf32>,
    %swap3A_277 = arith.constant 0 : i32
    %swap3A_278 = arith.index_cast %swap3A_277 : i32 to index
    %swap3A_279 = arith.constant 64 : index
    %swap3A_280 = tpu.vector_load %arg14[%swap3A_278, %swap3A_279] {strides = array<i32>} : memref<2x100xf32, #tpu.memory_space<vmem>>, vector<16xf32>,
    tpu.vector_store %arg14[%swap3A_278, %swap3A_279], %gather3A_276 {strides = array<i32>} : memref<2x100xf32, #tpu.memory_space<vmem>>, vector<16xf32>,
    %get3A_281 = arith.constant 0 : i32
    %get3A_282 = arith.index_cast %get3A_281 : i32 to index
    %get3A_283 = arith.constant 80 : index
    %get3A_284 = tpu.vector_load %arg8[%get3A_282, %get3A_283] {strides = array<i32>} : memref<2x100xi32, #tpu.memory_space<vmem>>, vector<16xi32>,
    %gather3A_285 = tpu.vector_load_idx %arg16[%get3A_284] : memref<10000xf32, #tpu.memory_space<vmem>>[vector<16xi32>], vector<16xf32>,
    %swap3A_286 = arith.constant 0 : i32
    %swap3A_287 = arith.index_cast %swap3A_286 : i32 to index
    %swap3A_288 = arith.constant 80 : index
    %swap3A_289 = tpu.vector_load %arg14[%swap3A_287, %swap3A_288] {strides = array<i32>} : memref<2x100xf32, #tpu.memory_space<vmem>>, vector<16xf32>,
    tpu.vector_store %arg14[%swap3A_287, %swap3A_288], %gather3A_285 {strides = array<i32>} : memref<2x100xf32, #tpu.memory_space<vmem>>, vector<16xf32>,
    %get3A_290 = arith.constant 0 : i32
    %get3A_291 = arith.index_cast %get3A_290 : i32 to index
    %get3A_292 = arith.constant 84 : index
    %get3A_293 = tpu.vector_load %arg8[%get3A_291, %get3A_292] {strides = array<i32>} : memref<2x100xi32, #tpu.memory_space<vmem>>, vector<16xi32>,
    %gather3A_294 = tpu.vector_load_idx %arg16[%get3A_293] : memref<10000xf32, #tpu.memory_space<vmem>>[vector<16xi32>], vector<16xf32>,
    %ge3A = arith.constant 12 : i32
    %ge3A_295 = vector.broadcast %ge3A : i32 to vector<16xi32>
    %ge3A_296 = arith.cmpi sge, %iota3A, %ge3A_295 : vector<16xi32>
    %get3A_297 = arith.constant 0 : i32
    %get3A_298 = arith.index_cast %get3A_297 : i32 to index
    %get3A_299 = arith.constant 84 : index
    %get3A_300 = tpu.vector_load %arg14[%get3A_298, %get3A_299] {strides = array<i32>} : memref<2x100xf32, #tpu.memory_space<vmem>>, vector<16xf32>,
    %select_n3A = arith.select %ge3A_296, %gather3A_294, %get3A_300 : vector<16xi1>, vector<16xf32>
    %swap3A_301 = arith.constant 0 : i32
    %swap3A_302 = arith.index_cast %swap3A_301 : i32 to index
    %swap3A_303 = arith.constant 84 : index
    %swap3A_304 = tpu.vector_load %arg14[%swap3A_302, %swap3A_303] {strides = array<i32>} : memref<2x100xf32, #tpu.memory_space<vmem>>, vector<16xf32>,
    tpu.vector_store %arg14[%swap3A_302, %swap3A_303], %select_n3A {strides = array<i32>} : memref<2x100xf32, #tpu.memory_space<vmem>>, vector<16xf32>,
    %get3A_305 = arith.constant 0 : i32
    %get3A_306 = arith.index_cast %get3A_305 : i32 to index
    %get3A_307 = arith.constant 0 : index
    %get3A_308 = tpu.vector_load %arg8[%get3A_306, %get3A_307] {strides = array<i32>} : memref<2x100xi32, #tpu.memory_space<vmem>>, vector<16xi32>,
    %add3A_309 = vector.broadcast %mul3A_0 : i32 to vector<16xi32>
    %add3A_310 = arith.addi %get3A_308, %add3A_309 : vector<16xi32>
    %swap3A_311 = arith.constant 0 : i32
    %swap3A_312 = arith.index_cast %swap3A_311 : i32 to index
    %swap3A_313 = arith.constant 0 : index
    %swap3A_314 = tpu.vector_load %arg8[%swap3A_312, %swap3A_313] {strides = array<i32>} : memref<2x100xi32, #tpu.memory_space<vmem>>, vector<16xi32>,
    tpu.vector_store %arg8[%swap3A_312, %swap3A_313], %add3A_310 {strides = array<i32>} : memref<2x100xi32, #tpu.memory_space<vmem>>, vector<16xi32>,
    %get3A_315 = arith.constant 0 : i32
    %get3A_316 = arith.index_cast %get3A_315 : i32 to index
    %get3A_317 = arith.constant 16 : index
    %get3A_318 = tpu.vector_load %arg8[%get3A_316, %get3A_317] {strides = array<i32>} : memref<2x100xi32, #tpu.memory_space<vmem>>, vector<16xi32>,
    %add3A_319 = vector.broadcast %mul3A_0 : i32 to vector<16xi32>
    %add3A_320 = arith.addi %get3A_318, %add3A_319 : vector<16xi32>
    %swap3A_321 = arith.constant 0 : i32
    %swap3A_322 = arith.index_cast %swap3A_321 : i32 to index
    %swap3A_323 = arith.constant 16 : index
    %swap3A_324 = tpu.vector_load %arg8[%swap3A_322, %swap3A_323] {strides = array<i32>} : memref<2x100xi32, #tpu.memory_space<vmem>>, vector<16xi32>,
    tpu.vector_store %arg8[%swap3A_322, %swap3A_323], %add3A_320 {strides = array<i32>} : memref<2x100xi32, #tpu.memory_space<vmem>>, vector<16xi32>,
    %get3A_325 = arith.constant 0 : i32
    %get3A_326 = arith.index_cast %get3A_325 : i32 to index
    %get3A_327 = arith.constant 32 : index
    %get3A_328 = tpu.vector_load %arg8[%get3A_326, %get3A_327] {strides = array<i32>} : memref<2x100xi32, #tpu.memory_space<vmem>>, vector<16xi32>,
    %add3A_329 = vector.broadcast %mul3A_0 : i32 to vector<16xi32>
    %add3A_330 = arith.addi %get3A_328, %add3A_329 : vector<16xi32>
    %swap3A_331 = arith.constant 0 : i32
    %swap3A_332 = arith.index_cast %swap3A_331 : i32 to index
    %swap3A_333 = arith.constant 32 : index
    %swap3A_334 = tpu.vector_load %arg8[%swap3A_332, %swap3A_333] {strides = array<i32>} : memref<2x100xi32, #tpu.memory_space<vmem>>, vector<16xi32>,
    tpu.vector_store %arg8[%swap3A_332, %swap3A_333], %add3A_330 {strides = array<i32>} : memref<2x100xi32, #tpu.memory_space<vmem>>, vector<16xi32>,
    %get3A_335 = arith.constant 0 : i32
    %get3A_336 = arith.index_cast %get3A_335 : i32 to index
    %get3A_337 = arith.constant 48 : index
    %get3A_338 = tpu.vector_load %arg8[%get3A_336, %get3A_337] {strides = array<i32>} : memref<2x100xi32, #tpu.memory_space<vmem>>, vector<16xi32>,
    %add3A_339 = vector.broadcast %mul3A_0 : i32 to vector<16xi32>
    %add3A_340 = arith.addi %get3A_338, %add3A_339 : vector<16xi32>
    %swap3A_341 = arith.constant 0 : i32
    %swap3A_342 = arith.index_cast %swap3A_341 : i32 to index
    %swap3A_343 = arith.constant 48 : index
    %swap3A_344 = tpu.vector_load %arg8[%swap3A_342, %swap3A_343] {strides = array<i32>} : memref<2x100xi32, #tpu.memory_space<vmem>>, vector<16xi32>,
    tpu.vector_store %arg8[%swap3A_342, %swap3A_343], %add3A_340 {strides = array<i32>} : memref<2x100xi32, #tpu.memory_space<vmem>>, vector<16xi32>,
    %get3A_345 = arith.constant 0 : i32
    %get3A_346 = arith.index_cast %get3A_345 : i32 to index
    %get3A_347 = arith.constant 64 : index
    %get3A_348 = tpu.vector_load %arg8[%get3A_346, %get3A_347] {strides = array<i32>} : memref<2x100xi32, #tpu.memory_space<vmem>>, vector<16xi32>,
    %add3A_349 = vector.broadcast %mul3A_0 : i32 to vector<16xi32>
    %add3A_350 = arith.addi %get3A_348, %add3A_349 : vector<16xi32>
    %swap3A_351 = arith.constant 0 : i32
    %swap3A_352 = arith.index_cast %swap3A_351 : i32 to index
    %swap3A_353 = arith.constant 64 : index
    %swap3A_354 = tpu.vector_load %arg8[%swap3A_352, %swap3A_353] {strides = array<i32>} : memref<2x100xi32, #tpu.memory_space<vmem>>, vector<16xi32>,
    tpu.vector_store %arg8[%swap3A_352, %swap3A_353], %add3A_350 {strides = array<i32>} : memref<2x100xi32, #tpu.memory_space<vmem>>, vector<16xi32>,
    %get3A_355 = arith.constant 0 : i32
    %get3A_356 = arith.index_cast %get3A_355 : i32 to index
    %get3A_357 = arith.constant 80 : index
    %get3A_358 = tpu.vector_load %arg8[%get3A_356, %get3A_357] {strides = array<i32>} : memref<2x100xi32, #tpu.memory_space<vmem>>, vector<16xi32>,
    %add3A_359 = vector.broadcast %mul3A_0 : i32 to vector<16xi32>
    %add3A_360 = arith.addi %get3A_358, %add3A_359 : vector<16xi32>
    %swap3A_361 = arith.constant 0 : i32
    %swap3A_362 = arith.index_cast %swap3A_361 : i32 to index
    %swap3A_363 = arith.constant 80 : index
    %swap3A_364 = tpu.vector_load %arg8[%swap3A_362, %swap3A_363] {strides = array<i32>} : memref<2x100xi32, #tpu.memory_space<vmem>>, vector<16xi32>,
    tpu.vector_store %arg8[%swap3A_362, %swap3A_363], %add3A_360 {strides = array<i32>} : memref<2x100xi32, #tpu.memory_space<vmem>>, vector<16xi32>,
    %get3A_365 = arith.constant 0 : i32
    %get3A_366 = arith.index_cast %get3A_365 : i32 to index
    %get3A_367 = arith.constant 84 : index
    %get3A_368 = tpu.vector_load %arg8[%get3A_366, %get3A_367] {strides = array<i32>} : memref<2x100xi32, #tpu.memory_space<vmem>>, vector<16xi32>,
    %ge3A_369 = arith.constant 12 : i32
    %ge3A_370 = vector.broadcast %ge3A_369 : i32 to vector<16xi32>
    %ge3A_371 = arith.cmpi sge, %iota3A, %ge3A_370 : vector<16xi32>
    %jit3A = arith.constant 0 : i32
    %broadcast_in_dim3A = vector.broadcast %mul3A_0 : i32 to vector<16xi32>
    %broadcast_in_dim3A_372 = vector.broadcast %jit3A : i32 to vector<16xi32>
    %select_n3A_373 = arith.select %ge3A_371, %broadcast_in_dim3A, %broadcast_in_dim3A_372 : vector<16xi1>, vector<16xi32>
    %add3A_374 = arith.addi %get3A_368, %select_n3A_373 : vector<16xi32>
    %swap3A_375 = arith.constant 0 : i32
    %swap3A_376 = arith.index_cast %swap3A_375 : i32 to index
    %swap3A_377 = arith.constant 84 : index
    %swap3A_378 = tpu.vector_load %arg8[%swap3A_376, %swap3A_377] {strides = array<i32>} : memref<2x100xi32, #tpu.memory_space<vmem>>, vector<16xi32>,
    tpu.vector_store %arg8[%swap3A_376, %swap3A_377], %add3A_374 {strides = array<i32>} : memref<2x100xi32, #tpu.memory_space<vmem>>, vector<16xi32>,
    %get3A_379 = arith.constant 1 : i32
    %get3A_380 = arith.index_cast %get3A_379 : i32 to index
    %get3A_381 = arith.constant 0 : index
    %get3A_382 = tpu.vector_load %arg8[%get3A_380, %get3A_381] {strides = array<i32>} : memref<2x100xi32, #tpu.memory_space<vmem>>, vector<16xi32>,
    %gather3A_383 = tpu.vector_load_idx %arg16[%get3A_382] : memref<10000xf32, #tpu.memory_space<vmem>>[vector<16xi32>], vector<16xf32>,
    %swap3A_384 = arith.constant 1 : i32
    %swap3A_385 = arith.index_cast %swap3A_384 : i32 to index
    %swap3A_386 = arith.constant 0 : index
    %swap3A_387 = tpu.vector_load %arg14[%swap3A_385, %swap3A_386] {strides = array<i32>} : memref<2x100xf32, #tpu.memory_space<vmem>>, vector<16xf32>,
    tpu.vector_store %arg14[%swap3A_385, %swap3A_386], %gather3A_383 {strides = array<i32>} : memref<2x100xf32, #tpu.memory_space<vmem>>, vector<16xf32>,
    %get3A_388 = arith.constant 1 : i32
    %get3A_389 = arith.index_cast %get3A_388 : i32 to index
    %get3A_390 = arith.constant 16 : index
    %get3A_391 = tpu.vector_load %arg8[%get3A_389, %get3A_390] {strides = array<i32>} : memref<2x100xi32, #tpu.memory_space<vmem>>, vector<16xi32>,
    %gather3A_392 = tpu.vector_load_idx %arg16[%get3A_391] : memref<10000xf32, #tpu.memory_space<vmem>>[vector<16xi32>], vector<16xf32>,
    %swap3A_393 = arith.constant 1 : i32
    %swap3A_394 = arith.index_cast %swap3A_393 : i32 to index
    %swap3A_395 = arith.constant 16 : index
    %swap3A_396 = tpu.vector_load %arg14[%swap3A_394, %swap3A_395] {strides = array<i32>} : memref<2x100xf32, #tpu.memory_space<vmem>>, vector<16xf32>,
    tpu.vector_store %arg14[%swap3A_394, %swap3A_395], %gather3A_392 {strides = array<i32>} : memref<2x100xf32, #tpu.memory_space<vmem>>, vector<16xf32>,
    %get3A_397 = arith.constant 1 : i32
    %get3A_398 = arith.index_cast %get3A_397 : i32 to index
    %get3A_399 = arith.constant 32 : index
    %get3A_400 = tpu.vector_load %arg8[%get3A_398, %get3A_399] {strides = array<i32>} : memref<2x100xi32, #tpu.memory_space<vmem>>, vector<16xi32>,
    %gather3A_401 = tpu.vector_load_idx %arg16[%get3A_400] : memref<10000xf32, #tpu.memory_space<vmem>>[vector<16xi32>], vector<16xf32>,
    %swap3A_402 = arith.constant 1 : i32
    %swap3A_403 = arith.index_cast %swap3A_402 : i32 to index
    %swap3A_404 = arith.constant 32 : index
    %swap3A_405 = tpu.vector_load %arg14[%swap3A_403, %swap3A_404] {strides = array<i32>} : memref<2x100xf32, #tpu.memory_space<vmem>>, vector<16xf32>,
    tpu.vector_store %arg14[%swap3A_403, %swap3A_404], %gather3A_401 {strides = array<i32>} : memref<2x100xf32, #tpu.memory_space<vmem>>, vector<16xf32>,
    %get3A_406 = arith.constant 1 : i32
    %get3A_407 = arith.index_cast %get3A_406 : i32 to index
    %get3A_408 = arith.constant 48 : index
    %get3A_409 = tpu.vector_load %arg8[%get3A_407, %get3A_408] {strides = array<i32>} : memref<2x100xi32, #tpu.memory_space<vmem>>, vector<16xi32>,
    %gather3A_410 = tpu.vector_load_idx %arg16[%get3A_409] : memref<10000xf32, #tpu.memory_space<vmem>>[vector<16xi32>], vector<16xf32>,
    %swap3A_411 = arith.constant 1 : i32
    %swap3A_412 = arith.index_cast %swap3A_411 : i32 to index
    %swap3A_413 = arith.constant 48 : index
    %swap3A_414 = tpu.vector_load %arg14[%swap3A_412, %swap3A_413] {strides = array<i32>} : memref<2x100xf32, #tpu.memory_space<vmem>>, vector<16xf32>,
    tpu.vector_store %arg14[%swap3A_412, %swap3A_413], %gather3A_410 {strides = array<i32>} : memref<2x100xf32, #tpu.memory_space<vmem>>, vector<16xf32>,
    %get3A_415 = arith.constant 1 : i32
    %get3A_416 = arith.index_cast %get3A_415 : i32 to index
    %get3A_417 = arith.constant 64 : index
    %get3A_418 = tpu.vector_load %arg8[%get3A_416, %get3A_417] {strides = array<i32>} : memref<2x100xi32, #tpu.memory_space<vmem>>, vector<16xi32>,
    %gather3A_419 = tpu.vector_load_idx %arg16[%get3A_418] : memref<10000xf32, #tpu.memory_space<vmem>>[vector<16xi32>], vector<16xf32>,
    %swap3A_420 = arith.constant 1 : i32
    %swap3A_421 = arith.index_cast %swap3A_420 : i32 to index
    %swap3A_422 = arith.constant 64 : index
    %swap3A_423 = tpu.vector_load %arg14[%swap3A_421, %swap3A_422] {strides = array<i32>} : memref<2x100xf32, #tpu.memory_space<vmem>>, vector<16xf32>,
    tpu.vector_store %arg14[%swap3A_421, %swap3A_422], %gather3A_419 {strides = array<i32>} : memref<2x100xf32, #tpu.memory_space<vmem>>, vector<16xf32>,
    %get3A_424 = arith.constant 1 : i32
    %get3A_425 = arith.index_cast %get3A_424 : i32 to index
    %get3A_426 = arith.constant 80 : index
    %get3A_427 = tpu.vector_load %arg8[%get3A_425, %get3A_426] {strides = array<i32>} : memref<2x100xi32, #tpu.memory_space<vmem>>, vector<16xi32>,
    %gather3A_428 = tpu.vector_load_idx %arg16[%get3A_427] : memref<10000xf32, #tpu.memory_space<vmem>>[vector<16xi32>], vector<16xf32>,
    %swap3A_429 = arith.constant 1 : i32
    %swap3A_430 = arith.index_cast %swap3A_429 : i32 to index
    %swap3A_431 = arith.constant 80 : index
    %swap3A_432 = tpu.vector_load %arg14[%swap3A_430, %swap3A_431] {strides = array<i32>} : memref<2x100xf32, #tpu.memory_space<vmem>>, vector<16xf32>,
    tpu.vector_store %arg14[%swap3A_430, %swap3A_431], %gather3A_428 {strides = array<i32>} : memref<2x100xf32, #tpu.memory_space<vmem>>, vector<16xf32>,
    %get3A_433 = arith.constant 1 : i32
    %get3A_434 = arith.index_cast %get3A_433 : i32 to index
    %get3A_435 = arith.constant 84 : index
    %get3A_436 = tpu.vector_load %arg8[%get3A_434, %get3A_435] {strides = array<i32>} : memref<2x100xi32, #tpu.memory_space<vmem>>, vector<16xi32>,
    %gather3A_437 = tpu.vector_load_idx %arg16[%get3A_436] : memref<10000xf32, #tpu.memory_space<vmem>>[vector<16xi32>], vector<16xf32>,
    %ge3A_438 = arith.constant 12 : i32
    %ge3A_439 = vector.broadcast %ge3A_438 : i32 to vector<16xi32>
    %ge3A_440 = arith.cmpi sge, %iota3A, %ge3A_439 : vector<16xi32>
    %get3A_441 = arith.constant 1 : i32
    %get3A_442 = arith.index_cast %get3A_441 : i32 to index
    %get3A_443 = arith.constant 84 : index
    %get3A_444 = tpu.vector_load %arg14[%get3A_442, %get3A_443] {strides = array<i32>} : memref<2x100xf32, #tpu.memory_space<vmem>>, vector<16xf32>,
    %select_n3A_445 = arith.select %ge3A_440, %gather3A_437, %get3A_444 : vector<16xi1>, vector<16xf32>
    %swap3A_446 = arith.constant 1 : i32
    %swap3A_447 = arith.index_cast %swap3A_446 : i32 to index
    %swap3A_448 = arith.constant 84 : index
    %swap3A_449 = tpu.vector_load %arg14[%swap3A_447, %swap3A_448] {strides = array<i32>} : memref<2x100xf32, #tpu.memory_space<vmem>>, vector<16xf32>,
    tpu.vector_store %arg14[%swap3A_447, %swap3A_448], %select_n3A_445 {strides = array<i32>} : memref<2x100xf32, #tpu.memory_space<vmem>>, vector<16xf32>,
    %get3A_450 = arith.constant 1 : i32
    %get3A_451 = arith.index_cast %get3A_450 : i32 to index
    %get3A_452 = arith.constant 0 : index
    %get3A_453 = tpu.vector_load %arg8[%get3A_451, %get3A_452] {strides = array<i32>} : memref<2x100xi32, #tpu.memory_space<vmem>>, vector<16xi32>,
    %add3A_454 = vector.broadcast %mul3A_0 : i32 to vector<16xi32>
    %add3A_455 = arith.addi %get3A_453, %add3A_454 : vector<16xi32>
    %swap3A_456 = arith.constant 1 : i32
    %swap3A_457 = arith.index_cast %swap3A_456 : i32 to index
    %swap3A_458 = arith.constant 0 : index
    %swap3A_459 = tpu.vector_load %arg8[%swap3A_457, %swap3A_458] {strides = array<i32>} : memref<2x100xi32, #tpu.memory_space<vmem>>, vector<16xi32>,
    tpu.vector_store %arg8[%swap3A_457, %swap3A_458], %add3A_455 {strides = array<i32>} : memref<2x100xi32, #tpu.memory_space<vmem>>, vector<16xi32>,
    %get3A_460 = arith.constant 1 : i32
    %get3A_461 = arith.index_cast %get3A_460 : i32 to index
    %get3A_462 = arith.constant 16 : index
    %get3A_463 = tpu.vector_load %arg8[%get3A_461, %get3A_462] {strides = array<i32>} : memref<2x100xi32, #tpu.memory_space<vmem>>, vector<16xi32>,
    %add3A_464 = vector.broadcast %mul3A_0 : i32 to vector<16xi32>
    %add3A_465 = arith.addi %get3A_463, %add3A_464 : vector<16xi32>
    %swap3A_466 = arith.constant 1 : i32
    %swap3A_467 = arith.index_cast %swap3A_466 : i32 to index
    %swap3A_468 = arith.constant 16 : index
    %swap3A_469 = tpu.vector_load %arg8[%swap3A_467, %swap3A_468] {strides = array<i32>} : memref<2x100xi32, #tpu.memory_space<vmem>>, vector<16xi32>,
    tpu.vector_store %arg8[%swap3A_467, %swap3A_468], %add3A_465 {strides = array<i32>} : memref<2x100xi32, #tpu.memory_space<vmem>>, vector<16xi32>,
    %get3A_470 = arith.constant 1 : i32
    %get3A_471 = arith.index_cast %get3A_470 : i32 to index
    %get3A_472 = arith.constant 32 : index
    %get3A_473 = tpu.vector_load %arg8[%get3A_471, %get3A_472] {strides = array<i32>} : memref<2x100xi32, #tpu.memory_space<vmem>>, vector<16xi32>,
    %add3A_474 = vector.broadcast %mul3A_0 : i32 to vector<16xi32>
    %add3A_475 = arith.addi %get3A_473, %add3A_474 : vector<16xi32>
    %swap3A_476 = arith.constant 1 : i32
    %swap3A_477 = arith.index_cast %swap3A_476 : i32 to index
    %swap3A_478 = arith.constant 32 : index
    %swap3A_479 = tpu.vector_load %arg8[%swap3A_477, %swap3A_478] {strides = array<i32>} : memref<2x100xi32, #tpu.memory_space<vmem>>, vector<16xi32>,
    tpu.vector_store %arg8[%swap3A_477, %swap3A_478], %add3A_475 {strides = array<i32>} : memref<2x100xi32, #tpu.memory_space<vmem>>, vector<16xi32>,
    %get3A_480 = arith.constant 1 : i32
    %get3A_481 = arith.index_cast %get3A_480 : i32 to index
    %get3A_482 = arith.constant 48 : index
    %get3A_483 = tpu.vector_load %arg8[%get3A_481, %get3A_482] {strides = array<i32>} : memref<2x100xi32, #tpu.memory_space<vmem>>, vector<16xi32>,
    %add3A_484 = vector.broadcast %mul3A_0 : i32 to vector<16xi32>
    %add3A_485 = arith.addi %get3A_483, %add3A_484 : vector<16xi32>
    %swap3A_486 = arith.constant 1 : i32
    %swap3A_487 = arith.index_cast %swap3A_486 : i32 to index
    %swap3A_488 = arith.constant 48 : index
    %swap3A_489 = tpu.vector_load %arg8[%swap3A_487, %swap3A_488] {strides = array<i32>} : memref<2x100xi32, #tpu.memory_space<vmem>>, vector<16xi32>,
    tpu.vector_store %arg8[%swap3A_487, %swap3A_488], %add3A_485 {strides = array<i32>} : memref<2x100xi32, #tpu.memory_space<vmem>>, vector<16xi32>,
    %get3A_490 = arith.constant 1 : i32
    %get3A_491 = arith.index_cast %get3A_490 : i32 to index
    %get3A_492 = arith.constant 64 : index
    %get3A_493 = tpu.vector_load %arg8[%get3A_491, %get3A_492] {strides = array<i32>} : memref<2x100xi32, #tpu.memory_space<vmem>>, vector<16xi32>,
    %add3A_494 = vector.broadcast %mul3A_0 : i32 to vector<16xi32>
    %add3A_495 = arith.addi %get3A_493, %add3A_494 : vector<16xi32>
    %swap3A_496 = arith.constant 1 : i32
    %swap3A_497 = arith.index_cast %swap3A_496 : i32 to index
    %swap3A_498 = arith.constant 64 : index
    %swap3A_499 = tpu.vector_load %arg8[%swap3A_497, %swap3A_498] {strides = array<i32>} : memref<2x100xi32, #tpu.memory_space<vmem>>, vector<16xi32>,
    tpu.vector_store %arg8[%swap3A_497, %swap3A_498], %add3A_495 {strides = array<i32>} : memref<2x100xi32, #tpu.memory_space<vmem>>, vector<16xi32>,
    %get3A_500 = arith.constant 1 : i32
    %get3A_501 = arith.index_cast %get3A_500 : i32 to index
    %get3A_502 = arith.constant 80 : index
    %get3A_503 = tpu.vector_load %arg8[%get3A_501, %get3A_502] {strides = array<i32>} : memref<2x100xi32, #tpu.memory_space<vmem>>, vector<16xi32>,
    %add3A_504 = vector.broadcast %mul3A_0 : i32 to vector<16xi32>
    %add3A_505 = arith.addi %get3A_503, %add3A_504 : vector<16xi32>
    %swap3A_506 = arith.constant 1 : i32
    %swap3A_507 = arith.index_cast %swap3A_506 : i32 to index
    %swap3A_508 = arith.constant 80 : index
    %swap3A_509 = tpu.vector_load %arg8[%swap3A_507, %swap3A_508] {strides = array<i32>} : memref<2x100xi32, #tpu.memory_space<vmem>>, vector<16xi32>,
    tpu.vector_store %arg8[%swap3A_507, %swap3A_508], %add3A_505 {strides = array<i32>} : memref<2x100xi32, #tpu.memory_space<vmem>>, vector<16xi32>,
    %get3A_510 = arith.constant 1 : i32
    %get3A_511 = arith.index_cast %get3A_510 : i32 to index
    %get3A_512 = arith.constant 84 : index
    %get3A_513 = tpu.vector_load %arg8[%get3A_511, %get3A_512] {strides = array<i32>} : memref<2x100xi32, #tpu.memory_space<vmem>>, vector<16xi32>,
    %ge3A_514 = arith.constant 12 : i32
    %ge3A_515 = vector.broadcast %ge3A_514 : i32 to vector<16xi32>
    %ge3A_516 = arith.cmpi sge, %iota3A, %ge3A_515 : vector<16xi32>
    %jit3A_517 = arith.constant 0 : i32
    %broadcast_in_dim3A_518 = vector.broadcast %mul3A_0 : i32 to vector<16xi32>
    %broadcast_in_dim3A_519 = vector.broadcast %jit3A_517 : i32 to vector<16xi32>
    %select_n3A_520 = arith.select %ge3A_516, %broadcast_in_dim3A_518, %broadcast_in_dim3A_519 : vector<16xi1>, vector<16xi32>
    %add3A_521 = arith.addi %get3A_513, %select_n3A_520 : vector<16xi32>
    %swap3A_522 = arith.constant 1 : i32
    %swap3A_523 = arith.index_cast %swap3A_522 : i32 to index
    %swap3A_524 = arith.constant 84 : index
    %swap3A_525 = tpu.vector_load %arg8[%swap3A_523, %swap3A_524] {strides = array<i32>} : memref<2x100xi32, #tpu.memory_space<vmem>>, vector<16xi32>,
    tpu.vector_store %arg8[%swap3A_523, %swap3A_524], %add3A_521 {strides = array<i32>} : memref<2x100xi32, #tpu.memory_space<vmem>>, vector<16xi32>,
    %dma_start3A_526 = arith.constant 0 : i32
    %dma_start3A_527 = arith.constant 0 : i32
    %dma_start3A_528 = arith.constant 0 : i32
    %dma_start3A_529 = tpu.memref_slice %arg14[%dma_start3A_526, %dma_start3A_528] : memref<2x100xf32, #tpu.memory_space<vmem>> -> memref<1x100xf32, #tpu.memory_space<vmem>>
    %dma_start3A_530 = tpu.memref_squeeze %dma_start3A_529 : memref<1x100xf32, #tpu.memory_space<vmem>> -> memref<100xf32, #tpu.memory_space<vmem>>
    %dma_start3A_531 = arith.constant 0 : i32
    %dma_start3A_532 = tpu.memref_slice %arg10[%dma_start3A_527, %dma_start3A_531] : memref<2x100xi32, #tpu.memory_space<vmem>> -> memref<1x100xi32, #tpu.memory_space<vmem>>
    %dma_start3A_533 = tpu.memref_squeeze %dma_start3A_532 : memref<1x100xi32, #tpu.memory_space<vmem>> -> memref<100xi32, #tpu.memory_space<vmem>>
    %dma_start3A_534 = arith.constant 0 : i32
    %dma_start3A_535 = tpu.memref_slice %arg19[%dma_start3A_534] : memref<10112xf32, #tpu.memory_space<vmem_shared>> -> memref<10112xf32, #tpu.memory_space<vmem_shared>>
    tpu.enqueue_indirect_dma source(%dma_start3A_530 : memref<100xf32, #tpu.memory_space<vmem>>) target(%dma_start3A_535 : memref<10112xf32, #tpu.memory_space<vmem_shared>>) offsets(%dma_start3A_533 : memref<100xi32, #tpu.memory_space<vmem>>) semaphore(%arg28 : memref<!tpu.dma_semaphore, #tpu.memory_space<semaphore_mem>>) {add = true}
    %dma_start3A_536 = arith.constant 1 : i32
    %dma_start3A_537 = arith.constant 1 : i32
    %dma_start3A_538 = arith.constant 0 : i32
    %dma_start3A_539 = tpu.memref_slice %arg14[%dma_start3A_536, %dma_start3A_538] : memref<2x100xf32, #tpu.memory_space<vmem>> -> memref<1x100xf32, #tpu.memory_space<vmem>>
    %dma_start3A_540 = tpu.memref_squeeze %dma_start3A_539 : memref<1x100xf32, #tpu.memory_space<vmem>> -> memref<100xf32, #tpu.memory_space<vmem>>
    %dma_start3A_541 = arith.constant 0 : i32
    %dma_start3A_542 = tpu.memref_slice %arg10[%dma_start3A_537, %dma_start3A_541] : memref<2x100xi32, #tpu.memory_space<vmem>> -> memref<1x100xi32, #tpu.memory_space<vmem>>
    %dma_start3A_543 = tpu.memref_squeeze %dma_start3A_542 : memref<1x100xi32, #tpu.memory_space<vmem>> -> memref<100xi32, #tpu.memory_space<vmem>>
    %dma_start3A_544 = arith.constant 0 : i32
    %dma_start3A_545 = tpu.memref_slice %arg19[%dma_start3A_544] : memref<10112xf32, #tpu.memory_space<vmem_shared>> -> memref<10112xf32, #tpu.memory_space<vmem_shared>>
    tpu.enqueue_indirect_dma source(%dma_start3A_540 : memref<100xf32, #tpu.memory_space<vmem>>) target(%dma_start3A_545 : memref<10112xf32, #tpu.memory_space<vmem_shared>>) offsets(%dma_start3A_543 : memref<100xi32, #tpu.memory_space<vmem>>) semaphore(%arg28 : memref<!tpu.dma_semaphore, #tpu.memory_space<semaphore_mem>>) {add = true}
    %dma_start3A_546 = arith.constant 0 : i32
    %dma_start3A_547 = arith.constant 0 : i32
    %dma_start3A_548 = tpu.memref_slice %arg8[%dma_start3A_546, %dma_start3A_547] : memref<2x100xi32, #tpu.memory_space<vmem>> -> memref<1x100xi32, #tpu.memory_space<vmem>>
    %dma_start3A_549 = tpu.memref_squeeze %dma_start3A_548 : memref<1x100xi32, #tpu.memory_space<vmem>> -> memref<100xi32, #tpu.memory_space<vmem>>
    %dma_start3A_550 = arith.constant 0 : i32
    %dma_start3A_551 = arith.constant 0 : i32
    %dma_start3A_552 = tpu.memref_slice %arg2[%dma_start3A_550, %dma_start3A_551] : memref<20000x128xf32, #tpu.memory_space<hbm>> -> memref<20000x128xf32, #tpu.memory_space<hbm>>
    tpu.enqueue_indirect_dma source(%dma_start3A_552 : memref<20000x128xf32, #tpu.memory_space<hbm>>) target(%arg12 : memref<100x128xf32, #tpu.memory_space<vmem>>) offsets(%dma_start3A_549 : memref<100xi32, #tpu.memory_space<vmem>>) semaphore(%arg24 : memref<!tpu.dma_semaphore, #tpu.memory_space<semaphore_mem>>)
    %scan3A_553 = arith.constant 0 : i32
    %scan3A_554 = arith.constant 25 : i32
    %scan3A_555 = arith.addi %scan3A_553, %scan3A_554 : i32
    %scan3A_556 = arith.constant 1 : i32
    scf.for %scan3A_620 = %scan3A_553 to %scan3A_555 step %scan3A_556  : i32 {
      %mul3A_621 = arith.constant 2 : i32
      %mul3A_622 = arith.muli %mul3A_621, %scan3A_620 : i32
      %ge3A_623 = arith.constant 1 : i32
      %ge3A_624 = arith.cmpi sge, %mul3A_622, %ge3A_623 : i32
      %convert_element_type3A_625 = arith.extui %ge3A_624 : i1 to i32
      %cond3A_626 = arith.constant 0 : i32
      %cond3A_627 = arith.cmpi ne, %convert_element_type3A_625, %cond3A_626 : i32
      scf.if %cond3A_627 {
        %dma_wait3A_788 = arith.constant 1 : i32
        %dma_wait3A_789 = arith.constant 0 : i32
        %dma_wait3A_790 = tpu.memref_slice %arg10[%dma_wait3A_788, %dma_wait3A_789] : memref<2x100xi32, #tpu.memory_space<vmem>> -> memref<1x100xi32, #tpu.memory_space<vmem>>
        %dma_wait3A_791 = tpu.memref_squeeze %dma_wait3A_790 : memref<1x100xi32, #tpu.memory_space<vmem>> -> memref<100xi32, #tpu.memory_space<vmem>>
        %dma_wait3A_792 = arith.constant 0 : i32
        %dma_wait3A_793 = arith.constant 0 : i32
        %dma_wait3A_794 = tpu.memref_slice %arg18[%dma_wait3A_792, %dma_wait3A_793] : memref<10240x128xf32, #tpu.memory_space<vmem_shared>> -> memref<10240x128xf32, #tpu.memory_space<vmem_shared>>
        tpu.wait_indirect_dma semaphore(%arg27 : memref<!tpu.dma_semaphore, #tpu.memory_space<semaphore_mem>>) src(%arg13 : memref<100x128xf32, #tpu.memory_space<vmem>>) dst(%dma_wait3A_794 : memref<10240x128xf32, #tpu.memory_space<vmem_shared>>)
        %dma_wait3A_795 = arith.constant 0 : i32
        %dma_wait3A_796 = arith.constant 0 : i32
        %dma_wait3A_797 = arith.constant 0 : i32
        %dma_wait3A_798 = tpu.memref_slice %arg15[%dma_wait3A_795, %dma_wait3A_797] : memref<2x100xf32, #tpu.memory_space<vmem>> -> memref<1x100xf32, #tpu.memory_space<vmem>>
        %dma_wait3A_799 = tpu.memref_squeeze %dma_wait3A_798 : memref<1x100xf32, #tpu.memory_space<vmem>> -> memref<100xf32, #tpu.memory_space<vmem>>
        %dma_wait3A_800 = arith.constant 0 : i32
        %dma_wait3A_801 = tpu.memref_slice %arg11[%dma_wait3A_796, %dma_wait3A_800] : memref<2x100xi32, #tpu.memory_space<vmem>> -> memref<1x100xi32, #tpu.memory_space<vmem>>
        %dma_wait3A_802 = tpu.memref_squeeze %dma_wait3A_801 : memref<1x100xi32, #tpu.memory_space<vmem>> -> memref<100xi32, #tpu.memory_space<vmem>>
        %dma_wait3A_803 = arith.constant 0 : i32
        %dma_wait3A_804 = tpu.memref_slice %arg19[%dma_wait3A_803] : memref<10112xf32, #tpu.memory_space<vmem_shared>> -> memref<10112xf32, #tpu.memory_space<vmem_shared>>
        tpu.wait_indirect_dma semaphore(%arg29 : memref<!tpu.dma_semaphore, #tpu.memory_space<semaphore_mem>>) src(%dma_wait3A_799 : memref<100xf32, #tpu.memory_space<vmem>>) dst(%dma_wait3A_804 : memref<10112xf32, #tpu.memory_space<vmem_shared>>)
        %dma_wait3A_805 = arith.constant 1 : i32
        %dma_wait3A_806 = arith.constant 1 : i32
        %dma_wait3A_807 = arith.constant 0 : i32
        %dma_wait3A_808 = tpu.memref_slice %arg15[%dma_wait3A_805, %dma_wait3A_807] : memref<2x100xf32, #tpu.memory_space<vmem>> -> memref<1x100xf32, #tpu.memory_space<vmem>>
        %dma_wait3A_809 = tpu.memref_squeeze %dma_wait3A_808 : memref<1x100xf32, #tpu.memory_space<vmem>> -> memref<100xf32, #tpu.memory_space<vmem>>
        %dma_wait3A_810 = arith.constant 0 : i32
        %dma_wait3A_811 = tpu.memref_slice %arg11[%dma_wait3A_806, %dma_wait3A_810] : memref<2x100xi32, #tpu.memory_space<vmem>> -> memref<1x100xi32, #tpu.memory_space<vmem>>
        %dma_wait3A_812 = tpu.memref_squeeze %dma_wait3A_811 : memref<1x100xi32, #tpu.memory_space<vmem>> -> memref<100xi32, #tpu.memory_space<vmem>>
        %dma_wait3A_813 = arith.constant 0 : i32
        %dma_wait3A_814 = tpu.memref_slice %arg19[%dma_wait3A_813] : memref<10112xf32, #tpu.memory_space<vmem_shared>> -> memref<10112xf32, #tpu.memory_space<vmem_shared>>
        tpu.wait_indirect_dma semaphore(%arg29 : memref<!tpu.dma_semaphore, #tpu.memory_space<semaphore_mem>>) src(%dma_wait3A_809 : memref<100xf32, #tpu.memory_space<vmem>>) dst(%dma_wait3A_814 : memref<10112xf32, #tpu.memory_space<vmem_shared>>)
      } else {
      }
      %add3A_628 = arith.constant 1 : i32
      %add3A_629 = arith.addi %mul3A_622, %add3A_628 : i32
      %mul3A_630 = arith.constant 2 : i32
      %mul3A_631 = arith.muli %mul3A_630, %add3A_629 : i32
      %add3A_632 = arith.addi %mul3A_2, %mul3A_631 : i32
      %dma_start3A_633 = arith.constant 0 : i32
      %dma_start3A_634 = tpu.memref_slice %arg4[%add3A_632, %dma_start3A_633] : memref<1602x100xi32, #tpu.memory_space<hbm>> -> memref<2x100xi32, #tpu.memory_space<hbm>>
      %dma_start3A_635 = arith.constant 0 : i32
      %dma_start3A_636 = tpu.memref_slice %arg4[%add3A_632, %dma_start3A_635] : memref<1602x100xi32, #tpu.memory_space<hbm>> -> memref<2x100xi32, #tpu.memory_space<hbm>>
      tpu.enqueue_dma source(%dma_start3A_636 : memref<2x100xi32, #tpu.memory_space<hbm>>) target(%arg9 : memref<2x100xi32, #tpu.memory_space<vmem>>) target_semaphore(%arg21 : memref<!tpu.dma_semaphore, #tpu.memory_space<semaphore_mem>>)
      %dma_start3A_637 = arith.constant 0 : i32
      %dma_start3A_638 = tpu.memref_slice %arg5[%add3A_632, %dma_start3A_637] : memref<1602x100xi32, #tpu.memory_space<hbm>> -> memref<2x100xi32, #tpu.memory_space<hbm>>
      %dma_start3A_639 = arith.constant 0 : i32
      %dma_start3A_640 = tpu.memref_slice %arg5[%add3A_632, %dma_start3A_639] : memref<1602x100xi32, #tpu.memory_space<hbm>> -> memref<2x100xi32, #tpu.memory_space<hbm>>
      tpu.enqueue_dma source(%dma_start3A_640 : memref<2x100xi32, #tpu.memory_space<hbm>>) target(%arg11 : memref<2x100xi32, #tpu.memory_space<vmem>>) target_semaphore(%arg23 : memref<!tpu.dma_semaphore, #tpu.memory_space<semaphore_mem>>)
      %dma_start3A_641 = arith.constant 1 : i32
      %dma_start3A_642 = arith.constant 0 : i32
      %dma_start3A_643 = tpu.memref_slice %arg8[%dma_start3A_641, %dma_start3A_642] : memref<2x100xi32, #tpu.memory_space<vmem>> -> memref<1x100xi32, #tpu.memory_space<vmem>>
      %dma_start3A_644 = tpu.memref_squeeze %dma_start3A_643 : memref<1x100xi32, #tpu.memory_space<vmem>> -> memref<100xi32, #tpu.memory_space<vmem>>
      %dma_start3A_645 = arith.constant 0 : i32
      %dma_start3A_646 = arith.constant 0 : i32
      %dma_start3A_647 = tpu.memref_slice %arg2[%dma_start3A_645, %dma_start3A_646] : memref<20000x128xf32, #tpu.memory_space<hbm>> -> memref<20000x128xf32, #tpu.memory_space<hbm>>
      tpu.enqueue_indirect_dma source(%dma_start3A_647 : memref<20000x128xf32, #tpu.memory_space<hbm>>) target(%arg13 : memref<100x128xf32, #tpu.memory_space<vmem>>) offsets(%dma_start3A_644 : memref<100xi32, #tpu.memory_space<vmem>>) semaphore(%arg25 : memref<!tpu.dma_semaphore, #tpu.memory_space<semaphore_mem>>)
      %dma_wait3A_648 = arith.constant 0 : i32
      %dma_wait3A_649 = arith.constant 0 : i32
      %dma_wait3A_650 = tpu.memref_slice %arg8[%dma_wait3A_648, %dma_wait3A_649] : memref<2x100xi32, #tpu.memory_space<vmem>> -> memref<1x100xi32, #tpu.memory_space<vmem>>
      %dma_wait3A_651 = tpu.memref_squeeze %dma_wait3A_650 : memref<1x100xi32, #tpu.memory_space<vmem>> -> memref<100xi32, #tpu.memory_space<vmem>>
      %dma_wait3A_652 = arith.constant 0 : i32
      %dma_wait3A_653 = arith.constant 0 : i32
      %dma_wait3A_654 = tpu.memref_slice %arg2[%dma_wait3A_652, %dma_wait3A_653] : memref<20000x128xf32, #tpu.memory_space<hbm>> -> memref<20000x128xf32, #tpu.memory_space<hbm>>
      tpu.wait_indirect_dma semaphore(%arg24 : memref<!tpu.dma_semaphore, #tpu.memory_space<semaphore_mem>>) src(%dma_wait3A_654 : memref<20000x128xf32, #tpu.memory_space<hbm>>) dst(%arg12 : memref<100x128xf32, #tpu.memory_space<vmem>>)
      %dma_start3A_655 = arith.constant 0 : i32
      %dma_start3A_656 = arith.constant 0 : i32
      %dma_start3A_657 = tpu.memref_slice %arg10[%dma_start3A_655, %dma_start3A_656] : memref<2x100xi32, #tpu.memory_space<vmem>> -> memref<1x100xi32, #tpu.memory_space<vmem>>
      %dma_start3A_658 = tpu.memref_squeeze %dma_start3A_657 : memref<1x100xi32, #tpu.memory_space<vmem>> -> memref<100xi32, #tpu.memory_space<vmem>>
      %dma_start3A_659 = arith.constant 0 : i32
      %dma_start3A_660 = arith.constant 0 : i32
      %dma_start3A_661 = tpu.memref_slice %arg18[%dma_start3A_659, %dma_start3A_660] : memref<10240x128xf32, #tpu.memory_space<vmem_shared>> -> memref<10240x128xf32, #tpu.memory_space<vmem_shared>>
      tpu.enqueue_indirect_dma source(%arg12 : memref<100x128xf32, #tpu.memory_space<vmem>>) target(%dma_start3A_661 : memref<10240x128xf32, #tpu.memory_space<vmem_shared>>) offsets(%dma_start3A_658 : memref<100xi32, #tpu.memory_space<vmem>>) semaphore(%arg26 : memref<!tpu.dma_semaphore, #tpu.memory_space<semaphore_mem>>) {add = true}
      %add3A_662 = arith.constant 1 : i32
      %add3A_663 = arith.addi %mul3A_622, %add3A_662 : i32
      %lt3A = arith.constant 50 : i32
      %lt3A_664 = arith.cmpi slt, %add3A_663, %lt3A : i32
      %convert_element_type3A_665 = arith.extui %lt3A_664 : i1 to i32
      %cond3A_666 = arith.constant 0 : i32
      %cond3A_667 = arith.cmpi ne, %convert_element_type3A_665, %cond3A_666 : i32
      scf.if %cond3A_667 {
        %add3A_788 = arith.constant 1 : i32
        %add3A_789 = arith.addi %mul3A_622, %add3A_788 : i32
        %mul3A_790 = arith.constant 2 : i32
        %mul3A_791 = arith.muli %mul3A_790, %add3A_789 : i32
        %add3A_792 = arith.addi %mul3A_2, %mul3A_791 : i32
        %dma_wait3A_793 = arith.constant 0 : i32
        %dma_wait3A_794 = tpu.memref_slice %arg4[%add3A_792, %dma_wait3A_793] : memref<1602x100xi32, #tpu.memory_space<hbm>> -> memref<2x100xi32, #tpu.memory_space<hbm>>
        %dma_wait3A_795 = arith.constant 0 : i32
        %dma_wait3A_796 = tpu.memref_slice %arg4[%add3A_792, %dma_wait3A_795] : memref<1602x100xi32, #tpu.memory_space<hbm>> -> memref<2x100xi32, #tpu.memory_space<hbm>>
        tpu.wait_dma2 semaphore(%arg21 : memref<!tpu.dma_semaphore, #tpu.memory_space<semaphore_mem>>) src(%dma_wait3A_796 : memref<2x100xi32, #tpu.memory_space<hbm>>) dst(%arg9 : memref<2x100xi32, #tpu.memory_space<vmem>>)
        %dma_wait3A_797 = arith.constant 0 : i32
        %dma_wait3A_798 = tpu.memref_slice %arg5[%add3A_792, %dma_wait3A_797] : memref<1602x100xi32, #tpu.memory_space<hbm>> -> memref<2x100xi32, #tpu.memory_space<hbm>>
        %dma_wait3A_799 = arith.constant 0 : i32
        %dma_wait3A_800 = tpu.memref_slice %arg5[%add3A_792, %dma_wait3A_799] : memref<1602x100xi32, #tpu.memory_space<hbm>> -> memref<2x100xi32, #tpu.memory_space<hbm>>
        tpu.wait_dma2 semaphore(%arg23 : memref<!tpu.dma_semaphore, #tpu.memory_space<semaphore_mem>>) src(%dma_wait3A_800 : memref<2x100xi32, #tpu.memory_space<hbm>>) dst(%arg11 : memref<2x100xi32, #tpu.memory_space<vmem>>)
        %iota3A_801 = tpu.iota {dimensions = array<i32: 0>} : vector<16xi32>
        %get3A_802 = arith.constant 0 : i32
        %get3A_803 = arith.index_cast %get3A_802 : i32 to index
        %get3A_804 = arith.constant 0 : index
        %get3A_805 = tpu.vector_load %arg9[%get3A_803, %get3A_804] {strides = array<i32>} : memref<2x100xi32, #tpu.memory_space<vmem>>, vector<16xi32>,
        %gather3A_806 = tpu.vector_load_idx %arg16[%get3A_805] : memref<10000xf32, #tpu.memory_space<vmem>>[vector<16xi32>], vector<16xf32>,
        %swap3A_807 = arith.constant 0 : i32
        %swap3A_808 = arith.index_cast %swap3A_807 : i32 to index
        %swap3A_809 = arith.constant 0 : index
        %swap3A_810 = tpu.vector_load %arg15[%swap3A_808, %swap3A_809] {strides = array<i32>} : memref<2x100xf32, #tpu.memory_space<vmem>>, vector<16xf32>,
        tpu.vector_store %arg15[%swap3A_808, %swap3A_809], %gather3A_806 {strides = array<i32>} : memref<2x100xf32, #tpu.memory_space<vmem>>, vector<16xf32>,
        %get3A_811 = arith.constant 0 : i32
        %get3A_812 = arith.index_cast %get3A_811 : i32 to index
        %get3A_813 = arith.constant 16 : index
        %get3A_814 = tpu.vector_load %arg9[%get3A_812, %get3A_813] {strides = array<i32>} : memref<2x100xi32, #tpu.memory_space<vmem>>, vector<16xi32>,
        %gather3A_815 = tpu.vector_load_idx %arg16[%get3A_814] : memref<10000xf32, #tpu.memory_space<vmem>>[vector<16xi32>], vector<16xf32>,
        %swap3A_816 = arith.constant 0 : i32
        %swap3A_817 = arith.index_cast %swap3A_816 : i32 to index
        %swap3A_818 = arith.constant 16 : index
        %swap3A_819 = tpu.vector_load %arg15[%swap3A_817, %swap3A_818] {strides = array<i32>} : memref<2x100xf32, #tpu.memory_space<vmem>>, vector<16xf32>,
        tpu.vector_store %arg15[%swap3A_817, %swap3A_818], %gather3A_815 {strides = array<i32>} : memref<2x100xf32, #tpu.memory_space<vmem>>, vector<16xf32>,
        %get3A_820 = arith.constant 0 : i32
        %get3A_821 = arith.index_cast %get3A_820 : i32 to index
        %get3A_822 = arith.constant 32 : index
        %get3A_823 = tpu.vector_load %arg9[%get3A_821, %get3A_822] {strides = array<i32>} : memref<2x100xi32, #tpu.memory_space<vmem>>, vector<16xi32>,
        %gather3A_824 = tpu.vector_load_idx %arg16[%get3A_823] : memref<10000xf32, #tpu.memory_space<vmem>>[vector<16xi32>], vector<16xf32>,
        %swap3A_825 = arith.constant 0 : i32
        %swap3A_826 = arith.index_cast %swap3A_825 : i32 to index
        %swap3A_827 = arith.constant 32 : index
        %swap3A_828 = tpu.vector_load %arg15[%swap3A_826, %swap3A_827] {strides = array<i32>} : memref<2x100xf32, #tpu.memory_space<vmem>>, vector<16xf32>,
        tpu.vector_store %arg15[%swap3A_826, %swap3A_827], %gather3A_824 {strides = array<i32>} : memref<2x100xf32, #tpu.memory_space<vmem>>, vector<16xf32>,
        %get3A_829 = arith.constant 0 : i32
        %get3A_830 = arith.index_cast %get3A_829 : i32 to index
        %get3A_831 = arith.constant 48 : index
        %get3A_832 = tpu.vector_load %arg9[%get3A_830, %get3A_831] {strides = array<i32>} : memref<2x100xi32, #tpu.memory_space<vmem>>, vector<16xi32>,
        %gather3A_833 = tpu.vector_load_idx %arg16[%get3A_832] : memref<10000xf32, #tpu.memory_space<vmem>>[vector<16xi32>], vector<16xf32>,
        %swap3A_834 = arith.constant 0 : i32
        %swap3A_835 = arith.index_cast %swap3A_834 : i32 to index
        %swap3A_836 = arith.constant 48 : index
        %swap3A_837 = tpu.vector_load %arg15[%swap3A_835, %swap3A_836] {strides = array<i32>} : memref<2x100xf32, #tpu.memory_space<vmem>>, vector<16xf32>,
        tpu.vector_store %arg15[%swap3A_835, %swap3A_836], %gather3A_833 {strides = array<i32>} : memref<2x100xf32, #tpu.memory_space<vmem>>, vector<16xf32>,
        %get3A_838 = arith.constant 0 : i32
        %get3A_839 = arith.index_cast %get3A_838 : i32 to index
        %get3A_840 = arith.constant 64 : index
        %get3A_841 = tpu.vector_load %arg9[%get3A_839, %get3A_840] {strides = array<i32>} : memref<2x100xi32, #tpu.memory_space<vmem>>, vector<16xi32>,
        %gather3A_842 = tpu.vector_load_idx %arg16[%get3A_841] : memref<10000xf32, #tpu.memory_space<vmem>>[vector<16xi32>], vector<16xf32>,
        %swap3A_843 = arith.constant 0 : i32
        %swap3A_844 = arith.index_cast %swap3A_843 : i32 to index
        %swap3A_845 = arith.constant 64 : index
        %swap3A_846 = tpu.vector_load %arg15[%swap3A_844, %swap3A_845] {strides = array<i32>} : memref<2x100xf32, #tpu.memory_space<vmem>>, vector<16xf32>,
        tpu.vector_store %arg15[%swap3A_844, %swap3A_845], %gather3A_842 {strides = array<i32>} : memref<2x100xf32, #tpu.memory_space<vmem>>, vector<16xf32>,
        %get3A_847 = arith.constant 0 : i32
        %get3A_848 = arith.index_cast %get3A_847 : i32 to index
        %get3A_849 = arith.constant 80 : index
        %get3A_850 = tpu.vector_load %arg9[%get3A_848, %get3A_849] {strides = array<i32>} : memref<2x100xi32, #tpu.memory_space<vmem>>, vector<16xi32>,
        %gather3A_851 = tpu.vector_load_idx %arg16[%get3A_850] : memref<10000xf32, #tpu.memory_space<vmem>>[vector<16xi32>], vector<16xf32>,
        %swap3A_852 = arith.constant 0 : i32
        %swap3A_853 = arith.index_cast %swap3A_852 : i32 to index
        %swap3A_854 = arith.constant 80 : index
        %swap3A_855 = tpu.vector_load %arg15[%swap3A_853, %swap3A_854] {strides = array<i32>} : memref<2x100xf32, #tpu.memory_space<vmem>>, vector<16xf32>,
        tpu.vector_store %arg15[%swap3A_853, %swap3A_854], %gather3A_851 {strides = array<i32>} : memref<2x100xf32, #tpu.memory_space<vmem>>, vector<16xf32>,
        %get3A_856 = arith.constant 0 : i32
        %get3A_857 = arith.index_cast %get3A_856 : i32 to index
        %get3A_858 = arith.constant 84 : index
        %get3A_859 = tpu.vector_load %arg9[%get3A_857, %get3A_858] {strides = array<i32>} : memref<2x100xi32, #tpu.memory_space<vmem>>, vector<16xi32>,
        %gather3A_860 = tpu.vector_load_idx %arg16[%get3A_859] : memref<10000xf32, #tpu.memory_space<vmem>>[vector<16xi32>], vector<16xf32>,
        %ge3A_861 = arith.constant 12 : i32
        %ge3A_862 = vector.broadcast %ge3A_861 : i32 to vector<16xi32>
        %ge3A_863 = arith.cmpi sge, %iota3A_801, %ge3A_862 : vector<16xi32>
        %get3A_864 = arith.constant 0 : i32
        %get3A_865 = arith.index_cast %get3A_864 : i32 to index
        %get3A_866 = arith.constant 84 : index
        %get3A_867 = tpu.vector_load %arg15[%get3A_865, %get3A_866] {strides = array<i32>} : memref<2x100xf32, #tpu.memory_space<vmem>>, vector<16xf32>,
        %select_n3A_868 = arith.select %ge3A_863, %gather3A_860, %get3A_867 : vector<16xi1>, vector<16xf32>
        %swap3A_869 = arith.constant 0 : i32
        %swap3A_870 = arith.index_cast %swap3A_869 : i32 to index
        %swap3A_871 = arith.constant 84 : index
        %swap3A_872 = tpu.vector_load %arg15[%swap3A_870, %swap3A_871] {strides = array<i32>} : memref<2x100xf32, #tpu.memory_space<vmem>>, vector<16xf32>,
        tpu.vector_store %arg15[%swap3A_870, %swap3A_871], %select_n3A_868 {strides = array<i32>} : memref<2x100xf32, #tpu.memory_space<vmem>>, vector<16xf32>,
        %get3A_873 = arith.constant 0 : i32
        %get3A_874 = arith.index_cast %get3A_873 : i32 to index
        %get3A_875 = arith.constant 0 : index
        %get3A_876 = tpu.vector_load %arg9[%get3A_874, %get3A_875] {strides = array<i32>} : memref<2x100xi32, #tpu.memory_space<vmem>>, vector<16xi32>,
        %add3A_877 = vector.broadcast %mul3A_0 : i32 to vector<16xi32>
        %add3A_878 = arith.addi %get3A_876, %add3A_877 : vector<16xi32>
        %swap3A_879 = arith.constant 0 : i32
        %swap3A_880 = arith.index_cast %swap3A_879 : i32 to index
        %swap3A_881 = arith.constant 0 : index
        %swap3A_882 = tpu.vector_load %arg9[%swap3A_880, %swap3A_881] {strides = array<i32>} : memref<2x100xi32, #tpu.memory_space<vmem>>, vector<16xi32>,
        tpu.vector_store %arg9[%swap3A_880, %swap3A_881], %add3A_878 {strides = array<i32>} : memref<2x100xi32, #tpu.memory_space<vmem>>, vector<16xi32>,
        %get3A_883 = arith.constant 0 : i32
        %get3A_884 = arith.index_cast %get3A_883 : i32 to index
        %get3A_885 = arith.constant 16 : index
        %get3A_886 = tpu.vector_load %arg9[%get3A_884, %get3A_885] {strides = array<i32>} : memref<2x100xi32, #tpu.memory_space<vmem>>, vector<16xi32>,
        %add3A_887 = vector.broadcast %mul3A_0 : i32 to vector<16xi32>
        %add3A_888 = arith.addi %get3A_886, %add3A_887 : vector<16xi32>
        %swap3A_889 = arith.constant 0 : i32
        %swap3A_890 = arith.index_cast %swap3A_889 : i32 to index
        %swap3A_891 = arith.constant 16 : index
        %swap3A_892 = tpu.vector_load %arg9[%swap3A_890, %swap3A_891] {strides = array<i32>} : memref<2x100xi32, #tpu.memory_space<vmem>>, vector<16xi32>,
        tpu.vector_store %arg9[%swap3A_890, %swap3A_891], %add3A_888 {strides = array<i32>} : memref<2x100xi32, #tpu.memory_space<vmem>>, vector<16xi32>,
        %get3A_893 = arith.constant 0 : i32
        %get3A_894 = arith.index_cast %get3A_893 : i32 to index
        %get3A_895 = arith.constant 32 : index
        %get3A_896 = tpu.vector_load %arg9[%get3A_894, %get3A_895] {strides = array<i32>} : memref<2x100xi32, #tpu.memory_space<vmem>>, vector<16xi32>,
        %add3A_897 = vector.broadcast %mul3A_0 : i32 to vector<16xi32>
        %add3A_898 = arith.addi %get3A_896, %add3A_897 : vector<16xi32>
        %swap3A_899 = arith.constant 0 : i32
        %swap3A_900 = arith.index_cast %swap3A_899 : i32 to index
        %swap3A_901 = arith.constant 32 : index
        %swap3A_902 = tpu.vector_load %arg9[%swap3A_900, %swap3A_901] {strides = array<i32>} : memref<2x100xi32, #tpu.memory_space<vmem>>, vector<16xi32>,
        tpu.vector_store %arg9[%swap3A_900, %swap3A_901], %add3A_898 {strides = array<i32>} : memref<2x100xi32, #tpu.memory_space<vmem>>, vector<16xi32>,
        %get3A_903 = arith.constant 0 : i32
        %get3A_904 = arith.index_cast %get3A_903 : i32 to index
        %get3A_905 = arith.constant 48 : index
        %get3A_906 = tpu.vector_load %arg9[%get3A_904, %get3A_905] {strides = array<i32>} : memref<2x100xi32, #tpu.memory_space<vmem>>, vector<16xi32>,
        %add3A_907 = vector.broadcast %mul3A_0 : i32 to vector<16xi32>
        %add3A_908 = arith.addi %get3A_906, %add3A_907 : vector<16xi32>
        %swap3A_909 = arith.constant 0 : i32
        %swap3A_910 = arith.index_cast %swap3A_909 : i32 to index
        %swap3A_911 = arith.constant 48 : index
        %swap3A_912 = tpu.vector_load %arg9[%swap3A_910, %swap3A_911] {strides = array<i32>} : memref<2x100xi32, #tpu.memory_space<vmem>>, vector<16xi32>,
        tpu.vector_store %arg9[%swap3A_910, %swap3A_911], %add3A_908 {strides = array<i32>} : memref<2x100xi32, #tpu.memory_space<vmem>>, vector<16xi32>,
        %get3A_913 = arith.constant 0 : i32
        %get3A_914 = arith.index_cast %get3A_913 : i32 to index
        %get3A_915 = arith.constant 64 : index
        %get3A_916 = tpu.vector_load %arg9[%get3A_914, %get3A_915] {strides = array<i32>} : memref<2x100xi32, #tpu.memory_space<vmem>>, vector<16xi32>,
        %add3A_917 = vector.broadcast %mul3A_0 : i32 to vector<16xi32>
        %add3A_918 = arith.addi %get3A_916, %add3A_917 : vector<16xi32>
        %swap3A_919 = arith.constant 0 : i32
        %swap3A_920 = arith.index_cast %swap3A_919 : i32 to index
        %swap3A_921 = arith.constant 64 : index
        %swap3A_922 = tpu.vector_load %arg9[%swap3A_920, %swap3A_921] {strides = array<i32>} : memref<2x100xi32, #tpu.memory_space<vmem>>, vector<16xi32>,
        tpu.vector_store %arg9[%swap3A_920, %swap3A_921], %add3A_918 {strides = array<i32>} : memref<2x100xi32, #tpu.memory_space<vmem>>, vector<16xi32>,
        %get3A_923 = arith.constant 0 : i32
        %get3A_924 = arith.index_cast %get3A_923 : i32 to index
        %get3A_925 = arith.constant 80 : index
        %get3A_926 = tpu.vector_load %arg9[%get3A_924, %get3A_925] {strides = array<i32>} : memref<2x100xi32, #tpu.memory_space<vmem>>, vector<16xi32>,
        %add3A_927 = vector.broadcast %mul3A_0 : i32 to vector<16xi32>
        %add3A_928 = arith.addi %get3A_926, %add3A_927 : vector<16xi32>
        %swap3A_929 = arith.constant 0 : i32
        %swap3A_930 = arith.index_cast %swap3A_929 : i32 to index
        %swap3A_931 = arith.constant 80 : index
        %swap3A_932 = tpu.vector_load %arg9[%swap3A_930, %swap3A_931] {strides = array<i32>} : memref<2x100xi32, #tpu.memory_space<vmem>>, vector<16xi32>,
        tpu.vector_store %arg9[%swap3A_930, %swap3A_931], %add3A_928 {strides = array<i32>} : memref<2x100xi32, #tpu.memory_space<vmem>>, vector<16xi32>,
        %get3A_933 = arith.constant 0 : i32
        %get3A_934 = arith.index_cast %get3A_933 : i32 to index
        %get3A_935 = arith.constant 84 : index
        %get3A_936 = tpu.vector_load %arg9[%get3A_934, %get3A_935] {strides = array<i32>} : memref<2x100xi32, #tpu.memory_space<vmem>>, vector<16xi32>,
        %ge3A_937 = arith.constant 12 : i32
        %ge3A_938 = vector.broadcast %ge3A_937 : i32 to vector<16xi32>
        %ge3A_939 = arith.cmpi sge, %iota3A_801, %ge3A_938 : vector<16xi32>
        %jit3A_940 = arith.constant 0 : i32
        %broadcast_in_dim3A_941 = vector.broadcast %mul3A_0 : i32 to vector<16xi32>
        %broadcast_in_dim3A_942 = vector.broadcast %jit3A_940 : i32 to vector<16xi32>
        %select_n3A_943 = arith.select %ge3A_939, %broadcast_in_dim3A_941, %broadcast_in_dim3A_942 : vector<16xi1>, vector<16xi32>
        %add3A_944 = arith.addi %get3A_936, %select_n3A_943 : vector<16xi32>
        %swap3A_945 = arith.constant 0 : i32
        %swap3A_946 = arith.index_cast %swap3A_945 : i32 to index
        %swap3A_947 = arith.constant 84 : index
        %swap3A_948 = tpu.vector_load %arg9[%swap3A_946, %swap3A_947] {strides = array<i32>} : memref<2x100xi32, #tpu.memory_space<vmem>>, vector<16xi32>,
        tpu.vector_store %arg9[%swap3A_946, %swap3A_947], %add3A_944 {strides = array<i32>} : memref<2x100xi32, #tpu.memory_space<vmem>>, vector<16xi32>,
        %get3A_949 = arith.constant 1 : i32
        %get3A_950 = arith.index_cast %get3A_949 : i32 to index
        %get3A_951 = arith.constant 0 : index
        %get3A_952 = tpu.vector_load %arg9[%get3A_950, %get3A_951] {strides = array<i32>} : memref<2x100xi32, #tpu.memory_space<vmem>>, vector<16xi32>,
        %gather3A_953 = tpu.vector_load_idx %arg16[%get3A_952] : memref<10000xf32, #tpu.memory_space<vmem>>[vector<16xi32>], vector<16xf32>,
        %swap3A_954 = arith.constant 1 : i32
        %swap3A_955 = arith.index_cast %swap3A_954 : i32 to index
        %swap3A_956 = arith.constant 0 : index
        %swap3A_957 = tpu.vector_load %arg15[%swap3A_955, %swap3A_956] {strides = array<i32>} : memref<2x100xf32, #tpu.memory_space<vmem>>, vector<16xf32>,
        tpu.vector_store %arg15[%swap3A_955, %swap3A_956], %gather3A_953 {strides = array<i32>} : memref<2x100xf32, #tpu.memory_space<vmem>>, vector<16xf32>,
        %get3A_958 = arith.constant 1 : i32
        %get3A_959 = arith.index_cast %get3A_958 : i32 to index
        %get3A_960 = arith.constant 16 : index
        %get3A_961 = tpu.vector_load %arg9[%get3A_959, %get3A_960] {strides = array<i32>} : memref<2x100xi32, #tpu.memory_space<vmem>>, vector<16xi32>,
        %gather3A_962 = tpu.vector_load_idx %arg16[%get3A_961] : memref<10000xf32, #tpu.memory_space<vmem>>[vector<16xi32>], vector<16xf32>,
        %swap3A_963 = arith.constant 1 : i32
        %swap3A_964 = arith.index_cast %swap3A_963 : i32 to index
        %swap3A_965 = arith.constant 16 : index
        %swap3A_966 = tpu.vector_load %arg15[%swap3A_964, %swap3A_965] {strides = array<i32>} : memref<2x100xf32, #tpu.memory_space<vmem>>, vector<16xf32>,
        tpu.vector_store %arg15[%swap3A_964, %swap3A_965], %gather3A_962 {strides = array<i32>} : memref<2x100xf32, #tpu.memory_space<vmem>>, vector<16xf32>,
        %get3A_967 = arith.constant 1 : i32
        %get3A_968 = arith.index_cast %get3A_967 : i32 to index
        %get3A_969 = arith.constant 32 : index
        %get3A_970 = tpu.vector_load %arg9[%get3A_968, %get3A_969] {strides = array<i32>} : memref<2x100xi32, #tpu.memory_space<vmem>>, vector<16xi32>,
        %gather3A_971 = tpu.vector_load_idx %arg16[%get3A_970] : memref<10000xf32, #tpu.memory_space<vmem>>[vector<16xi32>], vector<16xf32>,
        %swap3A_972 = arith.constant 1 : i32
        %swap3A_973 = arith.index_cast %swap3A_972 : i32 to index
        %swap3A_974 = arith.constant 32 : index
        %swap3A_975 = tpu.vector_load %arg15[%swap3A_973, %swap3A_974] {strides = array<i32>} : memref<2x100xf32, #tpu.memory_space<vmem>>, vector<16xf32>,
        tpu.vector_store %arg15[%swap3A_973, %swap3A_974], %gather3A_971 {strides = array<i32>} : memref<2x100xf32, #tpu.memory_space<vmem>>, vector<16xf32>,
        %get3A_976 = arith.constant 1 : i32
        %get3A_977 = arith.index_cast %get3A_976 : i32 to index
        %get3A_978 = arith.constant 48 : index
        %get3A_979 = tpu.vector_load %arg9[%get3A_977, %get3A_978] {strides = array<i32>} : memref<2x100xi32, #tpu.memory_space<vmem>>, vector<16xi32>,
        %gather3A_980 = tpu.vector_load_idx %arg16[%get3A_979] : memref<10000xf32, #tpu.memory_space<vmem>>[vector<16xi32>], vector<16xf32>,
        %swap3A_981 = arith.constant 1 : i32
        %swap3A_982 = arith.index_cast %swap3A_981 : i32 to index
        %swap3A_983 = arith.constant 48 : index
        %swap3A_984 = tpu.vector_load %arg15[%swap3A_982, %swap3A_983] {strides = array<i32>} : memref<2x100xf32, #tpu.memory_space<vmem>>, vector<16xf32>,
        tpu.vector_store %arg15[%swap3A_982, %swap3A_983], %gather3A_980 {strides = array<i32>} : memref<2x100xf32, #tpu.memory_space<vmem>>, vector<16xf32>,
        %get3A_985 = arith.constant 1 : i32
        %get3A_986 = arith.index_cast %get3A_985 : i32 to index
        %get3A_987 = arith.constant 64 : index
        %get3A_988 = tpu.vector_load %arg9[%get3A_986, %get3A_987] {strides = array<i32>} : memref<2x100xi32, #tpu.memory_space<vmem>>, vector<16xi32>,
        %gather3A_989 = tpu.vector_load_idx %arg16[%get3A_988] : memref<10000xf32, #tpu.memory_space<vmem>>[vector<16xi32>], vector<16xf32>,
        %swap3A_990 = arith.constant 1 : i32
        %swap3A_991 = arith.index_cast %swap3A_990 : i32 to index
        %swap3A_992 = arith.constant 64 : index
        %swap3A_993 = tpu.vector_load %arg15[%swap3A_991, %swap3A_992] {strides = array<i32>} : memref<2x100xf32, #tpu.memory_space<vmem>>, vector<16xf32>,
        tpu.vector_store %arg15[%swap3A_991, %swap3A_992], %gather3A_989 {strides = array<i32>} : memref<2x100xf32, #tpu.memory_space<vmem>>, vector<16xf32>,
        %get3A_994 = arith.constant 1 : i32
        %get3A_995 = arith.index_cast %get3A_994 : i32 to index
        %get3A_996 = arith.constant 80 : index
        %get3A_997 = tpu.vector_load %arg9[%get3A_995, %get3A_996] {strides = array<i32>} : memref<2x100xi32, #tpu.memory_space<vmem>>, vector<16xi32>,
        %gather3A_998 = tpu.vector_load_idx %arg16[%get3A_997] : memref<10000xf32, #tpu.memory_space<vmem>>[vector<16xi32>], vector<16xf32>,
        %swap3A_999 = arith.constant 1 : i32
        %swap3A_1000 = arith.index_cast %swap3A_999 : i32 to index
        %swap3A_1001 = arith.constant 80 : index
        %swap3A_1002 = tpu.vector_load %arg15[%swap3A_1000, %swap3A_1001] {strides = array<i32>} : memref<2x100xf32, #tpu.memory_space<vmem>>, vector<16xf32>,
        tpu.vector_store %arg15[%swap3A_1000, %swap3A_1001], %gather3A_998 {strides = array<i32>} : memref<2x100xf32, #tpu.memory_space<vmem>>, vector<16xf32>,
        %get3A_1003 = arith.constant 1 : i32
        %get3A_1004 = arith.index_cast %get3A_1003 : i32 to index
        %get3A_1005 = arith.constant 84 : index
        %get3A_1006 = tpu.vector_load %arg9[%get3A_1004, %get3A_1005] {strides = array<i32>} : memref<2x100xi32, #tpu.memory_space<vmem>>, vector<16xi32>,
        %gather3A_1007 = tpu.vector_load_idx %arg16[%get3A_1006] : memref<10000xf32, #tpu.memory_space<vmem>>[vector<16xi32>], vector<16xf32>,
        %ge3A_1008 = arith.constant 12 : i32
        %ge3A_1009 = vector.broadcast %ge3A_1008 : i32 to vector<16xi32>
        %ge3A_1010 = arith.cmpi sge, %iota3A_801, %ge3A_1009 : vector<16xi32>
        %get3A_1011 = arith.constant 1 : i32
        %get3A_1012 = arith.index_cast %get3A_1011 : i32 to index
        %get3A_1013 = arith.constant 84 : index
        %get3A_1014 = tpu.vector_load %arg15[%get3A_1012, %get3A_1013] {strides = array<i32>} : memref<2x100xf32, #tpu.memory_space<vmem>>, vector<16xf32>,
        %select_n3A_1015 = arith.select %ge3A_1010, %gather3A_1007, %get3A_1014 : vector<16xi1>, vector<16xf32>
        %swap3A_1016 = arith.constant 1 : i32
        %swap3A_1017 = arith.index_cast %swap3A_1016 : i32 to index
        %swap3A_1018 = arith.constant 84 : index
        %swap3A_1019 = tpu.vector_load %arg15[%swap3A_1017, %swap3A_1018] {strides = array<i32>} : memref<2x100xf32, #tpu.memory_space<vmem>>, vector<16xf32>,
        tpu.vector_store %arg15[%swap3A_1017, %swap3A_1018], %select_n3A_1015 {strides = array<i32>} : memref<2x100xf32, #tpu.memory_space<vmem>>, vector<16xf32>,
        %get3A_1020 = arith.constant 1 : i32
        %get3A_1021 = arith.index_cast %get3A_1020 : i32 to index
        %get3A_1022 = arith.constant 0 : index
        %get3A_1023 = tpu.vector_load %arg9[%get3A_1021, %get3A_1022] {strides = array<i32>} : memref<2x100xi32, #tpu.memory_space<vmem>>, vector<16xi32>,
        %add3A_1024 = vector.broadcast %mul3A_0 : i32 to vector<16xi32>
        %add3A_1025 = arith.addi %get3A_1023, %add3A_1024 : vector<16xi32>
        %swap3A_1026 = arith.constant 1 : i32
        %swap3A_1027 = arith.index_cast %swap3A_1026 : i32 to index
        %swap3A_1028 = arith.constant 0 : index
        %swap3A_1029 = tpu.vector_load %arg9[%swap3A_1027, %swap3A_1028] {strides = array<i32>} : memref<2x100xi32, #tpu.memory_space<vmem>>, vector<16xi32>,
        tpu.vector_store %arg9[%swap3A_1027, %swap3A_1028], %add3A_1025 {strides = array<i32>} : memref<2x100xi32, #tpu.memory_space<vmem>>, vector<16xi32>,
        %get3A_1030 = arith.constant 1 : i32
        %get3A_1031 = arith.index_cast %get3A_1030 : i32 to index
        %get3A_1032 = arith.constant 16 : index
        %get3A_1033 = tpu.vector_load %arg9[%get3A_1031, %get3A_1032] {strides = array<i32>} : memref<2x100xi32, #tpu.memory_space<vmem>>, vector<16xi32>,
        %add3A_1034 = vector.broadcast %mul3A_0 : i32 to vector<16xi32>
        %add3A_1035 = arith.addi %get3A_1033, %add3A_1034 : vector<16xi32>
        %swap3A_1036 = arith.constant 1 : i32
        %swap3A_1037 = arith.index_cast %swap3A_1036 : i32 to index
        %swap3A_1038 = arith.constant 16 : index
        %swap3A_1039 = tpu.vector_load %arg9[%swap3A_1037, %swap3A_1038] {strides = array<i32>} : memref<2x100xi32, #tpu.memory_space<vmem>>, vector<16xi32>,
        tpu.vector_store %arg9[%swap3A_1037, %swap3A_1038], %add3A_1035 {strides = array<i32>} : memref<2x100xi32, #tpu.memory_space<vmem>>, vector<16xi32>,
        %get3A_1040 = arith.constant 1 : i32
        %get3A_1041 = arith.index_cast %get3A_1040 : i32 to index
        %get3A_1042 = arith.constant 32 : index
        %get3A_1043 = tpu.vector_load %arg9[%get3A_1041, %get3A_1042] {strides = array<i32>} : memref<2x100xi32, #tpu.memory_space<vmem>>, vector<16xi32>,
        %add3A_1044 = vector.broadcast %mul3A_0 : i32 to vector<16xi32>
        %add3A_1045 = arith.addi %get3A_1043, %add3A_1044 : vector<16xi32>
        %swap3A_1046 = arith.constant 1 : i32
        %swap3A_1047 = arith.index_cast %swap3A_1046 : i32 to index
        %swap3A_1048 = arith.constant 32 : index
        %swap3A_1049 = tpu.vector_load %arg9[%swap3A_1047, %swap3A_1048] {strides = array<i32>} : memref<2x100xi32, #tpu.memory_space<vmem>>, vector<16xi32>,
        tpu.vector_store %arg9[%swap3A_1047, %swap3A_1048], %add3A_1045 {strides = array<i32>} : memref<2x100xi32, #tpu.memory_space<vmem>>, vector<16xi32>,
        %get3A_1050 = arith.constant 1 : i32
        %get3A_1051 = arith.index_cast %get3A_1050 : i32 to index
        %get3A_1052 = arith.constant 48 : index
        %get3A_1053 = tpu.vector_load %arg9[%get3A_1051, %get3A_1052] {strides = array<i32>} : memref<2x100xi32, #tpu.memory_space<vmem>>, vector<16xi32>,
        %add3A_1054 = vector.broadcast %mul3A_0 : i32 to vector<16xi32>
        %add3A_1055 = arith.addi %get3A_1053, %add3A_1054 : vector<16xi32>
        %swap3A_1056 = arith.constant 1 : i32
        %swap3A_1057 = arith.index_cast %swap3A_1056 : i32 to index
        %swap3A_1058 = arith.constant 48 : index
        %swap3A_1059 = tpu.vector_load %arg9[%swap3A_1057, %swap3A_1058] {strides = array<i32>} : memref<2x100xi32, #tpu.memory_space<vmem>>, vector<16xi32>,
        tpu.vector_store %arg9[%swap3A_1057, %swap3A_1058], %add3A_1055 {strides = array<i32>} : memref<2x100xi32, #tpu.memory_space<vmem>>, vector<16xi32>,
        %get3A_1060 = arith.constant 1 : i32
        %get3A_1061 = arith.index_cast %get3A_1060 : i32 to index
        %get3A_1062 = arith.constant 64 : index
        %get3A_1063 = tpu.vector_load %arg9[%get3A_1061, %get3A_1062] {strides = array<i32>} : memref<2x100xi32, #tpu.memory_space<vmem>>, vector<16xi32>,
        %add3A_1064 = vector.broadcast %mul3A_0 : i32 to vector<16xi32>
        %add3A_1065 = arith.addi %get3A_1063, %add3A_1064 : vector<16xi32>
        %swap3A_1066 = arith.constant 1 : i32
        %swap3A_1067 = arith.index_cast %swap3A_1066 : i32 to index
        %swap3A_1068 = arith.constant 64 : index
        %swap3A_1069 = tpu.vector_load %arg9[%swap3A_1067, %swap3A_1068] {strides = array<i32>} : memref<2x100xi32, #tpu.memory_space<vmem>>, vector<16xi32>,
        tpu.vector_store %arg9[%swap3A_1067, %swap3A_1068], %add3A_1065 {strides = array<i32>} : memref<2x100xi32, #tpu.memory_space<vmem>>, vector<16xi32>,
        %get3A_1070 = arith.constant 1 : i32
        %get3A_1071 = arith.index_cast %get3A_1070 : i32 to index
        %get3A_1072 = arith.constant 80 : index
        %get3A_1073 = tpu.vector_load %arg9[%get3A_1071, %get3A_1072] {strides = array<i32>} : memref<2x100xi32, #tpu.memory_space<vmem>>, vector<16xi32>,
        %add3A_1074 = vector.broadcast %mul3A_0 : i32 to vector<16xi32>
        %add3A_1075 = arith.addi %get3A_1073, %add3A_1074 : vector<16xi32>
        %swap3A_1076 = arith.constant 1 : i32
        %swap3A_1077 = arith.index_cast %swap3A_1076 : i32 to index
        %swap3A_1078 = arith.constant 80 : index
        %swap3A_1079 = tpu.vector_load %arg9[%swap3A_1077, %swap3A_1078] {strides = array<i32>} : memref<2x100xi32, #tpu.memory_space<vmem>>, vector<16xi32>,
        tpu.vector_store %arg9[%swap3A_1077, %swap3A_1078], %add3A_1075 {strides = array<i32>} : memref<2x100xi32, #tpu.memory_space<vmem>>, vector<16xi32>,
        %get3A_1080 = arith.constant 1 : i32
        %get3A_1081 = arith.index_cast %get3A_1080 : i32 to index
        %get3A_1082 = arith.constant 84 : index
        %get3A_1083 = tpu.vector_load %arg9[%get3A_1081, %get3A_1082] {strides = array<i32>} : memref<2x100xi32, #tpu.memory_space<vmem>>, vector<16xi32>,
        %ge3A_1084 = arith.constant 12 : i32
        %ge3A_1085 = vector.broadcast %ge3A_1084 : i32 to vector<16xi32>
        %ge3A_1086 = arith.cmpi sge, %iota3A_801, %ge3A_1085 : vector<16xi32>
        %jit3A_1087 = arith.constant 0 : i32
        %broadcast_in_dim3A_1088 = vector.broadcast %mul3A_0 : i32 to vector<16xi32>
        %broadcast_in_dim3A_1089 = vector.broadcast %jit3A_1087 : i32 to vector<16xi32>
        %select_n3A_1090 = arith.select %ge3A_1086, %broadcast_in_dim3A_1088, %broadcast_in_dim3A_1089 : vector<16xi1>, vector<16xi32>
        %add3A_1091 = arith.addi %get3A_1083, %select_n3A_1090 : vector<16xi32>
        %swap3A_1092 = arith.constant 1 : i32
        %swap3A_1093 = arith.index_cast %swap3A_1092 : i32 to index
        %swap3A_1094 = arith.constant 84 : index
        %swap3A_1095 = tpu.vector_load %arg9[%swap3A_1093, %swap3A_1094] {strides = array<i32>} : memref<2x100xi32, #tpu.memory_space<vmem>>, vector<16xi32>,
        tpu.vector_store %arg9[%swap3A_1093, %swap3A_1094], %add3A_1091 {strides = array<i32>} : memref<2x100xi32, #tpu.memory_space<vmem>>, vector<16xi32>,
        %dma_start3A_1096 = arith.constant 0 : i32
        %dma_start3A_1097 = arith.constant 0 : i32
        %dma_start3A_1098 = arith.constant 0 : i32
        %dma_start3A_1099 = tpu.memref_slice %arg15[%dma_start3A_1096, %dma_start3A_1098] : memref<2x100xf32, #tpu.memory_space<vmem>> -> memref<1x100xf32, #tpu.memory_space<vmem>>
        %dma_start3A_1100 = tpu.memref_squeeze %dma_start3A_1099 : memref<1x100xf32, #tpu.memory_space<vmem>> -> memref<100xf32, #tpu.memory_space<vmem>>
        %dma_start3A_1101 = arith.constant 0 : i32
        %dma_start3A_1102 = tpu.memref_slice %arg11[%dma_start3A_1097, %dma_start3A_1101] : memref<2x100xi32, #tpu.memory_space<vmem>> -> memref<1x100xi32, #tpu.memory_space<vmem>>
        %dma_start3A_1103 = tpu.memref_squeeze %dma_start3A_1102 : memref<1x100xi32, #tpu.memory_space<vmem>> -> memref<100xi32, #tpu.memory_space<vmem>>
        %dma_start3A_1104 = arith.constant 0 : i32
        %dma_start3A_1105 = tpu.memref_slice %arg19[%dma_start3A_1104] : memref<10112xf32, #tpu.memory_space<vmem_shared>> -> memref<10112xf32, #tpu.memory_space<vmem_shared>>
        tpu.enqueue_indirect_dma source(%dma_start3A_1100 : memref<100xf32, #tpu.memory_space<vmem>>) target(%dma_start3A_1105 : memref<10112xf32, #tpu.memory_space<vmem_shared>>) offsets(%dma_start3A_1103 : memref<100xi32, #tpu.memory_space<vmem>>) semaphore(%arg29 : memref<!tpu.dma_semaphore, #tpu.memory_space<semaphore_mem>>) {add = true}
        %dma_start3A_1106 = arith.constant 1 : i32
        %dma_start3A_1107 = arith.constant 1 : i32
        %dma_start3A_1108 = arith.constant 0 : i32
        %dma_start3A_1109 = tpu.memref_slice %arg15[%dma_start3A_1106, %dma_start3A_1108] : memref<2x100xf32, #tpu.memory_space<vmem>> -> memref<1x100xf32, #tpu.memory_space<vmem>>
        %dma_start3A_1110 = tpu.memref_squeeze %dma_start3A_1109 : memref<1x100xf32, #tpu.memory_space<vmem>> -> memref<100xf32, #tpu.memory_space<vmem>>
        %dma_start3A_1111 = arith.constant 0 : i32
        %dma_start3A_1112 = tpu.memref_slice %arg11[%dma_start3A_1107, %dma_start3A_1111] : memref<2x100xi32, #tpu.memory_space<vmem>> -> memref<1x100xi32, #tpu.memory_space<vmem>>
        %dma_start3A_1113 = tpu.memref_squeeze %dma_start3A_1112 : memref<1x100xi32, #tpu.memory_space<vmem>> -> memref<100xi32, #tpu.memory_space<vmem>>
        %dma_start3A_1114 = arith.constant 0 : i32
        %dma_start3A_1115 = tpu.memref_slice %arg19[%dma_start3A_1114] : memref<10112xf32, #tpu.memory_space<vmem_shared>> -> memref<10112xf32, #tpu.memory_space<vmem_shared>>
        tpu.enqueue_indirect_dma source(%dma_start3A_1110 : memref<100xf32, #tpu.memory_space<vmem>>) target(%dma_start3A_1115 : memref<10112xf32, #tpu.memory_space<vmem_shared>>) offsets(%dma_start3A_1113 : memref<100xi32, #tpu.memory_space<vmem>>) semaphore(%arg29 : memref<!tpu.dma_semaphore, #tpu.memory_space<semaphore_mem>>) {add = true}
      } else {
      }
      %add3A_668 = arith.constant 1 : i32
      %add3A_669 = arith.addi %mul3A_622, %add3A_668 : i32
      %ge3A_670 = arith.constant 50 : i32
      %ge3A_671 = arith.cmpi sge, %add3A_669, %ge3A_670 : i32
      %convert_element_type3A_672 = arith.extui %ge3A_671 : i1 to i32
      %cond3A_673 = arith.constant 0 : i32
      %cond3A_674 = arith.cmpi ne, %convert_element_type3A_672, %cond3A_673 : i32
      scf.if %cond3A_674 {
        %add3A_788 = arith.constant 1 : i32
        %add3A_789 = arith.addi %mul3A_622, %add3A_788 : i32
        %mul3A_790 = arith.constant 2 : i32
        %mul3A_791 = arith.muli %mul3A_790, %add3A_789 : i32
        %add3A_792 = arith.addi %mul3A_2, %mul3A_791 : i32
        %dma_wait3A_793 = arith.constant 0 : i32
        %dma_wait3A_794 = tpu.memref_slice %arg4[%add3A_792, %dma_wait3A_793] : memref<1602x100xi32, #tpu.memory_space<hbm>> -> memref<2x100xi32, #tpu.memory_space<hbm>>
        %dma_wait3A_795 = arith.constant 0 : i32
        %dma_wait3A_796 = tpu.memref_slice %arg4[%add3A_792, %dma_wait3A_795] : memref<1602x100xi32, #tpu.memory_space<hbm>> -> memref<2x100xi32, #tpu.memory_space<hbm>>
        tpu.wait_dma2 semaphore(%arg21 : memref<!tpu.dma_semaphore, #tpu.memory_space<semaphore_mem>>) src(%dma_wait3A_796 : memref<2x100xi32, #tpu.memory_space<hbm>>) dst(%arg9 : memref<2x100xi32, #tpu.memory_space<vmem>>)
        %dma_wait3A_797 = arith.constant 0 : i32
        %dma_wait3A_798 = tpu.memref_slice %arg5[%add3A_792, %dma_wait3A_797] : memref<1602x100xi32, #tpu.memory_space<hbm>> -> memref<2x100xi32, #tpu.memory_space<hbm>>
        %dma_wait3A_799 = arith.constant 0 : i32
        %dma_wait3A_800 = tpu.memref_slice %arg5[%add3A_792, %dma_wait3A_799] : memref<1602x100xi32, #tpu.memory_space<hbm>> -> memref<2x100xi32, #tpu.memory_space<hbm>>
        tpu.wait_dma2 semaphore(%arg23 : memref<!tpu.dma_semaphore, #tpu.memory_space<semaphore_mem>>) src(%dma_wait3A_800 : memref<2x100xi32, #tpu.memory_space<hbm>>) dst(%arg11 : memref<2x100xi32, #tpu.memory_space<vmem>>)
        %iota3A_801 = tpu.iota {dimensions = array<i32: 0>} : vector<16xi32>
        %get3A_802 = arith.constant 0 : i32
        %get3A_803 = arith.index_cast %get3A_802 : i32 to index
        %get3A_804 = arith.constant 0 : index
        %get3A_805 = tpu.vector_load %arg9[%get3A_803, %get3A_804] {strides = array<i32>} : memref<2x100xi32, #tpu.memory_space<vmem>>, vector<16xi32>,
        %gather3A_806 = tpu.vector_load_idx %arg16[%get3A_805] : memref<10000xf32, #tpu.memory_space<vmem>>[vector<16xi32>], vector<16xf32>,
        %swap3A_807 = arith.constant 0 : i32
        %swap3A_808 = arith.index_cast %swap3A_807 : i32 to index
        %swap3A_809 = arith.constant 0 : index
        %swap3A_810 = tpu.vector_load %arg15[%swap3A_808, %swap3A_809] {strides = array<i32>} : memref<2x100xf32, #tpu.memory_space<vmem>>, vector<16xf32>,
        tpu.vector_store %arg15[%swap3A_808, %swap3A_809], %gather3A_806 {strides = array<i32>} : memref<2x100xf32, #tpu.memory_space<vmem>>, vector<16xf32>,
        %get3A_811 = arith.constant 0 : i32
        %get3A_812 = arith.index_cast %get3A_811 : i32 to index
        %get3A_813 = arith.constant 16 : index
        %get3A_814 = tpu.vector_load %arg9[%get3A_812, %get3A_813] {strides = array<i32>} : memref<2x100xi32, #tpu.memory_space<vmem>>, vector<16xi32>,
        %gather3A_815 = tpu.vector_load_idx %arg16[%get3A_814] : memref<10000xf32, #tpu.memory_space<vmem>>[vector<16xi32>], vector<16xf32>,
        %swap3A_816 = arith.constant 0 : i32
        %swap3A_817 = arith.index_cast %swap3A_816 : i32 to index
        %swap3A_818 = arith.constant 16 : index
        %swap3A_819 = tpu.vector_load %arg15[%swap3A_817, %swap3A_818] {strides = array<i32>} : memref<2x100xf32, #tpu.memory_space<vmem>>, vector<16xf32>,
        tpu.vector_store %arg15[%swap3A_817, %swap3A_818], %gather3A_815 {strides = array<i32>} : memref<2x100xf32, #tpu.memory_space<vmem>>, vector<16xf32>,
        %get3A_820 = arith.constant 0 : i32
        %get3A_821 = arith.index_cast %get3A_820 : i32 to index
        %get3A_822 = arith.constant 32 : index
        %get3A_823 = tpu.vector_load %arg9[%get3A_821, %get3A_822] {strides = array<i32>} : memref<2x100xi32, #tpu.memory_space<vmem>>, vector<16xi32>,
        %gather3A_824 = tpu.vector_load_idx %arg16[%get3A_823] : memref<10000xf32, #tpu.memory_space<vmem>>[vector<16xi32>], vector<16xf32>,
        %swap3A_825 = arith.constant 0 : i32
        %swap3A_826 = arith.index_cast %swap3A_825 : i32 to index
        %swap3A_827 = arith.constant 32 : index
        %swap3A_828 = tpu.vector_load %arg15[%swap3A_826, %swap3A_827] {strides = array<i32>} : memref<2x100xf32, #tpu.memory_space<vmem>>, vector<16xf32>,
        tpu.vector_store %arg15[%swap3A_826, %swap3A_827], %gather3A_824 {strides = array<i32>} : memref<2x100xf32, #tpu.memory_space<vmem>>, vector<16xf32>,
        %get3A_829 = arith.constant 0 : i32
        %get3A_830 = arith.index_cast %get3A_829 : i32 to index
        %get3A_831 = arith.constant 48 : index
        %get3A_832 = tpu.vector_load %arg9[%get3A_830, %get3A_831] {strides = array<i32>} : memref<2x100xi32, #tpu.memory_space<vmem>>, vector<16xi32>,
        %gather3A_833 = tpu.vector_load_idx %arg16[%get3A_832] : memref<10000xf32, #tpu.memory_space<vmem>>[vector<16xi32>], vector<16xf32>,
        %swap3A_834 = arith.constant 0 : i32
        %swap3A_835 = arith.index_cast %swap3A_834 : i32 to index
        %swap3A_836 = arith.constant 48 : index
        %swap3A_837 = tpu.vector_load %arg15[%swap3A_835, %swap3A_836] {strides = array<i32>} : memref<2x100xf32, #tpu.memory_space<vmem>>, vector<16xf32>,
        tpu.vector_store %arg15[%swap3A_835, %swap3A_836], %gather3A_833 {strides = array<i32>} : memref<2x100xf32, #tpu.memory_space<vmem>>, vector<16xf32>,
        %get3A_838 = arith.constant 0 : i32
        %get3A_839 = arith.index_cast %get3A_838 : i32 to index
        %get3A_840 = arith.constant 64 : index
        %get3A_841 = tpu.vector_load %arg9[%get3A_839, %get3A_840] {strides = array<i32>} : memref<2x100xi32, #tpu.memory_space<vmem>>, vector<16xi32>,
        %gather3A_842 = tpu.vector_load_idx %arg16[%get3A_841] : memref<10000xf32, #tpu.memory_space<vmem>>[vector<16xi32>], vector<16xf32>,
        %swap3A_843 = arith.constant 0 : i32
        %swap3A_844 = arith.index_cast %swap3A_843 : i32 to index
        %swap3A_845 = arith.constant 64 : index
        %swap3A_846 = tpu.vector_load %arg15[%swap3A_844, %swap3A_845] {strides = array<i32>} : memref<2x100xf32, #tpu.memory_space<vmem>>, vector<16xf32>,
        tpu.vector_store %arg15[%swap3A_844, %swap3A_845], %gather3A_842 {strides = array<i32>} : memref<2x100xf32, #tpu.memory_space<vmem>>, vector<16xf32>,
        %get3A_847 = arith.constant 0 : i32
        %get3A_848 = arith.index_cast %get3A_847 : i32 to index
        %get3A_849 = arith.constant 80 : index
        %get3A_850 = tpu.vector_load %arg9[%get3A_848, %get3A_849] {strides = array<i32>} : memref<2x100xi32, #tpu.memory_space<vmem>>, vector<16xi32>,
        %gather3A_851 = tpu.vector_load_idx %arg16[%get3A_850] : memref<10000xf32, #tpu.memory_space<vmem>>[vector<16xi32>], vector<16xf32>,
        %swap3A_852 = arith.constant 0 : i32
        %swap3A_853 = arith.index_cast %swap3A_852 : i32 to index
        %swap3A_854 = arith.constant 80 : index
        %swap3A_855 = tpu.vector_load %arg15[%swap3A_853, %swap3A_854] {strides = array<i32>} : memref<2x100xf32, #tpu.memory_space<vmem>>, vector<16xf32>,
        tpu.vector_store %arg15[%swap3A_853, %swap3A_854], %gather3A_851 {strides = array<i32>} : memref<2x100xf32, #tpu.memory_space<vmem>>, vector<16xf32>,
        %get3A_856 = arith.constant 0 : i32
        %get3A_857 = arith.index_cast %get3A_856 : i32 to index
        %get3A_858 = arith.constant 84 : index
        %get3A_859 = tpu.vector_load %arg9[%get3A_857, %get3A_858] {strides = array<i32>} : memref<2x100xi32, #tpu.memory_space<vmem>>, vector<16xi32>,
        %gather3A_860 = tpu.vector_load_idx %arg16[%get3A_859] : memref<10000xf32, #tpu.memory_space<vmem>>[vector<16xi32>], vector<16xf32>,
        %ge3A_861 = arith.constant 12 : i32
        %ge3A_862 = vector.broadcast %ge3A_861 : i32 to vector<16xi32>
        %ge3A_863 = arith.cmpi sge, %iota3A_801, %ge3A_862 : vector<16xi32>
        %get3A_864 = arith.constant 0 : i32
        %get3A_865 = arith.index_cast %get3A_864 : i32 to index
        %get3A_866 = arith.constant 84 : index
        %get3A_867 = tpu.vector_load %arg15[%get3A_865, %get3A_866] {strides = array<i32>} : memref<2x100xf32, #tpu.memory_space<vmem>>, vector<16xf32>,
        %select_n3A_868 = arith.select %ge3A_863, %gather3A_860, %get3A_867 : vector<16xi1>, vector<16xf32>
        %swap3A_869 = arith.constant 0 : i32
        %swap3A_870 = arith.index_cast %swap3A_869 : i32 to index
        %swap3A_871 = arith.constant 84 : index
        %swap3A_872 = tpu.vector_load %arg15[%swap3A_870, %swap3A_871] {strides = array<i32>} : memref<2x100xf32, #tpu.memory_space<vmem>>, vector<16xf32>,
        tpu.vector_store %arg15[%swap3A_870, %swap3A_871], %select_n3A_868 {strides = array<i32>} : memref<2x100xf32, #tpu.memory_space<vmem>>, vector<16xf32>,
        %get3A_873 = arith.constant 0 : i32
        %get3A_874 = arith.index_cast %get3A_873 : i32 to index
        %get3A_875 = arith.constant 0 : index
        %get3A_876 = tpu.vector_load %arg9[%get3A_874, %get3A_875] {strides = array<i32>} : memref<2x100xi32, #tpu.memory_space<vmem>>, vector<16xi32>,
        %add3A_877 = vector.broadcast %mul3A_0 : i32 to vector<16xi32>
        %add3A_878 = arith.addi %get3A_876, %add3A_877 : vector<16xi32>
        %swap3A_879 = arith.constant 0 : i32
        %swap3A_880 = arith.index_cast %swap3A_879 : i32 to index
        %swap3A_881 = arith.constant 0 : index
        %swap3A_882 = tpu.vector_load %arg9[%swap3A_880, %swap3A_881] {strides = array<i32>} : memref<2x100xi32, #tpu.memory_space<vmem>>, vector<16xi32>,
        tpu.vector_store %arg9[%swap3A_880, %swap3A_881], %add3A_878 {strides = array<i32>} : memref<2x100xi32, #tpu.memory_space<vmem>>, vector<16xi32>,
        %get3A_883 = arith.constant 0 : i32
        %get3A_884 = arith.index_cast %get3A_883 : i32 to index
        %get3A_885 = arith.constant 16 : index
        %get3A_886 = tpu.vector_load %arg9[%get3A_884, %get3A_885] {strides = array<i32>} : memref<2x100xi32, #tpu.memory_space<vmem>>, vector<16xi32>,
        %add3A_887 = vector.broadcast %mul3A_0 : i32 to vector<16xi32>
        %add3A_888 = arith.addi %get3A_886, %add3A_887 : vector<16xi32>
        %swap3A_889 = arith.constant 0 : i32
        %swap3A_890 = arith.index_cast %swap3A_889 : i32 to index
        %swap3A_891 = arith.constant 16 : index
        %swap3A_892 = tpu.vector_load %arg9[%swap3A_890, %swap3A_891] {strides = array<i32>} : memref<2x100xi32, #tpu.memory_space<vmem>>, vector<16xi32>,
        tpu.vector_store %arg9[%swap3A_890, %swap3A_891], %add3A_888 {strides = array<i32>} : memref<2x100xi32, #tpu.memory_space<vmem>>, vector<16xi32>,
        %get3A_893 = arith.constant 0 : i32
        %get3A_894 = arith.index_cast %get3A_893 : i32 to index
        %get3A_895 = arith.constant 32 : index
        %get3A_896 = tpu.vector_load %arg9[%get3A_894, %get3A_895] {strides = array<i32>} : memref<2x100xi32, #tpu.memory_space<vmem>>, vector<16xi32>,
        %add3A_897 = vector.broadcast %mul3A_0 : i32 to vector<16xi32>
        %add3A_898 = arith.addi %get3A_896, %add3A_897 : vector<16xi32>
        %swap3A_899 = arith.constant 0 : i32
        %swap3A_900 = arith.index_cast %swap3A_899 : i32 to index
        %swap3A_901 = arith.constant 32 : index
        %swap3A_902 = tpu.vector_load %arg9[%swap3A_900, %swap3A_901] {strides = array<i32>} : memref<2x100xi32, #tpu.memory_space<vmem>>, vector<16xi32>,
        tpu.vector_store %arg9[%swap3A_900, %swap3A_901], %add3A_898 {strides = array<i32>} : memref<2x100xi32, #tpu.memory_space<vmem>>, vector<16xi32>,
        %get3A_903 = arith.constant 0 : i32
        %get3A_904 = arith.index_cast %get3A_903 : i32 to index
        %get3A_905 = arith.constant 48 : index
        %get3A_906 = tpu.vector_load %arg9[%get3A_904, %get3A_905] {strides = array<i32>} : memref<2x100xi32, #tpu.memory_space<vmem>>, vector<16xi32>,
        %add3A_907 = vector.broadcast %mul3A_0 : i32 to vector<16xi32>
        %add3A_908 = arith.addi %get3A_906, %add3A_907 : vector<16xi32>
        %swap3A_909 = arith.constant 0 : i32
        %swap3A_910 = arith.index_cast %swap3A_909 : i32 to index
        %swap3A_911 = arith.constant 48 : index
        %swap3A_912 = tpu.vector_load %arg9[%swap3A_910, %swap3A_911] {strides = array<i32>} : memref<2x100xi32, #tpu.memory_space<vmem>>, vector<16xi32>,
        tpu.vector_store %arg9[%swap3A_910, %swap3A_911], %add3A_908 {strides = array<i32>} : memref<2x100xi32, #tpu.memory_space<vmem>>, vector<16xi32>,
        %get3A_913 = arith.constant 0 : i32
        %get3A_914 = arith.index_cast %get3A_913 : i32 to index
        %get3A_915 = arith.constant 64 : index
        %get3A_916 = tpu.vector_load %arg9[%get3A_914, %get3A_915] {strides = array<i32>} : memref<2x100xi32, #tpu.memory_space<vmem>>, vector<16xi32>,
        %add3A_917 = vector.broadcast %mul3A_0 : i32 to vector<16xi32>
        %add3A_918 = arith.addi %get3A_916, %add3A_917 : vector<16xi32>
        %swap3A_919 = arith.constant 0 : i32
        %swap3A_920 = arith.index_cast %swap3A_919 : i32 to index
        %swap3A_921 = arith.constant 64 : index
        %swap3A_922 = tpu.vector_load %arg9[%swap3A_920, %swap3A_921] {strides = array<i32>} : memref<2x100xi32, #tpu.memory_space<vmem>>, vector<16xi32>,
        tpu.vector_store %arg9[%swap3A_920, %swap3A_921], %add3A_918 {strides = array<i32>} : memref<2x100xi32, #tpu.memory_space<vmem>>, vector<16xi32>,
        %get3A_923 = arith.constant 0 : i32
        %get3A_924 = arith.index_cast %get3A_923 : i32 to index
        %get3A_925 = arith.constant 80 : index
        %get3A_926 = tpu.vector_load %arg9[%get3A_924, %get3A_925] {strides = array<i32>} : memref<2x100xi32, #tpu.memory_space<vmem>>, vector<16xi32>,
        %add3A_927 = vector.broadcast %mul3A_0 : i32 to vector<16xi32>
        %add3A_928 = arith.addi %get3A_926, %add3A_927 : vector<16xi32>
        %swap3A_929 = arith.constant 0 : i32
        %swap3A_930 = arith.index_cast %swap3A_929 : i32 to index
        %swap3A_931 = arith.constant 80 : index
        %swap3A_932 = tpu.vector_load %arg9[%swap3A_930, %swap3A_931] {strides = array<i32>} : memref<2x100xi32, #tpu.memory_space<vmem>>, vector<16xi32>,
        tpu.vector_store %arg9[%swap3A_930, %swap3A_931], %add3A_928 {strides = array<i32>} : memref<2x100xi32, #tpu.memory_space<vmem>>, vector<16xi32>,
        %get3A_933 = arith.constant 0 : i32
        %get3A_934 = arith.index_cast %get3A_933 : i32 to index
        %get3A_935 = arith.constant 84 : index
        %get3A_936 = tpu.vector_load %arg9[%get3A_934, %get3A_935] {strides = array<i32>} : memref<2x100xi32, #tpu.memory_space<vmem>>, vector<16xi32>,
        %ge3A_937 = arith.constant 12 : i32
        %ge3A_938 = vector.broadcast %ge3A_937 : i32 to vector<16xi32>
        %ge3A_939 = arith.cmpi sge, %iota3A_801, %ge3A_938 : vector<16xi32>
        %jit3A_940 = arith.constant 0 : i32
        %broadcast_in_dim3A_941 = vector.broadcast %mul3A_0 : i32 to vector<16xi32>
        %broadcast_in_dim3A_942 = vector.broadcast %jit3A_940 : i32 to vector<16xi32>
        %select_n3A_943 = arith.select %ge3A_939, %broadcast_in_dim3A_941, %broadcast_in_dim3A_942 : vector<16xi1>, vector<16xi32>
        %add3A_944 = arith.addi %get3A_936, %select_n3A_943 : vector<16xi32>
        %swap3A_945 = arith.constant 0 : i32
        %swap3A_946 = arith.index_cast %swap3A_945 : i32 to index
        %swap3A_947 = arith.constant 84 : index
        %swap3A_948 = tpu.vector_load %arg9[%swap3A_946, %swap3A_947] {strides = array<i32>} : memref<2x100xi32, #tpu.memory_space<vmem>>, vector<16xi32>,
        tpu.vector_store %arg9[%swap3A_946, %swap3A_947], %add3A_944 {strides = array<i32>} : memref<2x100xi32, #tpu.memory_space<vmem>>, vector<16xi32>,
        %get3A_949 = arith.constant 1 : i32
        %get3A_950 = arith.index_cast %get3A_949 : i32 to index
        %get3A_951 = arith.constant 0 : index
        %get3A_952 = tpu.vector_load %arg9[%get3A_950, %get3A_951] {strides = array<i32>} : memref<2x100xi32, #tpu.memory_space<vmem>>, vector<16xi32>,
        %gather3A_953 = tpu.vector_load_idx %arg16[%get3A_952] : memref<10000xf32, #tpu.memory_space<vmem>>[vector<16xi32>], vector<16xf32>,
        %swap3A_954 = arith.constant 1 : i32
        %swap3A_955 = arith.index_cast %swap3A_954 : i32 to index
        %swap3A_956 = arith.constant 0 : index
        %swap3A_957 = tpu.vector_load %arg15[%swap3A_955, %swap3A_956] {strides = array<i32>} : memref<2x100xf32, #tpu.memory_space<vmem>>, vector<16xf32>,
        tpu.vector_store %arg15[%swap3A_955, %swap3A_956], %gather3A_953 {strides = array<i32>} : memref<2x100xf32, #tpu.memory_space<vmem>>, vector<16xf32>,
        %get3A_958 = arith.constant 1 : i32
        %get3A_959 = arith.index_cast %get3A_958 : i32 to index
        %get3A_960 = arith.constant 16 : index
        %get3A_961 = tpu.vector_load %arg9[%get3A_959, %get3A_960] {strides = array<i32>} : memref<2x100xi32, #tpu.memory_space<vmem>>, vector<16xi32>,
        %gather3A_962 = tpu.vector_load_idx %arg16[%get3A_961] : memref<10000xf32, #tpu.memory_space<vmem>>[vector<16xi32>], vector<16xf32>,
        %swap3A_963 = arith.constant 1 : i32
        %swap3A_964 = arith.index_cast %swap3A_963 : i32 to index
        %swap3A_965 = arith.constant 16 : index
        %swap3A_966 = tpu.vector_load %arg15[%swap3A_964, %swap3A_965] {strides = array<i32>} : memref<2x100xf32, #tpu.memory_space<vmem>>, vector<16xf32>,
        tpu.vector_store %arg15[%swap3A_964, %swap3A_965], %gather3A_962 {strides = array<i32>} : memref<2x100xf32, #tpu.memory_space<vmem>>, vector<16xf32>,
        %get3A_967 = arith.constant 1 : i32
        %get3A_968 = arith.index_cast %get3A_967 : i32 to index
        %get3A_969 = arith.constant 32 : index
        %get3A_970 = tpu.vector_load %arg9[%get3A_968, %get3A_969] {strides = array<i32>} : memref<2x100xi32, #tpu.memory_space<vmem>>, vector<16xi32>,
        %gather3A_971 = tpu.vector_load_idx %arg16[%get3A_970] : memref<10000xf32, #tpu.memory_space<vmem>>[vector<16xi32>], vector<16xf32>,
        %swap3A_972 = arith.constant 1 : i32
        %swap3A_973 = arith.index_cast %swap3A_972 : i32 to index
        %swap3A_974 = arith.constant 32 : index
        %swap3A_975 = tpu.vector_load %arg15[%swap3A_973, %swap3A_974] {strides = array<i32>} : memref<2x100xf32, #tpu.memory_space<vmem>>, vector<16xf32>,
        tpu.vector_store %arg15[%swap3A_973, %swap3A_974], %gather3A_971 {strides = array<i32>} : memref<2x100xf32, #tpu.memory_space<vmem>>, vector<16xf32>,
        %get3A_976 = arith.constant 1 : i32
        %get3A_977 = arith.index_cast %get3A_976 : i32 to index
        %get3A_978 = arith.constant 48 : index
        %get3A_979 = tpu.vector_load %arg9[%get3A_977, %get3A_978] {strides = array<i32>} : memref<2x100xi32, #tpu.memory_space<vmem>>, vector<16xi32>,
        %gather3A_980 = tpu.vector_load_idx %arg16[%get3A_979] : memref<10000xf32, #tpu.memory_space<vmem>>[vector<16xi32>], vector<16xf32>,
        %swap3A_981 = arith.constant 1 : i32
        %swap3A_982 = arith.index_cast %swap3A_981 : i32 to index
        %swap3A_983 = arith.constant 48 : index
        %swap3A_984 = tpu.vector_load %arg15[%swap3A_982, %swap3A_983] {strides = array<i32>} : memref<2x100xf32, #tpu.memory_space<vmem>>, vector<16xf32>,
        tpu.vector_store %arg15[%swap3A_982, %swap3A_983], %gather3A_980 {strides = array<i32>} : memref<2x100xf32, #tpu.memory_space<vmem>>, vector<16xf32>,
        %get3A_985 = arith.constant 1 : i32
        %get3A_986 = arith.index_cast %get3A_985 : i32 to index
        %get3A_987 = arith.constant 64 : index
        %get3A_988 = tpu.vector_load %arg9[%get3A_986, %get3A_987] {strides = array<i32>} : memref<2x100xi32, #tpu.memory_space<vmem>>, vector<16xi32>,
        %gather3A_989 = tpu.vector_load_idx %arg16[%get3A_988] : memref<10000xf32, #tpu.memory_space<vmem>>[vector<16xi32>], vector<16xf32>,
        %swap3A_990 = arith.constant 1 : i32
        %swap3A_991 = arith.index_cast %swap3A_990 : i32 to index
        %swap3A_992 = arith.constant 64 : index
        %swap3A_993 = tpu.vector_load %arg15[%swap3A_991, %swap3A_992] {strides = array<i32>} : memref<2x100xf32, #tpu.memory_space<vmem>>, vector<16xf32>,
        tpu.vector_store %arg15[%swap3A_991, %swap3A_992], %gather3A_989 {strides = array<i32>} : memref<2x100xf32, #tpu.memory_space<vmem>>, vector<16xf32>,
        %get3A_994 = arith.constant 1 : i32
        %get3A_995 = arith.index_cast %get3A_994 : i32 to index
        %get3A_996 = arith.constant 80 : index
        %get3A_997 = tpu.vector_load %arg9[%get3A_995, %get3A_996] {strides = array<i32>} : memref<2x100xi32, #tpu.memory_space<vmem>>, vector<16xi32>,
        %gather3A_998 = tpu.vector_load_idx %arg16[%get3A_997] : memref<10000xf32, #tpu.memory_space<vmem>>[vector<16xi32>], vector<16xf32>,
        %swap3A_999 = arith.constant 1 : i32
        %swap3A_1000 = arith.index_cast %swap3A_999 : i32 to index
        %swap3A_1001 = arith.constant 80 : index
        %swap3A_1002 = tpu.vector_load %arg15[%swap3A_1000, %swap3A_1001] {strides = array<i32>} : memref<2x100xf32, #tpu.memory_space<vmem>>, vector<16xf32>,
        tpu.vector_store %arg15[%swap3A_1000, %swap3A_1001], %gather3A_998 {strides = array<i32>} : memref<2x100xf32, #tpu.memory_space<vmem>>, vector<16xf32>,
        %get3A_1003 = arith.constant 1 : i32
        %get3A_1004 = arith.index_cast %get3A_1003 : i32 to index
        %get3A_1005 = arith.constant 84 : index
        %get3A_1006 = tpu.vector_load %arg9[%get3A_1004, %get3A_1005] {strides = array<i32>} : memref<2x100xi32, #tpu.memory_space<vmem>>, vector<16xi32>,
        %gather3A_1007 = tpu.vector_load_idx %arg16[%get3A_1006] : memref<10000xf32, #tpu.memory_space<vmem>>[vector<16xi32>], vector<16xf32>,
        %ge3A_1008 = arith.constant 12 : i32
        %ge3A_1009 = vector.broadcast %ge3A_1008 : i32 to vector<16xi32>
        %ge3A_1010 = arith.cmpi sge, %iota3A_801, %ge3A_1009 : vector<16xi32>
        %get3A_1011 = arith.constant 1 : i32
        %get3A_1012 = arith.index_cast %get3A_1011 : i32 to index
        %get3A_1013 = arith.constant 84 : index
        %get3A_1014 = tpu.vector_load %arg15[%get3A_1012, %get3A_1013] {strides = array<i32>} : memref<2x100xf32, #tpu.memory_space<vmem>>, vector<16xf32>,
        %select_n3A_1015 = arith.select %ge3A_1010, %gather3A_1007, %get3A_1014 : vector<16xi1>, vector<16xf32>
        %swap3A_1016 = arith.constant 1 : i32
        %swap3A_1017 = arith.index_cast %swap3A_1016 : i32 to index
        %swap3A_1018 = arith.constant 84 : index
        %swap3A_1019 = tpu.vector_load %arg15[%swap3A_1017, %swap3A_1018] {strides = array<i32>} : memref<2x100xf32, #tpu.memory_space<vmem>>, vector<16xf32>,
        tpu.vector_store %arg15[%swap3A_1017, %swap3A_1018], %select_n3A_1015 {strides = array<i32>} : memref<2x100xf32, #tpu.memory_space<vmem>>, vector<16xf32>,
        %get3A_1020 = arith.constant 1 : i32
        %get3A_1021 = arith.index_cast %get3A_1020 : i32 to index
        %get3A_1022 = arith.constant 0 : index
        %get3A_1023 = tpu.vector_load %arg9[%get3A_1021, %get3A_1022] {strides = array<i32>} : memref<2x100xi32, #tpu.memory_space<vmem>>, vector<16xi32>,
        %add3A_1024 = vector.broadcast %mul3A_0 : i32 to vector<16xi32>
        %add3A_1025 = arith.addi %get3A_1023, %add3A_1024 : vector<16xi32>
        %swap3A_1026 = arith.constant 1 : i32
        %swap3A_1027 = arith.index_cast %swap3A_1026 : i32 to index
        %swap3A_1028 = arith.constant 0 : index
        %swap3A_1029 = tpu.vector_load %arg9[%swap3A_1027, %swap3A_1028] {strides = array<i32>} : memref<2x100xi32, #tpu.memory_space<vmem>>, vector<16xi32>,
        tpu.vector_store %arg9[%swap3A_1027, %swap3A_1028], %add3A_1025 {strides = array<i32>} : memref<2x100xi32, #tpu.memory_space<vmem>>, vector<16xi32>,
        %get3A_1030 = arith.constant 1 : i32
        %get3A_1031 = arith.index_cast %get3A_1030 : i32 to index
        %get3A_1032 = arith.constant 16 : index
        %get3A_1033 = tpu.vector_load %arg9[%get3A_1031, %get3A_1032] {strides = array<i32>} : memref<2x100xi32, #tpu.memory_space<vmem>>, vector<16xi32>,
        %add3A_1034 = vector.broadcast %mul3A_0 : i32 to vector<16xi32>
        %add3A_1035 = arith.addi %get3A_1033, %add3A_1034 : vector<16xi32>
        %swap3A_1036 = arith.constant 1 : i32
        %swap3A_1037 = arith.index_cast %swap3A_1036 : i32 to index
        %swap3A_1038 = arith.constant 16 : index
        %swap3A_1039 = tpu.vector_load %arg9[%swap3A_1037, %swap3A_1038] {strides = array<i32>} : memref<2x100xi32, #tpu.memory_space<vmem>>, vector<16xi32>,
        tpu.vector_store %arg9[%swap3A_1037, %swap3A_1038], %add3A_1035 {strides = array<i32>} : memref<2x100xi32, #tpu.memory_space<vmem>>, vector<16xi32>,
        %get3A_1040 = arith.constant 1 : i32
        %get3A_1041 = arith.index_cast %get3A_1040 : i32 to index
        %get3A_1042 = arith.constant 32 : index
        %get3A_1043 = tpu.vector_load %arg9[%get3A_1041, %get3A_1042] {strides = array<i32>} : memref<2x100xi32, #tpu.memory_space<vmem>>, vector<16xi32>,
        %add3A_1044 = vector.broadcast %mul3A_0 : i32 to vector<16xi32>
        %add3A_1045 = arith.addi %get3A_1043, %add3A_1044 : vector<16xi32>
        %swap3A_1046 = arith.constant 1 : i32
        %swap3A_1047 = arith.index_cast %swap3A_1046 : i32 to index
        %swap3A_1048 = arith.constant 32 : index
        %swap3A_1049 = tpu.vector_load %arg9[%swap3A_1047, %swap3A_1048] {strides = array<i32>} : memref<2x100xi32, #tpu.memory_space<vmem>>, vector<16xi32>,
        tpu.vector_store %arg9[%swap3A_1047, %swap3A_1048], %add3A_1045 {strides = array<i32>} : memref<2x100xi32, #tpu.memory_space<vmem>>, vector<16xi32>,
        %get3A_1050 = arith.constant 1 : i32
        %get3A_1051 = arith.index_cast %get3A_1050 : i32 to index
        %get3A_1052 = arith.constant 48 : index
        %get3A_1053 = tpu.vector_load %arg9[%get3A_1051, %get3A_1052] {strides = array<i32>} : memref<2x100xi32, #tpu.memory_space<vmem>>, vector<16xi32>,
        %add3A_1054 = vector.broadcast %mul3A_0 : i32 to vector<16xi32>
        %add3A_1055 = arith.addi %get3A_1053, %add3A_1054 : vector<16xi32>
        %swap3A_1056 = arith.constant 1 : i32
        %swap3A_1057 = arith.index_cast %swap3A_1056 : i32 to index
        %swap3A_1058 = arith.constant 48 : index
        %swap3A_1059 = tpu.vector_load %arg9[%swap3A_1057, %swap3A_1058] {strides = array<i32>} : memref<2x100xi32, #tpu.memory_space<vmem>>, vector<16xi32>,
        tpu.vector_store %arg9[%swap3A_1057, %swap3A_1058], %add3A_1055 {strides = array<i32>} : memref<2x100xi32, #tpu.memory_space<vmem>>, vector<16xi32>,
        %get3A_1060 = arith.constant 1 : i32
        %get3A_1061 = arith.index_cast %get3A_1060 : i32 to index
        %get3A_1062 = arith.constant 64 : index
        %get3A_1063 = tpu.vector_load %arg9[%get3A_1061, %get3A_1062] {strides = array<i32>} : memref<2x100xi32, #tpu.memory_space<vmem>>, vector<16xi32>,
        %add3A_1064 = vector.broadcast %mul3A_0 : i32 to vector<16xi32>
        %add3A_1065 = arith.addi %get3A_1063, %add3A_1064 : vector<16xi32>
        %swap3A_1066 = arith.constant 1 : i32
        %swap3A_1067 = arith.index_cast %swap3A_1066 : i32 to index
        %swap3A_1068 = arith.constant 64 : index
        %swap3A_1069 = tpu.vector_load %arg9[%swap3A_1067, %swap3A_1068] {strides = array<i32>} : memref<2x100xi32, #tpu.memory_space<vmem>>, vector<16xi32>,
        tpu.vector_store %arg9[%swap3A_1067, %swap3A_1068], %add3A_1065 {strides = array<i32>} : memref<2x100xi32, #tpu.memory_space<vmem>>, vector<16xi32>,
        %get3A_1070 = arith.constant 1 : i32
        %get3A_1071 = arith.index_cast %get3A_1070 : i32 to index
        %get3A_1072 = arith.constant 80 : index
        %get3A_1073 = tpu.vector_load %arg9[%get3A_1071, %get3A_1072] {strides = array<i32>} : memref<2x100xi32, #tpu.memory_space<vmem>>, vector<16xi32>,
        %add3A_1074 = vector.broadcast %mul3A_0 : i32 to vector<16xi32>
        %add3A_1075 = arith.addi %get3A_1073, %add3A_1074 : vector<16xi32>
        %swap3A_1076 = arith.constant 1 : i32
        %swap3A_1077 = arith.index_cast %swap3A_1076 : i32 to index
        %swap3A_1078 = arith.constant 80 : index
        %swap3A_1079 = tpu.vector_load %arg9[%swap3A_1077, %swap3A_1078] {strides = array<i32>} : memref<2x100xi32, #tpu.memory_space<vmem>>, vector<16xi32>,
        tpu.vector_store %arg9[%swap3A_1077, %swap3A_1078], %add3A_1075 {strides = array<i32>} : memref<2x100xi32, #tpu.memory_space<vmem>>, vector<16xi32>,
        %get3A_1080 = arith.constant 1 : i32
        %get3A_1081 = arith.index_cast %get3A_1080 : i32 to index
        %get3A_1082 = arith.constant 84 : index
        %get3A_1083 = tpu.vector_load %arg9[%get3A_1081, %get3A_1082] {strides = array<i32>} : memref<2x100xi32, #tpu.memory_space<vmem>>, vector<16xi32>,
        %ge3A_1084 = arith.constant 12 : i32
        %ge3A_1085 = vector.broadcast %ge3A_1084 : i32 to vector<16xi32>
        %ge3A_1086 = arith.cmpi sge, %iota3A_801, %ge3A_1085 : vector<16xi32>
        %jit3A_1087 = arith.constant 0 : i32
        %broadcast_in_dim3A_1088 = vector.broadcast %mul3A_0 : i32 to vector<16xi32>
        %broadcast_in_dim3A_1089 = vector.broadcast %jit3A_1087 : i32 to vector<16xi32>
        %select_n3A_1090 = arith.select %ge3A_1086, %broadcast_in_dim3A_1088, %broadcast_in_dim3A_1089 : vector<16xi1>, vector<16xi32>
        %add3A_1091 = arith.addi %get3A_1083, %select_n3A_1090 : vector<16xi32>
        %swap3A_1092 = arith.constant 1 : i32
        %swap3A_1093 = arith.index_cast %swap3A_1092 : i32 to index
        %swap3A_1094 = arith.constant 84 : index
        %swap3A_1095 = tpu.vector_load %arg9[%swap3A_1093, %swap3A_1094] {strides = array<i32>} : memref<2x100xi32, #tpu.memory_space<vmem>>, vector<16xi32>,
        tpu.vector_store %arg9[%swap3A_1093, %swap3A_1094], %add3A_1091 {strides = array<i32>} : memref<2x100xi32, #tpu.memory_space<vmem>>, vector<16xi32>,
      } else {
      }
      %dma_wait3A_675 = arith.constant 0 : i32
      %dma_wait3A_676 = arith.constant 0 : i32
      %dma_wait3A_677 = tpu.memref_slice %arg10[%dma_wait3A_675, %dma_wait3A_676] : memref<2x100xi32, #tpu.memory_space<vmem>> -> memref<1x100xi32, #tpu.memory_space<vmem>>
      %dma_wait3A_678 = tpu.memref_squeeze %dma_wait3A_677 : memref<1x100xi32, #tpu.memory_space<vmem>> -> memref<100xi32, #tpu.memory_space<vmem>>
      %dma_wait3A_679 = arith.constant 0 : i32
      %dma_wait3A_680 = arith.constant 0 : i32
      %dma_wait3A_681 = tpu.memref_slice %arg18[%dma_wait3A_679, %dma_wait3A_680] : memref<10240x128xf32, #tpu.memory_space<vmem_shared>> -> memref<10240x128xf32, #tpu.memory_space<vmem_shared>>
      tpu.wait_indirect_dma semaphore(%arg26 : memref<!tpu.dma_semaphore, #tpu.memory_space<semaphore_mem>>) src(%arg12 : memref<100x128xf32, #tpu.memory_space<vmem>>) dst(%dma_wait3A_681 : memref<10240x128xf32, #tpu.memory_space<vmem_shared>>)
      %dma_start3A_682 = arith.constant 0 : i32
      %dma_start3A_683 = arith.constant 0 : i32
      %dma_start3A_684 = tpu.memref_slice %arg9[%dma_start3A_682, %dma_start3A_683] : memref<2x100xi32, #tpu.memory_space<vmem>> -> memref<1x100xi32, #tpu.memory_space<vmem>>
      %dma_start3A_685 = tpu.memref_squeeze %dma_start3A_684 : memref<1x100xi32, #tpu.memory_space<vmem>> -> memref<100xi32, #tpu.memory_space<vmem>>
      %dma_start3A_686 = arith.constant 0 : i32
      %dma_start3A_687 = arith.constant 0 : i32
      %dma_start3A_688 = tpu.memref_slice %arg2[%dma_start3A_686, %dma_start3A_687] : memref<20000x128xf32, #tpu.memory_space<hbm>> -> memref<20000x128xf32, #tpu.memory_space<hbm>>
      tpu.enqueue_indirect_dma source(%dma_start3A_688 : memref<20000x128xf32, #tpu.memory_space<hbm>>) target(%arg12 : memref<100x128xf32, #tpu.memory_space<vmem>>) offsets(%dma_start3A_685 : memref<100xi32, #tpu.memory_space<vmem>>) semaphore(%arg24 : memref<!tpu.dma_semaphore, #tpu.memory_space<semaphore_mem>>)
      %dma_wait3A_689 = arith.constant 1 : i32
      %dma_wait3A_690 = arith.constant 0 : i32
      %dma_wait3A_691 = tpu.memref_slice %arg8[%dma_wait3A_689, %dma_wait3A_690] : memref<2x100xi32, #tpu.memory_space<vmem>> -> memref<1x100xi32, #tpu.memory_space<vmem>>
      %dma_wait3A_692 = tpu.memref_squeeze %dma_wait3A_691 : memref<1x100xi32, #tpu.memory_space<vmem>> -> memref<100xi32, #tpu.memory_space<vmem>>
      %dma_wait3A_693 = arith.constant 0 : i32
      %dma_wait3A_694 = arith.constant 0 : i32
      %dma_wait3A_695 = tpu.memref_slice %arg2[%dma_wait3A_693, %dma_wait3A_694] : memref<20000x128xf32, #tpu.memory_space<hbm>> -> memref<20000x128xf32, #tpu.memory_space<hbm>>
      tpu.wait_indirect_dma semaphore(%arg25 : memref<!tpu.dma_semaphore, #tpu.memory_space<semaphore_mem>>) src(%dma_wait3A_695 : memref<20000x128xf32, #tpu.memory_space<hbm>>) dst(%arg13 : memref<100x128xf32, #tpu.memory_space<vmem>>)
      %dma_start3A_696 = arith.constant 1 : i32
      %dma_start3A_697 = arith.constant 0 : i32
      %dma_start3A_698 = tpu.memref_slice %arg10[%dma_start3A_696, %dma_start3A_697] : memref<2x100xi32, #tpu.memory_space<vmem>> -> memref<1x100xi32, #tpu.memory_space<vmem>>
      %dma_start3A_699 = tpu.memref_squeeze %dma_start3A_698 : memref<1x100xi32, #tpu.memory_space<vmem>> -> memref<100xi32, #tpu.memory_space<vmem>>
      %dma_start3A_700 = arith.constant 0 : i32
      %dma_start3A_701 = arith.constant 0 : i32
      %dma_start3A_702 = tpu.memref_slice %arg18[%dma_start3A_700, %dma_start3A_701] : memref<10240x128xf32, #tpu.memory_space<vmem_shared>> -> memref<10240x128xf32, #tpu.memory_space<vmem_shared>>
      tpu.enqueue_indirect_dma source(%arg13 : memref<100x128xf32, #tpu.memory_space<vmem>>) target(%dma_start3A_702 : memref<10240x128xf32, #tpu.memory_space<vmem_shared>>) offsets(%dma_start3A_699 : memref<100xi32, #tpu.memory_space<vmem>>) semaphore(%arg27 : memref<!tpu.dma_semaphore, #tpu.memory_space<semaphore_mem>>) {add = true}
      %mul3A_703 = arith.constant 2 : i32
      %mul3A_704 = arith.muli %mul3A_703, %scan3A_620 : i32
      %add3A_705 = arith.constant 1 : i32
      %add3A_706 = arith.addi %mul3A_704, %add3A_705 : i32
      %ge3A_707 = arith.constant 1 : i32
      %ge3A_708 = arith.cmpi sge, %add3A_706, %ge3A_707 : i32
      %convert_element_type3A_709 = arith.extui %ge3A_708 : i1 to i32
      %cond3A_710 = arith.constant 0 : i32
      %cond3A_711 = arith.cmpi ne, %convert_element_type3A_709, %cond3A_710 : i32
      scf.if %cond3A_711 {
        %dma_wait3A_788 = arith.constant 1 : i32
        %dma_wait3A_789 = arith.constant 0 : i32
        %dma_wait3A_790 = tpu.memref_slice %arg11[%dma_wait3A_788, %dma_wait3A_789] : memref<2x100xi32, #tpu.memory_space<vmem>> -> memref<1x100xi32, #tpu.memory_space<vmem>>
        %dma_wait3A_791 = tpu.memref_squeeze %dma_wait3A_790 : memref<1x100xi32, #tpu.memory_space<vmem>> -> memref<100xi32, #tpu.memory_space<vmem>>
        %dma_wait3A_792 = arith.constant 0 : i32
        %dma_wait3A_793 = arith.constant 0 : i32
        %dma_wait3A_794 = tpu.memref_slice %arg18[%dma_wait3A_792, %dma_wait3A_793] : memref<10240x128xf32, #tpu.memory_space<vmem_shared>> -> memref<10240x128xf32, #tpu.memory_space<vmem_shared>>
        tpu.wait_indirect_dma semaphore(%arg27 : memref<!tpu.dma_semaphore, #tpu.memory_space<semaphore_mem>>) src(%arg13 : memref<100x128xf32, #tpu.memory_space<vmem>>) dst(%dma_wait3A_794 : memref<10240x128xf32, #tpu.memory_space<vmem_shared>>)
        %dma_wait3A_795 = arith.constant 0 : i32
        %dma_wait3A_796 = arith.constant 0 : i32
        %dma_wait3A_797 = arith.constant 0 : i32
        %dma_wait3A_798 = tpu.memref_slice %arg14[%dma_wait3A_795, %dma_wait3A_797] : memref<2x100xf32, #tpu.memory_space<vmem>> -> memref<1x100xf32, #tpu.memory_space<vmem>>
        %dma_wait3A_799 = tpu.memref_squeeze %dma_wait3A_798 : memref<1x100xf32, #tpu.memory_space<vmem>> -> memref<100xf32, #tpu.memory_space<vmem>>
        %dma_wait3A_800 = arith.constant 0 : i32
        %dma_wait3A_801 = tpu.memref_slice %arg10[%dma_wait3A_796, %dma_wait3A_800] : memref<2x100xi32, #tpu.memory_space<vmem>> -> memref<1x100xi32, #tpu.memory_space<vmem>>
        %dma_wait3A_802 = tpu.memref_squeeze %dma_wait3A_801 : memref<1x100xi32, #tpu.memory_space<vmem>> -> memref<100xi32, #tpu.memory_space<vmem>>
        %dma_wait3A_803 = arith.constant 0 : i32
        %dma_wait3A_804 = tpu.memref_slice %arg19[%dma_wait3A_803] : memref<10112xf32, #tpu.memory_space<vmem_shared>> -> memref<10112xf32, #tpu.memory_space<vmem_shared>>
        tpu.wait_indirect_dma semaphore(%arg28 : memref<!tpu.dma_semaphore, #tpu.memory_space<semaphore_mem>>) src(%dma_wait3A_799 : memref<100xf32, #tpu.memory_space<vmem>>) dst(%dma_wait3A_804 : memref<10112xf32, #tpu.memory_space<vmem_shared>>)
        %dma_wait3A_805 = arith.constant 1 : i32
        %dma_wait3A_806 = arith.constant 1 : i32
        %dma_wait3A_807 = arith.constant 0 : i32
        %dma_wait3A_808 = tpu.memref_slice %arg14[%dma_wait3A_805, %dma_wait3A_807] : memref<2x100xf32, #tpu.memory_space<vmem>> -> memref<1x100xf32, #tpu.memory_space<vmem>>
        %dma_wait3A_809 = tpu.memref_squeeze %dma_wait3A_808 : memref<1x100xf32, #tpu.memory_space<vmem>> -> memref<100xf32, #tpu.memory_space<vmem>>
        %dma_wait3A_810 = arith.constant 0 : i32
        %dma_wait3A_811 = tpu.memref_slice %arg10[%dma_wait3A_806, %dma_wait3A_810] : memref<2x100xi32, #tpu.memory_space<vmem>> -> memref<1x100xi32, #tpu.memory_space<vmem>>
        %dma_wait3A_812 = tpu.memref_squeeze %dma_wait3A_811 : memref<1x100xi32, #tpu.memory_space<vmem>> -> memref<100xi32, #tpu.memory_space<vmem>>
        %dma_wait3A_813 = arith.constant 0 : i32
        %dma_wait3A_814 = tpu.memref_slice %arg19[%dma_wait3A_813] : memref<10112xf32, #tpu.memory_space<vmem_shared>> -> memref<10112xf32, #tpu.memory_space<vmem_shared>>
        tpu.wait_indirect_dma semaphore(%arg28 : memref<!tpu.dma_semaphore, #tpu.memory_space<semaphore_mem>>) src(%dma_wait3A_809 : memref<100xf32, #tpu.memory_space<vmem>>) dst(%dma_wait3A_814 : memref<10112xf32, #tpu.memory_space<vmem_shared>>)
      } else {
      }
      %add3A_712 = arith.constant 1 : i32
      %add3A_713 = arith.addi %add3A_706, %add3A_712 : i32
      %mul3A_714 = arith.constant 2 : i32
      %mul3A_715 = arith.muli %mul3A_714, %add3A_713 : i32
      %add3A_716 = arith.addi %mul3A_2, %mul3A_715 : i32
      %dma_start3A_717 = arith.constant 0 : i32
      %dma_start3A_718 = tpu.memref_slice %arg4[%add3A_716, %dma_start3A_717] : memref<1602x100xi32, #tpu.memory_space<hbm>> -> memref<2x100xi32, #tpu.memory_space<hbm>>
      %dma_start3A_719 = arith.constant 0 : i32
      %dma_start3A_720 = tpu.memref_slice %arg4[%add3A_716, %dma_start3A_719] : memref<1602x100xi32, #tpu.memory_space<hbm>> -> memref<2x100xi32, #tpu.memory_space<hbm>>
      tpu.enqueue_dma source(%dma_start3A_720 : memref<2x100xi32, #tpu.memory_space<hbm>>) target(%arg8 : memref<2x100xi32, #tpu.memory_space<vmem>>) target_semaphore(%arg20 : memref<!tpu.dma_semaphore, #tpu.memory_space<semaphore_mem>>)
      %dma_start3A_721 = arith.constant 0 : i32
      %dma_start3A_722 = tpu.memref_slice %arg5[%add3A_716, %dma_start3A_721] : memref<1602x100xi32, #tpu.memory_space<hbm>> -> memref<2x100xi32, #tpu.memory_space<hbm>>
      %dma_start3A_723 = arith.constant 0 : i32
      %dma_start3A_724 = tpu.memref_slice %arg5[%add3A_716, %dma_start3A_723] : memref<1602x100xi32, #tpu.memory_space<hbm>> -> memref<2x100xi32, #tpu.memory_space<hbm>>
      tpu.enqueue_dma source(%dma_start3A_724 : memref<2x100xi32, #tpu.memory_space<hbm>>) target(%arg10 : memref<2x100xi32, #tpu.memory_space<vmem>>) target_semaphore(%arg22 : memref<!tpu.dma_semaphore, #tpu.memory_space<semaphore_mem>>)
      %dma_start3A_725 = arith.constant 1 : i32
      %dma_start3A_726 = arith.constant 0 : i32
      %dma_start3A_727 = tpu.memref_slice %arg9[%dma_start3A_725, %dma_start3A_726] : memref<2x100xi32, #tpu.memory_space<vmem>> -> memref<1x100xi32, #tpu.memory_space<vmem>>
      %dma_start3A_728 = tpu.memref_squeeze %dma_start3A_727 : memref<1x100xi32, #tpu.memory_space<vmem>> -> memref<100xi32, #tpu.memory_space<vmem>>
      %dma_start3A_729 = arith.constant 0 : i32
      %dma_start3A_730 = arith.constant 0 : i32
      %dma_start3A_731 = tpu.memref_slice %arg2[%dma_start3A_729, %dma_start3A_730] : memref<20000x128xf32, #tpu.memory_space<hbm>> -> memref<20000x128xf32, #tpu.memory_space<hbm>>
      tpu.enqueue_indirect_dma source(%dma_start3A_731 : memref<20000x128xf32, #tpu.memory_space<hbm>>) target(%arg13 : memref<100x128xf32, #tpu.memory_space<vmem>>) offsets(%dma_start3A_728 : memref<100xi32, #tpu.memory_space<vmem>>) semaphore(%arg25 : memref<!tpu.dma_semaphore, #tpu.memory_space<semaphore_mem>>)
      %dma_wait3A_732 = arith.constant 0 : i32
      %dma_wait3A_733 = arith.constant 0 : i32
      %dma_wait3A_734 = tpu.memref_slice %arg9[%dma_wait3A_732, %dma_wait3A_733] : memref<2x100xi32, #tpu.memory_space<vmem>> -> memref<1x100xi32, #tpu.memory_space<vmem>>
      %dma_wait3A_735 = tpu.memref_squeeze %dma_wait3A_734 : memref<1x100xi32, #tpu.memory_space<vmem>> -> memref<100xi32, #tpu.memory_space<vmem>>
      %dma_wait3A_736 = arith.constant 0 : i32
      %dma_wait3A_737 = arith.constant 0 : i32
      %dma_wait3A_738 = tpu.memref_slice %arg2[%dma_wait3A_736, %dma_wait3A_737] : memref<20000x128xf32, #tpu.memory_space<hbm>> -> memref<20000x128xf32, #tpu.memory_space<hbm>>
      tpu.wait_indirect_dma semaphore(%arg24 : memref<!tpu.dma_semaphore, #tpu.memory_space<semaphore_mem>>) src(%dma_wait3A_738 : memref<20000x128xf32, #tpu.memory_space<hbm>>) dst(%arg12 : memref<100x128xf32, #tpu.memory_space<vmem>>)
      %dma_start3A_739 = arith.constant 0 : i32
      %dma_start3A_740 = arith.constant 0 : i32
      %dma_start3A_741 = tpu.memref_slice %arg11[%dma_start3A_739, %dma_start3A_740] : memref<2x100xi32, #tpu.memory_space<vmem>> -> memref<1x100xi32, #tpu.memory_space<vmem>>
      %dma_start3A_742 = tpu.memref_squeeze %dma_start3A_741 : memref<1x100xi32, #tpu.memory_space<vmem>> -> memref<100xi32, #tpu.memory_space<vmem>>
      %dma_start3A_743 = arith.constant 0 : i32
      %dma_start3A_744 = arith.constant 0 : i32
      %dma_start3A_745 = tpu.memref_slice %arg18[%dma_start3A_743, %dma_start3A_744] : memref<10240x128xf32, #tpu.memory_space<vmem_shared>> -> memref<10240x128xf32, #tpu.memory_space<vmem_shared>>
      tpu.enqueue_indirect_dma source(%arg12 : memref<100x128xf32, #tpu.memory_space<vmem>>) target(%dma_start3A_745 : memref<10240x128xf32, #tpu.memory_space<vmem_shared>>) offsets(%dma_start3A_742 : memref<100xi32, #tpu.memory_space<vmem>>) semaphore(%arg26 : memref<!tpu.dma_semaphore, #tpu.memory_space<semaphore_mem>>) {add = true}
      %add3A_746 = arith.constant 1 : i32
      %add3A_747 = arith.addi %add3A_706, %add3A_746 : i32
      %lt3A_748 = arith.constant 50 : i32
      %lt3A_749 = arith.cmpi slt, %add3A_747, %lt3A_748 : i32
      %convert_element_type3A_750 = arith.extui %lt3A_749 : i1 to i32
      %cond3A_751 = arith.constant 0 : i32
      %cond3A_752 = arith.cmpi ne, %convert_element_type3A_750, %cond3A_751 : i32
      scf.if %cond3A_752 {
        %add3A_788 = arith.constant 1 : i32
        %add3A_789 = arith.addi %add3A_706, %add3A_788 : i32
        %mul3A_790 = arith.constant 2 : i32
        %mul3A_791 = arith.muli %mul3A_790, %add3A_789 : i32
        %add3A_792 = arith.addi %mul3A_2, %mul3A_791 : i32
        %dma_wait3A_793 = arith.constant 0 : i32
        %dma_wait3A_794 = tpu.memref_slice %arg4[%add3A_792, %dma_wait3A_793] : memref<1602x100xi32, #tpu.memory_space<hbm>> -> memref<2x100xi32, #tpu.memory_space<hbm>>
        %dma_wait3A_795 = arith.constant 0 : i32
        %dma_wait3A_796 = tpu.memref_slice %arg4[%add3A_792, %dma_wait3A_795] : memref<1602x100xi32, #tpu.memory_space<hbm>> -> memref<2x100xi32, #tpu.memory_space<hbm>>
        tpu.wait_dma2 semaphore(%arg20 : memref<!tpu.dma_semaphore, #tpu.memory_space<semaphore_mem>>) src(%dma_wait3A_796 : memref<2x100xi32, #tpu.memory_space<hbm>>) dst(%arg8 : memref<2x100xi32, #tpu.memory_space<vmem>>)
        %dma_wait3A_797 = arith.constant 0 : i32
        %dma_wait3A_798 = tpu.memref_slice %arg5[%add3A_792, %dma_wait3A_797] : memref<1602x100xi32, #tpu.memory_space<hbm>> -> memref<2x100xi32, #tpu.memory_space<hbm>>
        %dma_wait3A_799 = arith.constant 0 : i32
        %dma_wait3A_800 = tpu.memref_slice %arg5[%add3A_792, %dma_wait3A_799] : memref<1602x100xi32, #tpu.memory_space<hbm>> -> memref<2x100xi32, #tpu.memory_space<hbm>>
        tpu.wait_dma2 semaphore(%arg22 : memref<!tpu.dma_semaphore, #tpu.memory_space<semaphore_mem>>) src(%dma_wait3A_800 : memref<2x100xi32, #tpu.memory_space<hbm>>) dst(%arg10 : memref<2x100xi32, #tpu.memory_space<vmem>>)
        %iota3A_801 = tpu.iota {dimensions = array<i32: 0>} : vector<16xi32>
        %get3A_802 = arith.constant 0 : i32
        %get3A_803 = arith.index_cast %get3A_802 : i32 to index
        %get3A_804 = arith.constant 0 : index
        %get3A_805 = tpu.vector_load %arg8[%get3A_803, %get3A_804] {strides = array<i32>} : memref<2x100xi32, #tpu.memory_space<vmem>>, vector<16xi32>,
        %gather3A_806 = tpu.vector_load_idx %arg16[%get3A_805] : memref<10000xf32, #tpu.memory_space<vmem>>[vector<16xi32>], vector<16xf32>,
        %swap3A_807 = arith.constant 0 : i32
        %swap3A_808 = arith.index_cast %swap3A_807 : i32 to index
        %swap3A_809 = arith.constant 0 : index
        %swap3A_810 = tpu.vector_load %arg14[%swap3A_808, %swap3A_809] {strides = array<i32>} : memref<2x100xf32, #tpu.memory_space<vmem>>, vector<16xf32>,
        tpu.vector_store %arg14[%swap3A_808, %swap3A_809], %gather3A_806 {strides = array<i32>} : memref<2x100xf32, #tpu.memory_space<vmem>>, vector<16xf32>,
        %get3A_811 = arith.constant 0 : i32
        %get3A_812 = arith.index_cast %get3A_811 : i32 to index
        %get3A_813 = arith.constant 16 : index
        %get3A_814 = tpu.vector_load %arg8[%get3A_812, %get3A_813] {strides = array<i32>} : memref<2x100xi32, #tpu.memory_space<vmem>>, vector<16xi32>,
        %gather3A_815 = tpu.vector_load_idx %arg16[%get3A_814] : memref<10000xf32, #tpu.memory_space<vmem>>[vector<16xi32>], vector<16xf32>,
        %swap3A_816 = arith.constant 0 : i32
        %swap3A_817 = arith.index_cast %swap3A_816 : i32 to index
        %swap3A_818 = arith.constant 16 : index
        %swap3A_819 = tpu.vector_load %arg14[%swap3A_817, %swap3A_818] {strides = array<i32>} : memref<2x100xf32, #tpu.memory_space<vmem>>, vector<16xf32>,
        tpu.vector_store %arg14[%swap3A_817, %swap3A_818], %gather3A_815 {strides = array<i32>} : memref<2x100xf32, #tpu.memory_space<vmem>>, vector<16xf32>,
        %get3A_820 = arith.constant 0 : i32
        %get3A_821 = arith.index_cast %get3A_820 : i32 to index
        %get3A_822 = arith.constant 32 : index
        %get3A_823 = tpu.vector_load %arg8[%get3A_821, %get3A_822] {strides = array<i32>} : memref<2x100xi32, #tpu.memory_space<vmem>>, vector<16xi32>,
        %gather3A_824 = tpu.vector_load_idx %arg16[%get3A_823] : memref<10000xf32, #tpu.memory_space<vmem>>[vector<16xi32>], vector<16xf32>,
        %swap3A_825 = arith.constant 0 : i32
        %swap3A_826 = arith.index_cast %swap3A_825 : i32 to index
        %swap3A_827 = arith.constant 32 : index
        %swap3A_828 = tpu.vector_load %arg14[%swap3A_826, %swap3A_827] {strides = array<i32>} : memref<2x100xf32, #tpu.memory_space<vmem>>, vector<16xf32>,
        tpu.vector_store %arg14[%swap3A_826, %swap3A_827], %gather3A_824 {strides = array<i32>} : memref<2x100xf32, #tpu.memory_space<vmem>>, vector<16xf32>,
        %get3A_829 = arith.constant 0 : i32
        %get3A_830 = arith.index_cast %get3A_829 : i32 to index
        %get3A_831 = arith.constant 48 : index
        %get3A_832 = tpu.vector_load %arg8[%get3A_830, %get3A_831] {strides = array<i32>} : memref<2x100xi32, #tpu.memory_space<vmem>>, vector<16xi32>,
        %gather3A_833 = tpu.vector_load_idx %arg16[%get3A_832] : memref<10000xf32, #tpu.memory_space<vmem>>[vector<16xi32>], vector<16xf32>,
        %swap3A_834 = arith.constant 0 : i32
        %swap3A_835 = arith.index_cast %swap3A_834 : i32 to index
        %swap3A_836 = arith.constant 48 : index
        %swap3A_837 = tpu.vector_load %arg14[%swap3A_835, %swap3A_836] {strides = array<i32>} : memref<2x100xf32, #tpu.memory_space<vmem>>, vector<16xf32>,
        tpu.vector_store %arg14[%swap3A_835, %swap3A_836], %gather3A_833 {strides = array<i32>} : memref<2x100xf32, #tpu.memory_space<vmem>>, vector<16xf32>,
        %get3A_838 = arith.constant 0 : i32
        %get3A_839 = arith.index_cast %get3A_838 : i32 to index
        %get3A_840 = arith.constant 64 : index
        %get3A_841 = tpu.vector_load %arg8[%get3A_839, %get3A_840] {strides = array<i32>} : memref<2x100xi32, #tpu.memory_space<vmem>>, vector<16xi32>,
        %gather3A_842 = tpu.vector_load_idx %arg16[%get3A_841] : memref<10000xf32, #tpu.memory_space<vmem>>[vector<16xi32>], vector<16xf32>,
        %swap3A_843 = arith.constant 0 : i32
        %swap3A_844 = arith.index_cast %swap3A_843 : i32 to index
        %swap3A_845 = arith.constant 64 : index
        %swap3A_846 = tpu.vector_load %arg14[%swap3A_844, %swap3A_845] {strides = array<i32>} : memref<2x100xf32, #tpu.memory_space<vmem>>, vector<16xf32>,
        tpu.vector_store %arg14[%swap3A_844, %swap3A_845], %gather3A_842 {strides = array<i32>} : memref<2x100xf32, #tpu.memory_space<vmem>>, vector<16xf32>,
        %get3A_847 = arith.constant 0 : i32
        %get3A_848 = arith.index_cast %get3A_847 : i32 to index
        %get3A_849 = arith.constant 80 : index
        %get3A_850 = tpu.vector_load %arg8[%get3A_848, %get3A_849] {strides = array<i32>} : memref<2x100xi32, #tpu.memory_space<vmem>>, vector<16xi32>,
        %gather3A_851 = tpu.vector_load_idx %arg16[%get3A_850] : memref<10000xf32, #tpu.memory_space<vmem>>[vector<16xi32>], vector<16xf32>,
        %swap3A_852 = arith.constant 0 : i32
        %swap3A_853 = arith.index_cast %swap3A_852 : i32 to index
        %swap3A_854 = arith.constant 80 : index
        %swap3A_855 = tpu.vector_load %arg14[%swap3A_853, %swap3A_854] {strides = array<i32>} : memref<2x100xf32, #tpu.memory_space<vmem>>, vector<16xf32>,
        tpu.vector_store %arg14[%swap3A_853, %swap3A_854], %gather3A_851 {strides = array<i32>} : memref<2x100xf32, #tpu.memory_space<vmem>>, vector<16xf32>,
        %get3A_856 = arith.constant 0 : i32
        %get3A_857 = arith.index_cast %get3A_856 : i32 to index
        %get3A_858 = arith.constant 84 : index
        %get3A_859 = tpu.vector_load %arg8[%get3A_857, %get3A_858] {strides = array<i32>} : memref<2x100xi32, #tpu.memory_space<vmem>>, vector<16xi32>,
        %gather3A_860 = tpu.vector_load_idx %arg16[%get3A_859] : memref<10000xf32, #tpu.memory_space<vmem>>[vector<16xi32>], vector<16xf32>,
        %ge3A_861 = arith.constant 12 : i32
        %ge3A_862 = vector.broadcast %ge3A_861 : i32 to vector<16xi32>
        %ge3A_863 = arith.cmpi sge, %iota3A_801, %ge3A_862 : vector<16xi32>
        %get3A_864 = arith.constant 0 : i32
        %get3A_865 = arith.index_cast %get3A_864 : i32 to index
        %get3A_866 = arith.constant 84 : index
        %get3A_867 = tpu.vector_load %arg14[%get3A_865, %get3A_866] {strides = array<i32>} : memref<2x100xf32, #tpu.memory_space<vmem>>, vector<16xf32>,
        %select_n3A_868 = arith.select %ge3A_863, %gather3A_860, %get3A_867 : vector<16xi1>, vector<16xf32>
        %swap3A_869 = arith.constant 0 : i32
        %swap3A_870 = arith.index_cast %swap3A_869 : i32 to index
        %swap3A_871 = arith.constant 84 : index
        %swap3A_872 = tpu.vector_load %arg14[%swap3A_870, %swap3A_871] {strides = array<i32>} : memref<2x100xf32, #tpu.memory_space<vmem>>, vector<16xf32>,
        tpu.vector_store %arg14[%swap3A_870, %swap3A_871], %select_n3A_868 {strides = array<i32>} : memref<2x100xf32, #tpu.memory_space<vmem>>, vector<16xf32>,
        %get3A_873 = arith.constant 0 : i32
        %get3A_874 = arith.index_cast %get3A_873 : i32 to index
        %get3A_875 = arith.constant 0 : index
        %get3A_876 = tpu.vector_load %arg8[%get3A_874, %get3A_875] {strides = array<i32>} : memref<2x100xi32, #tpu.memory_space<vmem>>, vector<16xi32>,
        %add3A_877 = vector.broadcast %mul3A_0 : i32 to vector<16xi32>
        %add3A_878 = arith.addi %get3A_876, %add3A_877 : vector<16xi32>
        %swap3A_879 = arith.constant 0 : i32
        %swap3A_880 = arith.index_cast %swap3A_879 : i32 to index
        %swap3A_881 = arith.constant 0 : index
        %swap3A_882 = tpu.vector_load %arg8[%swap3A_880, %swap3A_881] {strides = array<i32>} : memref<2x100xi32, #tpu.memory_space<vmem>>, vector<16xi32>,
        tpu.vector_store %arg8[%swap3A_880, %swap3A_881], %add3A_878 {strides = array<i32>} : memref<2x100xi32, #tpu.memory_space<vmem>>, vector<16xi32>,
        %get3A_883 = arith.constant 0 : i32
        %get3A_884 = arith.index_cast %get3A_883 : i32 to index
        %get3A_885 = arith.constant 16 : index
        %get3A_886 = tpu.vector_load %arg8[%get3A_884, %get3A_885] {strides = array<i32>} : memref<2x100xi32, #tpu.memory_space<vmem>>, vector<16xi32>,
        %add3A_887 = vector.broadcast %mul3A_0 : i32 to vector<16xi32>
        %add3A_888 = arith.addi %get3A_886, %add3A_887 : vector<16xi32>
        %swap3A_889 = arith.constant 0 : i32
        %swap3A_890 = arith.index_cast %swap3A_889 : i32 to index
        %swap3A_891 = arith.constant 16 : index
        %swap3A_892 = tpu.vector_load %arg8[%swap3A_890, %swap3A_891] {strides = array<i32>} : memref<2x100xi32, #tpu.memory_space<vmem>>, vector<16xi32>,
        tpu.vector_store %arg8[%swap3A_890, %swap3A_891], %add3A_888 {strides = array<i32>} : memref<2x100xi32, #tpu.memory_space<vmem>>, vector<16xi32>,
        %get3A_893 = arith.constant 0 : i32
        %get3A_894 = arith.index_cast %get3A_893 : i32 to index
        %get3A_895 = arith.constant 32 : index
        %get3A_896 = tpu.vector_load %arg8[%get3A_894, %get3A_895] {strides = array<i32>} : memref<2x100xi32, #tpu.memory_space<vmem>>, vector<16xi32>,
        %add3A_897 = vector.broadcast %mul3A_0 : i32 to vector<16xi32>
        %add3A_898 = arith.addi %get3A_896, %add3A_897 : vector<16xi32>
        %swap3A_899 = arith.constant 0 : i32
        %swap3A_900 = arith.index_cast %swap3A_899 : i32 to index
        %swap3A_901 = arith.constant 32 : index
        %swap3A_902 = tpu.vector_load %arg8[%swap3A_900, %swap3A_901] {strides = array<i32>} : memref<2x100xi32, #tpu.memory_space<vmem>>, vector<16xi32>,
        tpu.vector_store %arg8[%swap3A_900, %swap3A_901], %add3A_898 {strides = array<i32>} : memref<2x100xi32, #tpu.memory_space<vmem>>, vector<16xi32>,
        %get3A_903 = arith.constant 0 : i32
        %get3A_904 = arith.index_cast %get3A_903 : i32 to index
        %get3A_905 = arith.constant 48 : index
        %get3A_906 = tpu.vector_load %arg8[%get3A_904, %get3A_905] {strides = array<i32>} : memref<2x100xi32, #tpu.memory_space<vmem>>, vector<16xi32>,
        %add3A_907 = vector.broadcast %mul3A_0 : i32 to vector<16xi32>
        %add3A_908 = arith.addi %get3A_906, %add3A_907 : vector<16xi32>
        %swap3A_909 = arith.constant 0 : i32
        %swap3A_910 = arith.index_cast %swap3A_909 : i32 to index
        %swap3A_911 = arith.constant 48 : index
        %swap3A_912 = tpu.vector_load %arg8[%swap3A_910, %swap3A_911] {strides = array<i32>} : memref<2x100xi32, #tpu.memory_space<vmem>>, vector<16xi32>,
        tpu.vector_store %arg8[%swap3A_910, %swap3A_911], %add3A_908 {strides = array<i32>} : memref<2x100xi32, #tpu.memory_space<vmem>>, vector<16xi32>,
        %get3A_913 = arith.constant 0 : i32
        %get3A_914 = arith.index_cast %get3A_913 : i32 to index
        %get3A_915 = arith.constant 64 : index
        %get3A_916 = tpu.vector_load %arg8[%get3A_914, %get3A_915] {strides = array<i32>} : memref<2x100xi32, #tpu.memory_space<vmem>>, vector<16xi32>,
        %add3A_917 = vector.broadcast %mul3A_0 : i32 to vector<16xi32>
        %add3A_918 = arith.addi %get3A_916, %add3A_917 : vector<16xi32>
        %swap3A_919 = arith.constant 0 : i32
        %swap3A_920 = arith.index_cast %swap3A_919 : i32 to index
        %swap3A_921 = arith.constant 64 : index
        %swap3A_922 = tpu.vector_load %arg8[%swap3A_920, %swap3A_921] {strides = array<i32>} : memref<2x100xi32, #tpu.memory_space<vmem>>, vector<16xi32>,
        tpu.vector_store %arg8[%swap3A_920, %swap3A_921], %add3A_918 {strides = array<i32>} : memref<2x100xi32, #tpu.memory_space<vmem>>, vector<16xi32>,
        %get3A_923 = arith.constant 0 : i32
        %get3A_924 = arith.index_cast %get3A_923 : i32 to index
        %get3A_925 = arith.constant 80 : index
        %get3A_926 = tpu.vector_load %arg8[%get3A_924, %get3A_925] {strides = array<i32>} : memref<2x100xi32, #tpu.memory_space<vmem>>, vector<16xi32>,
        %add3A_927 = vector.broadcast %mul3A_0 : i32 to vector<16xi32>
        %add3A_928 = arith.addi %get3A_926, %add3A_927 : vector<16xi32>
        %swap3A_929 = arith.constant 0 : i32
        %swap3A_930 = arith.index_cast %swap3A_929 : i32 to index
        %swap3A_931 = arith.constant 80 : index
        %swap3A_932 = tpu.vector_load %arg8[%swap3A_930, %swap3A_931] {strides = array<i32>} : memref<2x100xi32, #tpu.memory_space<vmem>>, vector<16xi32>,
        tpu.vector_store %arg8[%swap3A_930, %swap3A_931], %add3A_928 {strides = array<i32>} : memref<2x100xi32, #tpu.memory_space<vmem>>, vector<16xi32>,
        %get3A_933 = arith.constant 0 : i32
        %get3A_934 = arith.index_cast %get3A_933 : i32 to index
        %get3A_935 = arith.constant 84 : index
        %get3A_936 = tpu.vector_load %arg8[%get3A_934, %get3A_935] {strides = array<i32>} : memref<2x100xi32, #tpu.memory_space<vmem>>, vector<16xi32>,
        %ge3A_937 = arith.constant 12 : i32
        %ge3A_938 = vector.broadcast %ge3A_937 : i32 to vector<16xi32>
        %ge3A_939 = arith.cmpi sge, %iota3A_801, %ge3A_938 : vector<16xi32>
        %jit3A_940 = arith.constant 0 : i32
        %broadcast_in_dim3A_941 = vector.broadcast %mul3A_0 : i32 to vector<16xi32>
        %broadcast_in_dim3A_942 = vector.broadcast %jit3A_940 : i32 to vector<16xi32>
        %select_n3A_943 = arith.select %ge3A_939, %broadcast_in_dim3A_941, %broadcast_in_dim3A_942 : vector<16xi1>, vector<16xi32>
        %add3A_944 = arith.addi %get3A_936, %select_n3A_943 : vector<16xi32>
        %swap3A_945 = arith.constant 0 : i32
        %swap3A_946 = arith.index_cast %swap3A_945 : i32 to index
        %swap3A_947 = arith.constant 84 : index
        %swap3A_948 = tpu.vector_load %arg8[%swap3A_946, %swap3A_947] {strides = array<i32>} : memref<2x100xi32, #tpu.memory_space<vmem>>, vector<16xi32>,
        tpu.vector_store %arg8[%swap3A_946, %swap3A_947], %add3A_944 {strides = array<i32>} : memref<2x100xi32, #tpu.memory_space<vmem>>, vector<16xi32>,
        %get3A_949 = arith.constant 1 : i32
        %get3A_950 = arith.index_cast %get3A_949 : i32 to index
        %get3A_951 = arith.constant 0 : index
        %get3A_952 = tpu.vector_load %arg8[%get3A_950, %get3A_951] {strides = array<i32>} : memref<2x100xi32, #tpu.memory_space<vmem>>, vector<16xi32>,
        %gather3A_953 = tpu.vector_load_idx %arg16[%get3A_952] : memref<10000xf32, #tpu.memory_space<vmem>>[vector<16xi32>], vector<16xf32>,
        %swap3A_954 = arith.constant 1 : i32
        %swap3A_955 = arith.index_cast %swap3A_954 : i32 to index
        %swap3A_956 = arith.constant 0 : index
        %swap3A_957 = tpu.vector_load %arg14[%swap3A_955, %swap3A_956] {strides = array<i32>} : memref<2x100xf32, #tpu.memory_space<vmem>>, vector<16xf32>,
        tpu.vector_store %arg14[%swap3A_955, %swap3A_956], %gather3A_953 {strides = array<i32>} : memref<2x100xf32, #tpu.memory_space<vmem>>, vector<16xf32>,
        %get3A_958 = arith.constant 1 : i32
        %get3A_959 = arith.index_cast %get3A_958 : i32 to index
        %get3A_960 = arith.constant 16 : index
        %get3A_961 = tpu.vector_load %arg8[%get3A_959, %get3A_960] {strides = array<i32>} : memref<2x100xi32, #tpu.memory_space<vmem>>, vector<16xi32>,
        %gather3A_962 = tpu.vector_load_idx %arg16[%get3A_961] : memref<10000xf32, #tpu.memory_space<vmem>>[vector<16xi32>], vector<16xf32>,
        %swap3A_963 = arith.constant 1 : i32
        %swap3A_964 = arith.index_cast %swap3A_963 : i32 to index
        %swap3A_965 = arith.constant 16 : index
        %swap3A_966 = tpu.vector_load %arg14[%swap3A_964, %swap3A_965] {strides = array<i32>} : memref<2x100xf32, #tpu.memory_space<vmem>>, vector<16xf32>,
        tpu.vector_store %arg14[%swap3A_964, %swap3A_965], %gather3A_962 {strides = array<i32>} : memref<2x100xf32, #tpu.memory_space<vmem>>, vector<16xf32>,
        %get3A_967 = arith.constant 1 : i32
        %get3A_968 = arith.index_cast %get3A_967 : i32 to index
        %get3A_969 = arith.constant 32 : index
        %get3A_970 = tpu.vector_load %arg8[%get3A_968, %get3A_969] {strides = array<i32>} : memref<2x100xi32, #tpu.memory_space<vmem>>, vector<16xi32>,
        %gather3A_971 = tpu.vector_load_idx %arg16[%get3A_970] : memref<10000xf32, #tpu.memory_space<vmem>>[vector<16xi32>], vector<16xf32>,
        %swap3A_972 = arith.constant 1 : i32
        %swap3A_973 = arith.index_cast %swap3A_972 : i32 to index
        %swap3A_974 = arith.constant 32 : index
        %swap3A_975 = tpu.vector_load %arg14[%swap3A_973, %swap3A_974] {strides = array<i32>} : memref<2x100xf32, #tpu.memory_space<vmem>>, vector<16xf32>,
        tpu.vector_store %arg14[%swap3A_973, %swap3A_974], %gather3A_971 {strides = array<i32>} : memref<2x100xf32, #tpu.memory_space<vmem>>, vector<16xf32>,
        %get3A_976 = arith.constant 1 : i32
        %get3A_977 = arith.index_cast %get3A_976 : i32 to index
        %get3A_978 = arith.constant 48 : index
        %get3A_979 = tpu.vector_load %arg8[%get3A_977, %get3A_978] {strides = array<i32>} : memref<2x100xi32, #tpu.memory_space<vmem>>, vector<16xi32>,
        %gather3A_980 = tpu.vector_load_idx %arg16[%get3A_979] : memref<10000xf32, #tpu.memory_space<vmem>>[vector<16xi32>], vector<16xf32>,
        %swap3A_981 = arith.constant 1 : i32
        %swap3A_982 = arith.index_cast %swap3A_981 : i32 to index
        %swap3A_983 = arith.constant 48 : index
        %swap3A_984 = tpu.vector_load %arg14[%swap3A_982, %swap3A_983] {strides = array<i32>} : memref<2x100xf32, #tpu.memory_space<vmem>>, vector<16xf32>,
        tpu.vector_store %arg14[%swap3A_982, %swap3A_983], %gather3A_980 {strides = array<i32>} : memref<2x100xf32, #tpu.memory_space<vmem>>, vector<16xf32>,
        %get3A_985 = arith.constant 1 : i32
        %get3A_986 = arith.index_cast %get3A_985 : i32 to index
        %get3A_987 = arith.constant 64 : index
        %get3A_988 = tpu.vector_load %arg8[%get3A_986, %get3A_987] {strides = array<i32>} : memref<2x100xi32, #tpu.memory_space<vmem>>, vector<16xi32>,
        %gather3A_989 = tpu.vector_load_idx %arg16[%get3A_988] : memref<10000xf32, #tpu.memory_space<vmem>>[vector<16xi32>], vector<16xf32>,
        %swap3A_990 = arith.constant 1 : i32
        %swap3A_991 = arith.index_cast %swap3A_990 : i32 to index
        %swap3A_992 = arith.constant 64 : index
        %swap3A_993 = tpu.vector_load %arg14[%swap3A_991, %swap3A_992] {strides = array<i32>} : memref<2x100xf32, #tpu.memory_space<vmem>>, vector<16xf32>,
        tpu.vector_store %arg14[%swap3A_991, %swap3A_992], %gather3A_989 {strides = array<i32>} : memref<2x100xf32, #tpu.memory_space<vmem>>, vector<16xf32>,
        %get3A_994 = arith.constant 1 : i32
        %get3A_995 = arith.index_cast %get3A_994 : i32 to index
        %get3A_996 = arith.constant 80 : index
        %get3A_997 = tpu.vector_load %arg8[%get3A_995, %get3A_996] {strides = array<i32>} : memref<2x100xi32, #tpu.memory_space<vmem>>, vector<16xi32>,
        %gather3A_998 = tpu.vector_load_idx %arg16[%get3A_997] : memref<10000xf32, #tpu.memory_space<vmem>>[vector<16xi32>], vector<16xf32>,
        %swap3A_999 = arith.constant 1 : i32
        %swap3A_1000 = arith.index_cast %swap3A_999 : i32 to index
        %swap3A_1001 = arith.constant 80 : index
        %swap3A_1002 = tpu.vector_load %arg14[%swap3A_1000, %swap3A_1001] {strides = array<i32>} : memref<2x100xf32, #tpu.memory_space<vmem>>, vector<16xf32>,
        tpu.vector_store %arg14[%swap3A_1000, %swap3A_1001], %gather3A_998 {strides = array<i32>} : memref<2x100xf32, #tpu.memory_space<vmem>>, vector<16xf32>,
        %get3A_1003 = arith.constant 1 : i32
        %get3A_1004 = arith.index_cast %get3A_1003 : i32 to index
        %get3A_1005 = arith.constant 84 : index
        %get3A_1006 = tpu.vector_load %arg8[%get3A_1004, %get3A_1005] {strides = array<i32>} : memref<2x100xi32, #tpu.memory_space<vmem>>, vector<16xi32>,
        %gather3A_1007 = tpu.vector_load_idx %arg16[%get3A_1006] : memref<10000xf32, #tpu.memory_space<vmem>>[vector<16xi32>], vector<16xf32>,
        %ge3A_1008 = arith.constant 12 : i32
        %ge3A_1009 = vector.broadcast %ge3A_1008 : i32 to vector<16xi32>
        %ge3A_1010 = arith.cmpi sge, %iota3A_801, %ge3A_1009 : vector<16xi32>
        %get3A_1011 = arith.constant 1 : i32
        %get3A_1012 = arith.index_cast %get3A_1011 : i32 to index
        %get3A_1013 = arith.constant 84 : index
        %get3A_1014 = tpu.vector_load %arg14[%get3A_1012, %get3A_1013] {strides = array<i32>} : memref<2x100xf32, #tpu.memory_space<vmem>>, vector<16xf32>,
        %select_n3A_1015 = arith.select %ge3A_1010, %gather3A_1007, %get3A_1014 : vector<16xi1>, vector<16xf32>
        %swap3A_1016 = arith.constant 1 : i32
        %swap3A_1017 = arith.index_cast %swap3A_1016 : i32 to index
        %swap3A_1018 = arith.constant 84 : index
        %swap3A_1019 = tpu.vector_load %arg14[%swap3A_1017, %swap3A_1018] {strides = array<i32>} : memref<2x100xf32, #tpu.memory_space<vmem>>, vector<16xf32>,
        tpu.vector_store %arg14[%swap3A_1017, %swap3A_1018], %select_n3A_1015 {strides = array<i32>} : memref<2x100xf32, #tpu.memory_space<vmem>>, vector<16xf32>,
        %get3A_1020 = arith.constant 1 : i32
        %get3A_1021 = arith.index_cast %get3A_1020 : i32 to index
        %get3A_1022 = arith.constant 0 : index
        %get3A_1023 = tpu.vector_load %arg8[%get3A_1021, %get3A_1022] {strides = array<i32>} : memref<2x100xi32, #tpu.memory_space<vmem>>, vector<16xi32>,
        %add3A_1024 = vector.broadcast %mul3A_0 : i32 to vector<16xi32>
        %add3A_1025 = arith.addi %get3A_1023, %add3A_1024 : vector<16xi32>
        %swap3A_1026 = arith.constant 1 : i32
        %swap3A_1027 = arith.index_cast %swap3A_1026 : i32 to index
        %swap3A_1028 = arith.constant 0 : index
        %swap3A_1029 = tpu.vector_load %arg8[%swap3A_1027, %swap3A_1028] {strides = array<i32>} : memref<2x100xi32, #tpu.memory_space<vmem>>, vector<16xi32>,
        tpu.vector_store %arg8[%swap3A_1027, %swap3A_1028], %add3A_1025 {strides = array<i32>} : memref<2x100xi32, #tpu.memory_space<vmem>>, vector<16xi32>,
        %get3A_1030 = arith.constant 1 : i32
        %get3A_1031 = arith.index_cast %get3A_1030 : i32 to index
        %get3A_1032 = arith.constant 16 : index
        %get3A_1033 = tpu.vector_load %arg8[%get3A_1031, %get3A_1032] {strides = array<i32>} : memref<2x100xi32, #tpu.memory_space<vmem>>, vector<16xi32>,
        %add3A_1034 = vector.broadcast %mul3A_0 : i32 to vector<16xi32>
        %add3A_1035 = arith.addi %get3A_1033, %add3A_1034 : vector<16xi32>
        %swap3A_1036 = arith.constant 1 : i32
        %swap3A_1037 = arith.index_cast %swap3A_1036 : i32 to index
        %swap3A_1038 = arith.constant 16 : index
        %swap3A_1039 = tpu.vector_load %arg8[%swap3A_1037, %swap3A_1038] {strides = array<i32>} : memref<2x100xi32, #tpu.memory_space<vmem>>, vector<16xi32>,
        tpu.vector_store %arg8[%swap3A_1037, %swap3A_1038], %add3A_1035 {strides = array<i32>} : memref<2x100xi32, #tpu.memory_space<vmem>>, vector<16xi32>,
        %get3A_1040 = arith.constant 1 : i32
        %get3A_1041 = arith.index_cast %get3A_1040 : i32 to index
        %get3A_1042 = arith.constant 32 : index
        %get3A_1043 = tpu.vector_load %arg8[%get3A_1041, %get3A_1042] {strides = array<i32>} : memref<2x100xi32, #tpu.memory_space<vmem>>, vector<16xi32>,
        %add3A_1044 = vector.broadcast %mul3A_0 : i32 to vector<16xi32>
        %add3A_1045 = arith.addi %get3A_1043, %add3A_1044 : vector<16xi32>
        %swap3A_1046 = arith.constant 1 : i32
        %swap3A_1047 = arith.index_cast %swap3A_1046 : i32 to index
        %swap3A_1048 = arith.constant 32 : index
        %swap3A_1049 = tpu.vector_load %arg8[%swap3A_1047, %swap3A_1048] {strides = array<i32>} : memref<2x100xi32, #tpu.memory_space<vmem>>, vector<16xi32>,
        tpu.vector_store %arg8[%swap3A_1047, %swap3A_1048], %add3A_1045 {strides = array<i32>} : memref<2x100xi32, #tpu.memory_space<vmem>>, vector<16xi32>,
        %get3A_1050 = arith.constant 1 : i32
        %get3A_1051 = arith.index_cast %get3A_1050 : i32 to index
        %get3A_1052 = arith.constant 48 : index
        %get3A_1053 = tpu.vector_load %arg8[%get3A_1051, %get3A_1052] {strides = array<i32>} : memref<2x100xi32, #tpu.memory_space<vmem>>, vector<16xi32>,
        %add3A_1054 = vector.broadcast %mul3A_0 : i32 to vector<16xi32>
        %add3A_1055 = arith.addi %get3A_1053, %add3A_1054 : vector<16xi32>
        %swap3A_1056 = arith.constant 1 : i32
        %swap3A_1057 = arith.index_cast %swap3A_1056 : i32 to index
        %swap3A_1058 = arith.constant 48 : index
        %swap3A_1059 = tpu.vector_load %arg8[%swap3A_1057, %swap3A_1058] {strides = array<i32>} : memref<2x100xi32, #tpu.memory_space<vmem>>, vector<16xi32>,
        tpu.vector_store %arg8[%swap3A_1057, %swap3A_1058], %add3A_1055 {strides = array<i32>} : memref<2x100xi32, #tpu.memory_space<vmem>>, vector<16xi32>,
        %get3A_1060 = arith.constant 1 : i32
        %get3A_1061 = arith.index_cast %get3A_1060 : i32 to index
        %get3A_1062 = arith.constant 64 : index
        %get3A_1063 = tpu.vector_load %arg8[%get3A_1061, %get3A_1062] {strides = array<i32>} : memref<2x100xi32, #tpu.memory_space<vmem>>, vector<16xi32>,
        %add3A_1064 = vector.broadcast %mul3A_0 : i32 to vector<16xi32>
        %add3A_1065 = arith.addi %get3A_1063, %add3A_1064 : vector<16xi32>
        %swap3A_1066 = arith.constant 1 : i32
        %swap3A_1067 = arith.index_cast %swap3A_1066 : i32 to index
        %swap3A_1068 = arith.constant 64 : index
        %swap3A_1069 = tpu.vector_load %arg8[%swap3A_1067, %swap3A_1068] {strides = array<i32>} : memref<2x100xi32, #tpu.memory_space<vmem>>, vector<16xi32>,
        tpu.vector_store %arg8[%swap3A_1067, %swap3A_1068], %add3A_1065 {strides = array<i32>} : memref<2x100xi32, #tpu.memory_space<vmem>>, vector<16xi32>,
        %get3A_1070 = arith.constant 1 : i32
        %get3A_1071 = arith.index_cast %get3A_1070 : i32 to index
        %get3A_1072 = arith.constant 80 : index
        %get3A_1073 = tpu.vector_load %arg8[%get3A_1071, %get3A_1072] {strides = array<i32>} : memref<2x100xi32, #tpu.memory_space<vmem>>, vector<16xi32>,
        %add3A_1074 = vector.broadcast %mul3A_0 : i32 to vector<16xi32>
        %add3A_1075 = arith.addi %get3A_1073, %add3A_1074 : vector<16xi32>
        %swap3A_1076 = arith.constant 1 : i32
        %swap3A_1077 = arith.index_cast %swap3A_1076 : i32 to index
        %swap3A_1078 = arith.constant 80 : index
        %swap3A_1079 = tpu.vector_load %arg8[%swap3A_1077, %swap3A_1078] {strides = array<i32>} : memref<2x100xi32, #tpu.memory_space<vmem>>, vector<16xi32>,
        tpu.vector_store %arg8[%swap3A_1077, %swap3A_1078], %add3A_1075 {strides = array<i32>} : memref<2x100xi32, #tpu.memory_space<vmem>>, vector<16xi32>,
        %get3A_1080 = arith.constant 1 : i32
        %get3A_1081 = arith.index_cast %get3A_1080 : i32 to index
        %get3A_1082 = arith.constant 84 : index
        %get3A_1083 = tpu.vector_load %arg8[%get3A_1081, %get3A_1082] {strides = array<i32>} : memref<2x100xi32, #tpu.memory_space<vmem>>, vector<16xi32>,
        %ge3A_1084 = arith.constant 12 : i32
        %ge3A_1085 = vector.broadcast %ge3A_1084 : i32 to vector<16xi32>
        %ge3A_1086 = arith.cmpi sge, %iota3A_801, %ge3A_1085 : vector<16xi32>
        %jit3A_1087 = arith.constant 0 : i32
        %broadcast_in_dim3A_1088 = vector.broadcast %mul3A_0 : i32 to vector<16xi32>
        %broadcast_in_dim3A_1089 = vector.broadcast %jit3A_1087 : i32 to vector<16xi32>
        %select_n3A_1090 = arith.select %ge3A_1086, %broadcast_in_dim3A_1088, %broadcast_in_dim3A_1089 : vector<16xi1>, vector<16xi32>
        %add3A_1091 = arith.addi %get3A_1083, %select_n3A_1090 : vector<16xi32>
        %swap3A_1092 = arith.constant 1 : i32
        %swap3A_1093 = arith.index_cast %swap3A_1092 : i32 to index
        %swap3A_1094 = arith.constant 84 : index
        %swap3A_1095 = tpu.vector_load %arg8[%swap3A_1093, %swap3A_1094] {strides = array<i32>} : memref<2x100xi32, #tpu.memory_space<vmem>>, vector<16xi32>,
        tpu.vector_store %arg8[%swap3A_1093, %swap3A_1094], %add3A_1091 {strides = array<i32>} : memref<2x100xi32, #tpu.memory_space<vmem>>, vector<16xi32>,
        %dma_start3A_1096 = arith.constant 0 : i32
        %dma_start3A_1097 = arith.constant 0 : i32
        %dma_start3A_1098 = arith.constant 0 : i32
        %dma_start3A_1099 = tpu.memref_slice %arg14[%dma_start3A_1096, %dma_start3A_1098] : memref<2x100xf32, #tpu.memory_space<vmem>> -> memref<1x100xf32, #tpu.memory_space<vmem>>
        %dma_start3A_1100 = tpu.memref_squeeze %dma_start3A_1099 : memref<1x100xf32, #tpu.memory_space<vmem>> -> memref<100xf32, #tpu.memory_space<vmem>>
        %dma_start3A_1101 = arith.constant 0 : i32
        %dma_start3A_1102 = tpu.memref_slice %arg10[%dma_start3A_1097, %dma_start3A_1101] : memref<2x100xi32, #tpu.memory_space<vmem>> -> memref<1x100xi32, #tpu.memory_space<vmem>>
        %dma_start3A_1103 = tpu.memref_squeeze %dma_start3A_1102 : memref<1x100xi32, #tpu.memory_space<vmem>> -> memref<100xi32, #tpu.memory_space<vmem>>
        %dma_start3A_1104 = arith.constant 0 : i32
        %dma_start3A_1105 = tpu.memref_slice %arg19[%dma_start3A_1104] : memref<10112xf32, #tpu.memory_space<vmem_shared>> -> memref<10112xf32, #tpu.memory_space<vmem_shared>>
        tpu.enqueue_indirect_dma source(%dma_start3A_1100 : memref<100xf32, #tpu.memory_space<vmem>>) target(%dma_start3A_1105 : memref<10112xf32, #tpu.memory_space<vmem_shared>>) offsets(%dma_start3A_1103 : memref<100xi32, #tpu.memory_space<vmem>>) semaphore(%arg28 : memref<!tpu.dma_semaphore, #tpu.memory_space<semaphore_mem>>) {add = true}
        %dma_start3A_1106 = arith.constant 1 : i32
        %dma_start3A_1107 = arith.constant 1 : i32
        %dma_start3A_1108 = arith.constant 0 : i32
        %dma_start3A_1109 = tpu.memref_slice %arg14[%dma_start3A_1106, %dma_start3A_1108] : memref<2x100xf32, #tpu.memory_space<vmem>> -> memref<1x100xf32, #tpu.memory_space<vmem>>
        %dma_start3A_1110 = tpu.memref_squeeze %dma_start3A_1109 : memref<1x100xf32, #tpu.memory_space<vmem>> -> memref<100xf32, #tpu.memory_space<vmem>>
        %dma_start3A_1111 = arith.constant 0 : i32
        %dma_start3A_1112 = tpu.memref_slice %arg10[%dma_start3A_1107, %dma_start3A_1111] : memref<2x100xi32, #tpu.memory_space<vmem>> -> memref<1x100xi32, #tpu.memory_space<vmem>>
        %dma_start3A_1113 = tpu.memref_squeeze %dma_start3A_1112 : memref<1x100xi32, #tpu.memory_space<vmem>> -> memref<100xi32, #tpu.memory_space<vmem>>
        %dma_start3A_1114 = arith.constant 0 : i32
        %dma_start3A_1115 = tpu.memref_slice %arg19[%dma_start3A_1114] : memref<10112xf32, #tpu.memory_space<vmem_shared>> -> memref<10112xf32, #tpu.memory_space<vmem_shared>>
        tpu.enqueue_indirect_dma source(%dma_start3A_1110 : memref<100xf32, #tpu.memory_space<vmem>>) target(%dma_start3A_1115 : memref<10112xf32, #tpu.memory_space<vmem_shared>>) offsets(%dma_start3A_1113 : memref<100xi32, #tpu.memory_space<vmem>>) semaphore(%arg28 : memref<!tpu.dma_semaphore, #tpu.memory_space<semaphore_mem>>) {add = true}
      } else {
      }
      %add3A_753 = arith.constant 1 : i32
      %add3A_754 = arith.addi %add3A_706, %add3A_753 : i32
      %ge3A_755 = arith.constant 50 : i32
      %ge3A_756 = arith.cmpi sge, %add3A_754, %ge3A_755 : i32
      %convert_element_type3A_757 = arith.extui %ge3A_756 : i1 to i32
      %cond3A_758 = arith.constant 0 : i32
      %cond3A_759 = arith.cmpi ne, %convert_element_type3A_757, %cond3A_758 : i32
      scf.if %cond3A_759 {
        %add3A_788 = arith.constant 1 : i32
        %add3A_789 = arith.addi %add3A_706, %add3A_788 : i32
        %mul3A_790 = arith.constant 2 : i32
        %mul3A_791 = arith.muli %mul3A_790, %add3A_789 : i32
        %add3A_792 = arith.addi %mul3A_2, %mul3A_791 : i32
        %dma_wait3A_793 = arith.constant 0 : i32
        %dma_wait3A_794 = tpu.memref_slice %arg4[%add3A_792, %dma_wait3A_793] : memref<1602x100xi32, #tpu.memory_space<hbm>> -> memref<2x100xi32, #tpu.memory_space<hbm>>
        %dma_wait3A_795 = arith.constant 0 : i32
        %dma_wait3A_796 = tpu.memref_slice %arg4[%add3A_792, %dma_wait3A_795] : memref<1602x100xi32, #tpu.memory_space<hbm>> -> memref<2x100xi32, #tpu.memory_space<hbm>>
        tpu.wait_dma2 semaphore(%arg20 : memref<!tpu.dma_semaphore, #tpu.memory_space<semaphore_mem>>) src(%dma_wait3A_796 : memref<2x100xi32, #tpu.memory_space<hbm>>) dst(%arg8 : memref<2x100xi32, #tpu.memory_space<vmem>>)
        %dma_wait3A_797 = arith.constant 0 : i32
        %dma_wait3A_798 = tpu.memref_slice %arg5[%add3A_792, %dma_wait3A_797] : memref<1602x100xi32, #tpu.memory_space<hbm>> -> memref<2x100xi32, #tpu.memory_space<hbm>>
        %dma_wait3A_799 = arith.constant 0 : i32
        %dma_wait3A_800 = tpu.memref_slice %arg5[%add3A_792, %dma_wait3A_799] : memref<1602x100xi32, #tpu.memory_space<hbm>> -> memref<2x100xi32, #tpu.memory_space<hbm>>
        tpu.wait_dma2 semaphore(%arg22 : memref<!tpu.dma_semaphore, #tpu.memory_space<semaphore_mem>>) src(%dma_wait3A_800 : memref<2x100xi32, #tpu.memory_space<hbm>>) dst(%arg10 : memref<2x100xi32, #tpu.memory_space<vmem>>)
        %iota3A_801 = tpu.iota {dimensions = array<i32: 0>} : vector<16xi32>
        %get3A_802 = arith.constant 0 : i32
        %get3A_803 = arith.index_cast %get3A_802 : i32 to index
        %get3A_804 = arith.constant 0 : index
        %get3A_805 = tpu.vector_load %arg8[%get3A_803, %get3A_804] {strides = array<i32>} : memref<2x100xi32, #tpu.memory_space<vmem>>, vector<16xi32>,
        %gather3A_806 = tpu.vector_load_idx %arg16[%get3A_805] : memref<10000xf32, #tpu.memory_space<vmem>>[vector<16xi32>], vector<16xf32>,
        %swap3A_807 = arith.constant 0 : i32
        %swap3A_808 = arith.index_cast %swap3A_807 : i32 to index
        %swap3A_809 = arith.constant 0 : index
        %swap3A_810 = tpu.vector_load %arg14[%swap3A_808, %swap3A_809] {strides = array<i32>} : memref<2x100xf32, #tpu.memory_space<vmem>>, vector<16xf32>,
        tpu.vector_store %arg14[%swap3A_808, %swap3A_809], %gather3A_806 {strides = array<i32>} : memref<2x100xf32, #tpu.memory_space<vmem>>, vector<16xf32>,
        %get3A_811 = arith.constant 0 : i32
        %get3A_812 = arith.index_cast %get3A_811 : i32 to index
        %get3A_813 = arith.constant 16 : index
        %get3A_814 = tpu.vector_load %arg8[%get3A_812, %get3A_813] {strides = array<i32>} : memref<2x100xi32, #tpu.memory_space<vmem>>, vector<16xi32>,
        %gather3A_815 = tpu.vector_load_idx %arg16[%get3A_814] : memref<10000xf32, #tpu.memory_space<vmem>>[vector<16xi32>], vector<16xf32>,
        %swap3A_816 = arith.constant 0 : i32
        %swap3A_817 = arith.index_cast %swap3A_816 : i32 to index
        %swap3A_818 = arith.constant 16 : index
        %swap3A_819 = tpu.vector_load %arg14[%swap3A_817, %swap3A_818] {strides = array<i32>} : memref<2x100xf32, #tpu.memory_space<vmem>>, vector<16xf32>,
        tpu.vector_store %arg14[%swap3A_817, %swap3A_818], %gather3A_815 {strides = array<i32>} : memref<2x100xf32, #tpu.memory_space<vmem>>, vector<16xf32>,
        %get3A_820 = arith.constant 0 : i32
        %get3A_821 = arith.index_cast %get3A_820 : i32 to index
        %get3A_822 = arith.constant 32 : index
        %get3A_823 = tpu.vector_load %arg8[%get3A_821, %get3A_822] {strides = array<i32>} : memref<2x100xi32, #tpu.memory_space<vmem>>, vector<16xi32>,
        %gather3A_824 = tpu.vector_load_idx %arg16[%get3A_823] : memref<10000xf32, #tpu.memory_space<vmem>>[vector<16xi32>], vector<16xf32>,
        %swap3A_825 = arith.constant 0 : i32
        %swap3A_826 = arith.index_cast %swap3A_825 : i32 to index
        %swap3A_827 = arith.constant 32 : index
        %swap3A_828 = tpu.vector_load %arg14[%swap3A_826, %swap3A_827] {strides = array<i32>} : memref<2x100xf32, #tpu.memory_space<vmem>>, vector<16xf32>,
        tpu.vector_store %arg14[%swap3A_826, %swap3A_827], %gather3A_824 {strides = array<i32>} : memref<2x100xf32, #tpu.memory_space<vmem>>, vector<16xf32>,
        %get3A_829 = arith.constant 0 : i32
        %get3A_830 = arith.index_cast %get3A_829 : i32 to index
        %get3A_831 = arith.constant 48 : index
        %get3A_832 = tpu.vector_load %arg8[%get3A_830, %get3A_831] {strides = array<i32>} : memref<2x100xi32, #tpu.memory_space<vmem>>, vector<16xi32>,
        %gather3A_833 = tpu.vector_load_idx %arg16[%get3A_832] : memref<10000xf32, #tpu.memory_space<vmem>>[vector<16xi32>], vector<16xf32>,
        %swap3A_834 = arith.constant 0 : i32
        %swap3A_835 = arith.index_cast %swap3A_834 : i32 to index
        %swap3A_836 = arith.constant 48 : index
        %swap3A_837 = tpu.vector_load %arg14[%swap3A_835, %swap3A_836] {strides = array<i32>} : memref<2x100xf32, #tpu.memory_space<vmem>>, vector<16xf32>,
        tpu.vector_store %arg14[%swap3A_835, %swap3A_836], %gather3A_833 {strides = array<i32>} : memref<2x100xf32, #tpu.memory_space<vmem>>, vector<16xf32>,
        %get3A_838 = arith.constant 0 : i32
        %get3A_839 = arith.index_cast %get3A_838 : i32 to index
        %get3A_840 = arith.constant 64 : index
        %get3A_841 = tpu.vector_load %arg8[%get3A_839, %get3A_840] {strides = array<i32>} : memref<2x100xi32, #tpu.memory_space<vmem>>, vector<16xi32>,
        %gather3A_842 = tpu.vector_load_idx %arg16[%get3A_841] : memref<10000xf32, #tpu.memory_space<vmem>>[vector<16xi32>], vector<16xf32>,
        %swap3A_843 = arith.constant 0 : i32
        %swap3A_844 = arith.index_cast %swap3A_843 : i32 to index
        %swap3A_845 = arith.constant 64 : index
        %swap3A_846 = tpu.vector_load %arg14[%swap3A_844, %swap3A_845] {strides = array<i32>} : memref<2x100xf32, #tpu.memory_space<vmem>>, vector<16xf32>,
        tpu.vector_store %arg14[%swap3A_844, %swap3A_845], %gather3A_842 {strides = array<i32>} : memref<2x100xf32, #tpu.memory_space<vmem>>, vector<16xf32>,
        %get3A_847 = arith.constant 0 : i32
        %get3A_848 = arith.index_cast %get3A_847 : i32 to index
        %get3A_849 = arith.constant 80 : index
        %get3A_850 = tpu.vector_load %arg8[%get3A_848, %get3A_849] {strides = array<i32>} : memref<2x100xi32, #tpu.memory_space<vmem>>, vector<16xi32>,
        %gather3A_851 = tpu.vector_load_idx %arg16[%get3A_850] : memref<10000xf32, #tpu.memory_space<vmem>>[vector<16xi32>], vector<16xf32>,
        %swap3A_852 = arith.constant 0 : i32
        %swap3A_853 = arith.index_cast %swap3A_852 : i32 to index
        %swap3A_854 = arith.constant 80 : index
        %swap3A_855 = tpu.vector_load %arg14[%swap3A_853, %swap3A_854] {strides = array<i32>} : memref<2x100xf32, #tpu.memory_space<vmem>>, vector<16xf32>,
        tpu.vector_store %arg14[%swap3A_853, %swap3A_854], %gather3A_851 {strides = array<i32>} : memref<2x100xf32, #tpu.memory_space<vmem>>, vector<16xf32>,
        %get3A_856 = arith.constant 0 : i32
        %get3A_857 = arith.index_cast %get3A_856 : i32 to index
        %get3A_858 = arith.constant 84 : index
        %get3A_859 = tpu.vector_load %arg8[%get3A_857, %get3A_858] {strides = array<i32>} : memref<2x100xi32, #tpu.memory_space<vmem>>, vector<16xi32>,
        %gather3A_860 = tpu.vector_load_idx %arg16[%get3A_859] : memref<10000xf32, #tpu.memory_space<vmem>>[vector<16xi32>], vector<16xf32>,
        %ge3A_861 = arith.constant 12 : i32
        %ge3A_862 = vector.broadcast %ge3A_861 : i32 to vector<16xi32>
        %ge3A_863 = arith.cmpi sge, %iota3A_801, %ge3A_862 : vector<16xi32>
        %get3A_864 = arith.constant 0 : i32
        %get3A_865 = arith.index_cast %get3A_864 : i32 to index
        %get3A_866 = arith.constant 84 : index
        %get3A_867 = tpu.vector_load %arg14[%get3A_865, %get3A_866] {strides = array<i32>} : memref<2x100xf32, #tpu.memory_space<vmem>>, vector<16xf32>,
        %select_n3A_868 = arith.select %ge3A_863, %gather3A_860, %get3A_867 : vector<16xi1>, vector<16xf32>
        %swap3A_869 = arith.constant 0 : i32
        %swap3A_870 = arith.index_cast %swap3A_869 : i32 to index
        %swap3A_871 = arith.constant 84 : index
        %swap3A_872 = tpu.vector_load %arg14[%swap3A_870, %swap3A_871] {strides = array<i32>} : memref<2x100xf32, #tpu.memory_space<vmem>>, vector<16xf32>,
        tpu.vector_store %arg14[%swap3A_870, %swap3A_871], %select_n3A_868 {strides = array<i32>} : memref<2x100xf32, #tpu.memory_space<vmem>>, vector<16xf32>,
        %get3A_873 = arith.constant 0 : i32
        %get3A_874 = arith.index_cast %get3A_873 : i32 to index
        %get3A_875 = arith.constant 0 : index
        %get3A_876 = tpu.vector_load %arg8[%get3A_874, %get3A_875] {strides = array<i32>} : memref<2x100xi32, #tpu.memory_space<vmem>>, vector<16xi32>,
        %add3A_877 = vector.broadcast %mul3A_0 : i32 to vector<16xi32>
        %add3A_878 = arith.addi %get3A_876, %add3A_877 : vector<16xi32>
        %swap3A_879 = arith.constant 0 : i32
        %swap3A_880 = arith.index_cast %swap3A_879 : i32 to index
        %swap3A_881 = arith.constant 0 : index
        %swap3A_882 = tpu.vector_load %arg8[%swap3A_880, %swap3A_881] {strides = array<i32>} : memref<2x100xi32, #tpu.memory_space<vmem>>, vector<16xi32>,
        tpu.vector_store %arg8[%swap3A_880, %swap3A_881], %add3A_878 {strides = array<i32>} : memref<2x100xi32, #tpu.memory_space<vmem>>, vector<16xi32>,
        %get3A_883 = arith.constant 0 : i32
        %get3A_884 = arith.index_cast %get3A_883 : i32 to index
        %get3A_885 = arith.constant 16 : index
        %get3A_886 = tpu.vector_load %arg8[%get3A_884, %get3A_885] {strides = array<i32>} : memref<2x100xi32, #tpu.memory_space<vmem>>, vector<16xi32>,
        %add3A_887 = vector.broadcast %mul3A_0 : i32 to vector<16xi32>
        %add3A_888 = arith.addi %get3A_886, %add3A_887 : vector<16xi32>
        %swap3A_889 = arith.constant 0 : i32
        %swap3A_890 = arith.index_cast %swap3A_889 : i32 to index
        %swap3A_891 = arith.constant 16 : index
        %swap3A_892 = tpu.vector_load %arg8[%swap3A_890, %swap3A_891] {strides = array<i32>} : memref<2x100xi32, #tpu.memory_space<vmem>>, vector<16xi32>,
        tpu.vector_store %arg8[%swap3A_890, %swap3A_891], %add3A_888 {strides = array<i32>} : memref<2x100xi32, #tpu.memory_space<vmem>>, vector<16xi32>,
        %get3A_893 = arith.constant 0 : i32
        %get3A_894 = arith.index_cast %get3A_893 : i32 to index
        %get3A_895 = arith.constant 32 : index
        %get3A_896 = tpu.vector_load %arg8[%get3A_894, %get3A_895] {strides = array<i32>} : memref<2x100xi32, #tpu.memory_space<vmem>>, vector<16xi32>,
        %add3A_897 = vector.broadcast %mul3A_0 : i32 to vector<16xi32>
        %add3A_898 = arith.addi %get3A_896, %add3A_897 : vector<16xi32>
        %swap3A_899 = arith.constant 0 : i32
        %swap3A_900 = arith.index_cast %swap3A_899 : i32 to index
        %swap3A_901 = arith.constant 32 : index
        %swap3A_902 = tpu.vector_load %arg8[%swap3A_900, %swap3A_901] {strides = array<i32>} : memref<2x100xi32, #tpu.memory_space<vmem>>, vector<16xi32>,
        tpu.vector_store %arg8[%swap3A_900, %swap3A_901], %add3A_898 {strides = array<i32>} : memref<2x100xi32, #tpu.memory_space<vmem>>, vector<16xi32>,
        %get3A_903 = arith.constant 0 : i32
        %get3A_904 = arith.index_cast %get3A_903 : i32 to index
        %get3A_905 = arith.constant 48 : index
        %get3A_906 = tpu.vector_load %arg8[%get3A_904, %get3A_905] {strides = array<i32>} : memref<2x100xi32, #tpu.memory_space<vmem>>, vector<16xi32>,
        %add3A_907 = vector.broadcast %mul3A_0 : i32 to vector<16xi32>
        %add3A_908 = arith.addi %get3A_906, %add3A_907 : vector<16xi32>
        %swap3A_909 = arith.constant 0 : i32
        %swap3A_910 = arith.index_cast %swap3A_909 : i32 to index
        %swap3A_911 = arith.constant 48 : index
        %swap3A_912 = tpu.vector_load %arg8[%swap3A_910, %swap3A_911] {strides = array<i32>} : memref<2x100xi32, #tpu.memory_space<vmem>>, vector<16xi32>,
        tpu.vector_store %arg8[%swap3A_910, %swap3A_911], %add3A_908 {strides = array<i32>} : memref<2x100xi32, #tpu.memory_space<vmem>>, vector<16xi32>,
        %get3A_913 = arith.constant 0 : i32
        %get3A_914 = arith.index_cast %get3A_913 : i32 to index
        %get3A_915 = arith.constant 64 : index
        %get3A_916 = tpu.vector_load %arg8[%get3A_914, %get3A_915] {strides = array<i32>} : memref<2x100xi32, #tpu.memory_space<vmem>>, vector<16xi32>,
        %add3A_917 = vector.broadcast %mul3A_0 : i32 to vector<16xi32>
        %add3A_918 = arith.addi %get3A_916, %add3A_917 : vector<16xi32>
        %swap3A_919 = arith.constant 0 : i32
        %swap3A_920 = arith.index_cast %swap3A_919 : i32 to index
        %swap3A_921 = arith.constant 64 : index
        %swap3A_922 = tpu.vector_load %arg8[%swap3A_920, %swap3A_921] {strides = array<i32>} : memref<2x100xi32, #tpu.memory_space<vmem>>, vector<16xi32>,
        tpu.vector_store %arg8[%swap3A_920, %swap3A_921], %add3A_918 {strides = array<i32>} : memref<2x100xi32, #tpu.memory_space<vmem>>, vector<16xi32>,
        %get3A_923 = arith.constant 0 : i32
        %get3A_924 = arith.index_cast %get3A_923 : i32 to index
        %get3A_925 = arith.constant 80 : index
        %get3A_926 = tpu.vector_load %arg8[%get3A_924, %get3A_925] {strides = array<i32>} : memref<2x100xi32, #tpu.memory_space<vmem>>, vector<16xi32>,
        %add3A_927 = vector.broadcast %mul3A_0 : i32 to vector<16xi32>
        %add3A_928 = arith.addi %get3A_926, %add3A_927 : vector<16xi32>
        %swap3A_929 = arith.constant 0 : i32
        %swap3A_930 = arith.index_cast %swap3A_929 : i32 to index
        %swap3A_931 = arith.constant 80 : index
        %swap3A_932 = tpu.vector_load %arg8[%swap3A_930, %swap3A_931] {strides = array<i32>} : memref<2x100xi32, #tpu.memory_space<vmem>>, vector<16xi32>,
        tpu.vector_store %arg8[%swap3A_930, %swap3A_931], %add3A_928 {strides = array<i32>} : memref<2x100xi32, #tpu.memory_space<vmem>>, vector<16xi32>,
        %get3A_933 = arith.constant 0 : i32
        %get3A_934 = arith.index_cast %get3A_933 : i32 to index
        %get3A_935 = arith.constant 84 : index
        %get3A_936 = tpu.vector_load %arg8[%get3A_934, %get3A_935] {strides = array<i32>} : memref<2x100xi32, #tpu.memory_space<vmem>>, vector<16xi32>,
        %ge3A_937 = arith.constant 12 : i32
        %ge3A_938 = vector.broadcast %ge3A_937 : i32 to vector<16xi32>
        %ge3A_939 = arith.cmpi sge, %iota3A_801, %ge3A_938 : vector<16xi32>
        %jit3A_940 = arith.constant 0 : i32
        %broadcast_in_dim3A_941 = vector.broadcast %mul3A_0 : i32 to vector<16xi32>
        %broadcast_in_dim3A_942 = vector.broadcast %jit3A_940 : i32 to vector<16xi32>
        %select_n3A_943 = arith.select %ge3A_939, %broadcast_in_dim3A_941, %broadcast_in_dim3A_942 : vector<16xi1>, vector<16xi32>
        %add3A_944 = arith.addi %get3A_936, %select_n3A_943 : vector<16xi32>
        %swap3A_945 = arith.constant 0 : i32
        %swap3A_946 = arith.index_cast %swap3A_945 : i32 to index
        %swap3A_947 = arith.constant 84 : index
        %swap3A_948 = tpu.vector_load %arg8[%swap3A_946, %swap3A_947] {strides = array<i32>} : memref<2x100xi32, #tpu.memory_space<vmem>>, vector<16xi32>,
        tpu.vector_store %arg8[%swap3A_946, %swap3A_947], %add3A_944 {strides = array<i32>} : memref<2x100xi32, #tpu.memory_space<vmem>>, vector<16xi32>,
        %get3A_949 = arith.constant 1 : i32
        %get3A_950 = arith.index_cast %get3A_949 : i32 to index
        %get3A_951 = arith.constant 0 : index
        %get3A_952 = tpu.vector_load %arg8[%get3A_950, %get3A_951] {strides = array<i32>} : memref<2x100xi32, #tpu.memory_space<vmem>>, vector<16xi32>,
        %gather3A_953 = tpu.vector_load_idx %arg16[%get3A_952] : memref<10000xf32, #tpu.memory_space<vmem>>[vector<16xi32>], vector<16xf32>,
        %swap3A_954 = arith.constant 1 : i32
        %swap3A_955 = arith.index_cast %swap3A_954 : i32 to index
        %swap3A_956 = arith.constant 0 : index
        %swap3A_957 = tpu.vector_load %arg14[%swap3A_955, %swap3A_956] {strides = array<i32>} : memref<2x100xf32, #tpu.memory_space<vmem>>, vector<16xf32>,
        tpu.vector_store %arg14[%swap3A_955, %swap3A_956], %gather3A_953 {strides = array<i32>} : memref<2x100xf32, #tpu.memory_space<vmem>>, vector<16xf32>,
        %get3A_958 = arith.constant 1 : i32
        %get3A_959 = arith.index_cast %get3A_958 : i32 to index
        %get3A_960 = arith.constant 16 : index
        %get3A_961 = tpu.vector_load %arg8[%get3A_959, %get3A_960] {strides = array<i32>} : memref<2x100xi32, #tpu.memory_space<vmem>>, vector<16xi32>,
        %gather3A_962 = tpu.vector_load_idx %arg16[%get3A_961] : memref<10000xf32, #tpu.memory_space<vmem>>[vector<16xi32>], vector<16xf32>,
        %swap3A_963 = arith.constant 1 : i32
        %swap3A_964 = arith.index_cast %swap3A_963 : i32 to index
        %swap3A_965 = arith.constant 16 : index
        %swap3A_966 = tpu.vector_load %arg14[%swap3A_964, %swap3A_965] {strides = array<i32>} : memref<2x100xf32, #tpu.memory_space<vmem>>, vector<16xf32>,
        tpu.vector_store %arg14[%swap3A_964, %swap3A_965], %gather3A_962 {strides = array<i32>} : memref<2x100xf32, #tpu.memory_space<vmem>>, vector<16xf32>,
        %get3A_967 = arith.constant 1 : i32
        %get3A_968 = arith.index_cast %get3A_967 : i32 to index
        %get3A_969 = arith.constant 32 : index
        %get3A_970 = tpu.vector_load %arg8[%get3A_968, %get3A_969] {strides = array<i32>} : memref<2x100xi32, #tpu.memory_space<vmem>>, vector<16xi32>,
        %gather3A_971 = tpu.vector_load_idx %arg16[%get3A_970] : memref<10000xf32, #tpu.memory_space<vmem>>[vector<16xi32>], vector<16xf32>,
        %swap3A_972 = arith.constant 1 : i32
        %swap3A_973 = arith.index_cast %swap3A_972 : i32 to index
        %swap3A_974 = arith.constant 32 : index
        %swap3A_975 = tpu.vector_load %arg14[%swap3A_973, %swap3A_974] {strides = array<i32>} : memref<2x100xf32, #tpu.memory_space<vmem>>, vector<16xf32>,
        tpu.vector_store %arg14[%swap3A_973, %swap3A_974], %gather3A_971 {strides = array<i32>} : memref<2x100xf32, #tpu.memory_space<vmem>>, vector<16xf32>,
        %get3A_976 = arith.constant 1 : i32
        %get3A_977 = arith.index_cast %get3A_976 : i32 to index
        %get3A_978 = arith.constant 48 : index
        %get3A_979 = tpu.vector_load %arg8[%get3A_977, %get3A_978] {strides = array<i32>} : memref<2x100xi32, #tpu.memory_space<vmem>>, vector<16xi32>,
        %gather3A_980 = tpu.vector_load_idx %arg16[%get3A_979] : memref<10000xf32, #tpu.memory_space<vmem>>[vector<16xi32>], vector<16xf32>,
        %swap3A_981 = arith.constant 1 : i32
        %swap3A_982 = arith.index_cast %swap3A_981 : i32 to index
        %swap3A_983 = arith.constant 48 : index
        %swap3A_984 = tpu.vector_load %arg14[%swap3A_982, %swap3A_983] {strides = array<i32>} : memref<2x100xf32, #tpu.memory_space<vmem>>, vector<16xf32>,
        tpu.vector_store %arg14[%swap3A_982, %swap3A_983], %gather3A_980 {strides = array<i32>} : memref<2x100xf32, #tpu.memory_space<vmem>>, vector<16xf32>,
        %get3A_985 = arith.constant 1 : i32
        %get3A_986 = arith.index_cast %get3A_985 : i32 to index
        %get3A_987 = arith.constant 64 : index
        %get3A_988 = tpu.vector_load %arg8[%get3A_986, %get3A_987] {strides = array<i32>} : memref<2x100xi32, #tpu.memory_space<vmem>>, vector<16xi32>,
        %gather3A_989 = tpu.vector_load_idx %arg16[%get3A_988] : memref<10000xf32, #tpu.memory_space<vmem>>[vector<16xi32>], vector<16xf32>,
        %swap3A_990 = arith.constant 1 : i32
        %swap3A_991 = arith.index_cast %swap3A_990 : i32 to index
        %swap3A_992 = arith.constant 64 : index
        %swap3A_993 = tpu.vector_load %arg14[%swap3A_991, %swap3A_992] {strides = array<i32>} : memref<2x100xf32, #tpu.memory_space<vmem>>, vector<16xf32>,
        tpu.vector_store %arg14[%swap3A_991, %swap3A_992], %gather3A_989 {strides = array<i32>} : memref<2x100xf32, #tpu.memory_space<vmem>>, vector<16xf32>,
        %get3A_994 = arith.constant 1 : i32
        %get3A_995 = arith.index_cast %get3A_994 : i32 to index
        %get3A_996 = arith.constant 80 : index
        %get3A_997 = tpu.vector_load %arg8[%get3A_995, %get3A_996] {strides = array<i32>} : memref<2x100xi32, #tpu.memory_space<vmem>>, vector<16xi32>,
        %gather3A_998 = tpu.vector_load_idx %arg16[%get3A_997] : memref<10000xf32, #tpu.memory_space<vmem>>[vector<16xi32>], vector<16xf32>,
        %swap3A_999 = arith.constant 1 : i32
        %swap3A_1000 = arith.index_cast %swap3A_999 : i32 to index
        %swap3A_1001 = arith.constant 80 : index
        %swap3A_1002 = tpu.vector_load %arg14[%swap3A_1000, %swap3A_1001] {strides = array<i32>} : memref<2x100xf32, #tpu.memory_space<vmem>>, vector<16xf32>,
        tpu.vector_store %arg14[%swap3A_1000, %swap3A_1001], %gather3A_998 {strides = array<i32>} : memref<2x100xf32, #tpu.memory_space<vmem>>, vector<16xf32>,
        %get3A_1003 = arith.constant 1 : i32
        %get3A_1004 = arith.index_cast %get3A_1003 : i32 to index
        %get3A_1005 = arith.constant 84 : index
        %get3A_1006 = tpu.vector_load %arg8[%get3A_1004, %get3A_1005] {strides = array<i32>} : memref<2x100xi32, #tpu.memory_space<vmem>>, vector<16xi32>,
        %gather3A_1007 = tpu.vector_load_idx %arg16[%get3A_1006] : memref<10000xf32, #tpu.memory_space<vmem>>[vector<16xi32>], vector<16xf32>,
        %ge3A_1008 = arith.constant 12 : i32
        %ge3A_1009 = vector.broadcast %ge3A_1008 : i32 to vector<16xi32>
        %ge3A_1010 = arith.cmpi sge, %iota3A_801, %ge3A_1009 : vector<16xi32>
        %get3A_1011 = arith.constant 1 : i32
        %get3A_1012 = arith.index_cast %get3A_1011 : i32 to index
        %get3A_1013 = arith.constant 84 : index
        %get3A_1014 = tpu.vector_load %arg14[%get3A_1012, %get3A_1013] {strides = array<i32>} : memref<2x100xf32, #tpu.memory_space<vmem>>, vector<16xf32>,
        %select_n3A_1015 = arith.select %ge3A_1010, %gather3A_1007, %get3A_1014 : vector<16xi1>, vector<16xf32>
        %swap3A_1016 = arith.constant 1 : i32
        %swap3A_1017 = arith.index_cast %swap3A_1016 : i32 to index
        %swap3A_1018 = arith.constant 84 : index
        %swap3A_1019 = tpu.vector_load %arg14[%swap3A_1017, %swap3A_1018] {strides = array<i32>} : memref<2x100xf32, #tpu.memory_space<vmem>>, vector<16xf32>,
        tpu.vector_store %arg14[%swap3A_1017, %swap3A_1018], %select_n3A_1015 {strides = array<i32>} : memref<2x100xf32, #tpu.memory_space<vmem>>, vector<16xf32>,
        %get3A_1020 = arith.constant 1 : i32
        %get3A_1021 = arith.index_cast %get3A_1020 : i32 to index
        %get3A_1022 = arith.constant 0 : index
        %get3A_1023 = tpu.vector_load %arg8[%get3A_1021, %get3A_1022] {strides = array<i32>} : memref<2x100xi32, #tpu.memory_space<vmem>>, vector<16xi32>,
        %add3A_1024 = vector.broadcast %mul3A_0 : i32 to vector<16xi32>
        %add3A_1025 = arith.addi %get3A_1023, %add3A_1024 : vector<16xi32>
        %swap3A_1026 = arith.constant 1 : i32
        %swap3A_1027 = arith.index_cast %swap3A_1026 : i32 to index
        %swap3A_1028 = arith.constant 0 : index
        %swap3A_1029 = tpu.vector_load %arg8[%swap3A_1027, %swap3A_1028] {strides = array<i32>} : memref<2x100xi32, #tpu.memory_space<vmem>>, vector<16xi32>,
        tpu.vector_store %arg8[%swap3A_1027, %swap3A_1028], %add3A_1025 {strides = array<i32>} : memref<2x100xi32, #tpu.memory_space<vmem>>, vector<16xi32>,
        %get3A_1030 = arith.constant 1 : i32
        %get3A_1031 = arith.index_cast %get3A_1030 : i32 to index
        %get3A_1032 = arith.constant 16 : index
        %get3A_1033 = tpu.vector_load %arg8[%get3A_1031, %get3A_1032] {strides = array<i32>} : memref<2x100xi32, #tpu.memory_space<vmem>>, vector<16xi32>,
        %add3A_1034 = vector.broadcast %mul3A_0 : i32 to vector<16xi32>
        %add3A_1035 = arith.addi %get3A_1033, %add3A_1034 : vector<16xi32>
        %swap3A_1036 = arith.constant 1 : i32
        %swap3A_1037 = arith.index_cast %swap3A_1036 : i32 to index
        %swap3A_1038 = arith.constant 16 : index
        %swap3A_1039 = tpu.vector_load %arg8[%swap3A_1037, %swap3A_1038] {strides = array<i32>} : memref<2x100xi32, #tpu.memory_space<vmem>>, vector<16xi32>,
        tpu.vector_store %arg8[%swap3A_1037, %swap3A_1038], %add3A_1035 {strides = array<i32>} : memref<2x100xi32, #tpu.memory_space<vmem>>, vector<16xi32>,
        %get3A_1040 = arith.constant 1 : i32
        %get3A_1041 = arith.index_cast %get3A_1040 : i32 to index
        %get3A_1042 = arith.constant 32 : index
        %get3A_1043 = tpu.vector_load %arg8[%get3A_1041, %get3A_1042] {strides = array<i32>} : memref<2x100xi32, #tpu.memory_space<vmem>>, vector<16xi32>,
        %add3A_1044 = vector.broadcast %mul3A_0 : i32 to vector<16xi32>
        %add3A_1045 = arith.addi %get3A_1043, %add3A_1044 : vector<16xi32>
        %swap3A_1046 = arith.constant 1 : i32
        %swap3A_1047 = arith.index_cast %swap3A_1046 : i32 to index
        %swap3A_1048 = arith.constant 32 : index
        %swap3A_1049 = tpu.vector_load %arg8[%swap3A_1047, %swap3A_1048] {strides = array<i32>} : memref<2x100xi32, #tpu.memory_space<vmem>>, vector<16xi32>,
        tpu.vector_store %arg8[%swap3A_1047, %swap3A_1048], %add3A_1045 {strides = array<i32>} : memref<2x100xi32, #tpu.memory_space<vmem>>, vector<16xi32>,
        %get3A_1050 = arith.constant 1 : i32
        %get3A_1051 = arith.index_cast %get3A_1050 : i32 to index
        %get3A_1052 = arith.constant 48 : index
        %get3A_1053 = tpu.vector_load %arg8[%get3A_1051, %get3A_1052] {strides = array<i32>} : memref<2x100xi32, #tpu.memory_space<vmem>>, vector<16xi32>,
        %add3A_1054 = vector.broadcast %mul3A_0 : i32 to vector<16xi32>
        %add3A_1055 = arith.addi %get3A_1053, %add3A_1054 : vector<16xi32>
        %swap3A_1056 = arith.constant 1 : i32
        %swap3A_1057 = arith.index_cast %swap3A_1056 : i32 to index
        %swap3A_1058 = arith.constant 48 : index
        %swap3A_1059 = tpu.vector_load %arg8[%swap3A_1057, %swap3A_1058] {strides = array<i32>} : memref<2x100xi32, #tpu.memory_space<vmem>>, vector<16xi32>,
        tpu.vector_store %arg8[%swap3A_1057, %swap3A_1058], %add3A_1055 {strides = array<i32>} : memref<2x100xi32, #tpu.memory_space<vmem>>, vector<16xi32>,
        %get3A_1060 = arith.constant 1 : i32
        %get3A_1061 = arith.index_cast %get3A_1060 : i32 to index
        %get3A_1062 = arith.constant 64 : index
        %get3A_1063 = tpu.vector_load %arg8[%get3A_1061, %get3A_1062] {strides = array<i32>} : memref<2x100xi32, #tpu.memory_space<vmem>>, vector<16xi32>,
        %add3A_1064 = vector.broadcast %mul3A_0 : i32 to vector<16xi32>
        %add3A_1065 = arith.addi %get3A_1063, %add3A_1064 : vector<16xi32>
        %swap3A_1066 = arith.constant 1 : i32
        %swap3A_1067 = arith.index_cast %swap3A_1066 : i32 to index
        %swap3A_1068 = arith.constant 64 : index
        %swap3A_1069 = tpu.vector_load %arg8[%swap3A_1067, %swap3A_1068] {strides = array<i32>} : memref<2x100xi32, #tpu.memory_space<vmem>>, vector<16xi32>,
        tpu.vector_store %arg8[%swap3A_1067, %swap3A_1068], %add3A_1065 {strides = array<i32>} : memref<2x100xi32, #tpu.memory_space<vmem>>, vector<16xi32>,
        %get3A_1070 = arith.constant 1 : i32
        %get3A_1071 = arith.index_cast %get3A_1070 : i32 to index
        %get3A_1072 = arith.constant 80 : index
        %get3A_1073 = tpu.vector_load %arg8[%get3A_1071, %get3A_1072] {strides = array<i32>} : memref<2x100xi32, #tpu.memory_space<vmem>>, vector<16xi32>,
        %add3A_1074 = vector.broadcast %mul3A_0 : i32 to vector<16xi32>
        %add3A_1075 = arith.addi %get3A_1073, %add3A_1074 : vector<16xi32>
        %swap3A_1076 = arith.constant 1 : i32
        %swap3A_1077 = arith.index_cast %swap3A_1076 : i32 to index
        %swap3A_1078 = arith.constant 80 : index
        %swap3A_1079 = tpu.vector_load %arg8[%swap3A_1077, %swap3A_1078] {strides = array<i32>} : memref<2x100xi32, #tpu.memory_space<vmem>>, vector<16xi32>,
        tpu.vector_store %arg8[%swap3A_1077, %swap3A_1078], %add3A_1075 {strides = array<i32>} : memref<2x100xi32, #tpu.memory_space<vmem>>, vector<16xi32>,
        %get3A_1080 = arith.constant 1 : i32
        %get3A_1081 = arith.index_cast %get3A_1080 : i32 to index
        %get3A_1082 = arith.constant 84 : index
        %get3A_1083 = tpu.vector_load %arg8[%get3A_1081, %get3A_1082] {strides = array<i32>} : memref<2x100xi32, #tpu.memory_space<vmem>>, vector<16xi32>,
        %ge3A_1084 = arith.constant 12 : i32
        %ge3A_1085 = vector.broadcast %ge3A_1084 : i32 to vector<16xi32>
        %ge3A_1086 = arith.cmpi sge, %iota3A_801, %ge3A_1085 : vector<16xi32>
        %jit3A_1087 = arith.constant 0 : i32
        %broadcast_in_dim3A_1088 = vector.broadcast %mul3A_0 : i32 to vector<16xi32>
        %broadcast_in_dim3A_1089 = vector.broadcast %jit3A_1087 : i32 to vector<16xi32>
        %select_n3A_1090 = arith.select %ge3A_1086, %broadcast_in_dim3A_1088, %broadcast_in_dim3A_1089 : vector<16xi1>, vector<16xi32>
        %add3A_1091 = arith.addi %get3A_1083, %select_n3A_1090 : vector<16xi32>
        %swap3A_1092 = arith.constant 1 : i32
        %swap3A_1093 = arith.index_cast %swap3A_1092 : i32 to index
        %swap3A_1094 = arith.constant 84 : index
        %swap3A_1095 = tpu.vector_load %arg8[%swap3A_1093, %swap3A_1094] {strides = array<i32>} : memref<2x100xi32, #tpu.memory_space<vmem>>, vector<16xi32>,
        tpu.vector_store %arg8[%swap3A_1093, %swap3A_1094], %add3A_1091 {strides = array<i32>} : memref<2x100xi32, #tpu.memory_space<vmem>>, vector<16xi32>,
      } else {
      }
      %dma_wait3A_760 = arith.constant 0 : i32
      %dma_wait3A_761 = arith.constant 0 : i32
      %dma_wait3A_762 = tpu.memref_slice %arg11[%dma_wait3A_760, %dma_wait3A_761] : memref<2x100xi32, #tpu.memory_space<vmem>> -> memref<1x100xi32, #tpu.memory_space<vmem>>
      %dma_wait3A_763 = tpu.memref_squeeze %dma_wait3A_762 : memref<1x100xi32, #tpu.memory_space<vmem>> -> memref<100xi32, #tpu.memory_space<vmem>>
      %dma_wait3A_764 = arith.constant 0 : i32
      %dma_wait3A_765 = arith.constant 0 : i32
      %dma_wait3A_766 = tpu.memref_slice %arg18[%dma_wait3A_764, %dma_wait3A_765] : memref<10240x128xf32, #tpu.memory_space<vmem_shared>> -> memref<10240x128xf32, #tpu.memory_space<vmem_shared>>
      tpu.wait_indirect_dma semaphore(%arg26 : memref<!tpu.dma_semaphore, #tpu.memory_space<semaphore_mem>>) src(%arg12 : memref<100x128xf32, #tpu.memory_space<vmem>>) dst(%dma_wait3A_766 : memref<10240x128xf32, #tpu.memory_space<vmem_shared>>)
      %dma_start3A_767 = arith.constant 0 : i32
      %dma_start3A_768 = arith.constant 0 : i32
      %dma_start3A_769 = tpu.memref_slice %arg8[%dma_start3A_767, %dma_start3A_768] : memref<2x100xi32, #tpu.memory_space<vmem>> -> memref<1x100xi32, #tpu.memory_space<vmem>>
      %dma_start3A_770 = tpu.memref_squeeze %dma_start3A_769 : memref<1x100xi32, #tpu.memory_space<vmem>> -> memref<100xi32, #tpu.memory_space<vmem>>
      %dma_start3A_771 = arith.constant 0 : i32
      %dma_start3A_772 = arith.constant 0 : i32
      %dma_start3A_773 = tpu.memref_slice %arg2[%dma_start3A_771, %dma_start3A_772] : memref<20000x128xf32, #tpu.memory_space<hbm>> -> memref<20000x128xf32, #tpu.memory_space<hbm>>
      tpu.enqueue_indirect_dma source(%dma_start3A_773 : memref<20000x128xf32, #tpu.memory_space<hbm>>) target(%arg12 : memref<100x128xf32, #tpu.memory_space<vmem>>) offsets(%dma_start3A_770 : memref<100xi32, #tpu.memory_space<vmem>>) semaphore(%arg24 : memref<!tpu.dma_semaphore, #tpu.memory_space<semaphore_mem>>)
      %dma_wait3A_774 = arith.constant 1 : i32
      %dma_wait3A_775 = arith.constant 0 : i32
      %dma_wait3A_776 = tpu.memref_slice %arg9[%dma_wait3A_774, %dma_wait3A_775] : memref<2x100xi32, #tpu.memory_space<vmem>> -> memref<1x100xi32, #tpu.memory_space<vmem>>
      %dma_wait3A_777 = tpu.memref_squeeze %dma_wait3A_776 : memref<1x100xi32, #tpu.memory_space<vmem>> -> memref<100xi32, #tpu.memory_space<vmem>>
      %dma_wait3A_778 = arith.constant 0 : i32
      %dma_wait3A_779 = arith.constant 0 : i32
      %dma_wait3A_780 = tpu.memref_slice %arg2[%dma_wait3A_778, %dma_wait3A_779] : memref<20000x128xf32, #tpu.memory_space<hbm>> -> memref<20000x128xf32, #tpu.memory_space<hbm>>
      tpu.wait_indirect_dma semaphore(%arg25 : memref<!tpu.dma_semaphore, #tpu.memory_space<semaphore_mem>>) src(%dma_wait3A_780 : memref<20000x128xf32, #tpu.memory_space<hbm>>) dst(%arg13 : memref<100x128xf32, #tpu.memory_space<vmem>>)
      %dma_start3A_781 = arith.constant 1 : i32
      %dma_start3A_782 = arith.constant 0 : i32
      %dma_start3A_783 = tpu.memref_slice %arg11[%dma_start3A_781, %dma_start3A_782] : memref<2x100xi32, #tpu.memory_space<vmem>> -> memref<1x100xi32, #tpu.memory_space<vmem>>
      %dma_start3A_784 = tpu.memref_squeeze %dma_start3A_783 : memref<1x100xi32, #tpu.memory_space<vmem>> -> memref<100xi32, #tpu.memory_space<vmem>>
      %dma_start3A_785 = arith.constant 0 : i32
      %dma_start3A_786 = arith.constant 0 : i32
      %dma_start3A_787 = tpu.memref_slice %arg18[%dma_start3A_785, %dma_start3A_786] : memref<10240x128xf32, #tpu.memory_space<vmem_shared>> -> memref<10240x128xf32, #tpu.memory_space<vmem_shared>>
      tpu.enqueue_indirect_dma source(%arg13 : memref<100x128xf32, #tpu.memory_space<vmem>>) target(%dma_start3A_787 : memref<10240x128xf32, #tpu.memory_space<vmem_shared>>) offsets(%dma_start3A_784 : memref<100xi32, #tpu.memory_space<vmem>>) semaphore(%arg27 : memref<!tpu.dma_semaphore, #tpu.memory_space<semaphore_mem>>) {add = true}
    }
    %scan3A_557 = arith.constant 25 : i32
    %dma_wait3A_558 = arith.constant 1 : i32
    %dma_wait3A_559 = arith.constant 0 : i32
    %dma_wait3A_560 = tpu.memref_slice %arg11[%dma_wait3A_558, %dma_wait3A_559] : memref<2x100xi32, #tpu.memory_space<vmem>> -> memref<1x100xi32, #tpu.memory_space<vmem>>
    %dma_wait3A_561 = tpu.memref_squeeze %dma_wait3A_560 : memref<1x100xi32, #tpu.memory_space<vmem>> -> memref<100xi32, #tpu.memory_space<vmem>>
    %dma_wait3A_562 = arith.constant 0 : i32
    %dma_wait3A_563 = arith.constant 0 : i32
    %dma_wait3A_564 = tpu.memref_slice %arg18[%dma_wait3A_562, %dma_wait3A_563] : memref<10240x128xf32, #tpu.memory_space<vmem_shared>> -> memref<10240x128xf32, #tpu.memory_space<vmem_shared>>
    tpu.wait_indirect_dma semaphore(%arg27 : memref<!tpu.dma_semaphore, #tpu.memory_space<semaphore_mem>>) src(%arg13 : memref<100x128xf32, #tpu.memory_space<vmem>>) dst(%dma_wait3A_564 : memref<10240x128xf32, #tpu.memory_space<vmem_shared>>)
    %dma_wait3A_565 = arith.constant 0 : i32
    %dma_wait3A_566 = arith.constant 0 : i32
    %dma_wait3A_567 = arith.constant 0 : i32
    %dma_wait3A_568 = tpu.memref_slice %arg15[%dma_wait3A_565, %dma_wait3A_567] : memref<2x100xf32, #tpu.memory_space<vmem>> -> memref<1x100xf32, #tpu.memory_space<vmem>>
    %dma_wait3A_569 = tpu.memref_squeeze %dma_wait3A_568 : memref<1x100xf32, #tpu.memory_space<vmem>> -> memref<100xf32, #tpu.memory_space<vmem>>
    %dma_wait3A_570 = arith.constant 0 : i32
    %dma_wait3A_571 = tpu.memref_slice %arg11[%dma_wait3A_566, %dma_wait3A_570] : memref<2x100xi32, #tpu.memory_space<vmem>> -> memref<1x100xi32, #tpu.memory_space<vmem>>
    %dma_wait3A_572 = tpu.memref_squeeze %dma_wait3A_571 : memref<1x100xi32, #tpu.memory_space<vmem>> -> memref<100xi32, #tpu.memory_space<vmem>>
    %dma_wait3A_573 = arith.constant 0 : i32
    %dma_wait3A_574 = tpu.memref_slice %arg19[%dma_wait3A_573] : memref<10112xf32, #tpu.memory_space<vmem_shared>> -> memref<10112xf32, #tpu.memory_space<vmem_shared>>
    tpu.wait_indirect_dma semaphore(%arg29 : memref<!tpu.dma_semaphore, #tpu.memory_space<semaphore_mem>>) src(%dma_wait3A_569 : memref<100xf32, #tpu.memory_space<vmem>>) dst(%dma_wait3A_574 : memref<10112xf32, #tpu.memory_space<vmem_shared>>)
    %dma_wait3A_575 = arith.constant 1 : i32
    %dma_wait3A_576 = arith.constant 1 : i32
    %dma_wait3A_577 = arith.constant 0 : i32
    %dma_wait3A_578 = tpu.memref_slice %arg15[%dma_wait3A_575, %dma_wait3A_577] : memref<2x100xf32, #tpu.memory_space<vmem>> -> memref<1x100xf32, #tpu.memory_space<vmem>>
    %dma_wait3A_579 = tpu.memref_squeeze %dma_wait3A_578 : memref<1x100xf32, #tpu.memory_space<vmem>> -> memref<100xf32, #tpu.memory_space<vmem>>
    %dma_wait3A_580 = arith.constant 0 : i32
    %dma_wait3A_581 = tpu.memref_slice %arg11[%dma_wait3A_576, %dma_wait3A_580] : memref<2x100xi32, #tpu.memory_space<vmem>> -> memref<1x100xi32, #tpu.memory_space<vmem>>
    %dma_wait3A_582 = tpu.memref_squeeze %dma_wait3A_581 : memref<1x100xi32, #tpu.memory_space<vmem>> -> memref<100xi32, #tpu.memory_space<vmem>>
    %dma_wait3A_583 = arith.constant 0 : i32
    %dma_wait3A_584 = tpu.memref_slice %arg19[%dma_wait3A_583] : memref<10112xf32, #tpu.memory_space<vmem_shared>> -> memref<10112xf32, #tpu.memory_space<vmem_shared>>
    tpu.wait_indirect_dma semaphore(%arg29 : memref<!tpu.dma_semaphore, #tpu.memory_space<semaphore_mem>>) src(%dma_wait3A_579 : memref<100xf32, #tpu.memory_space<vmem>>) dst(%dma_wait3A_584 : memref<10112xf32, #tpu.memory_space<vmem_shared>>)
    %dma_wait3A_585 = arith.constant 0 : i32
    %dma_wait3A_586 = arith.constant 0 : i32
    %dma_wait3A_587 = tpu.memref_slice %arg8[%dma_wait3A_585, %dma_wait3A_586] : memref<2x100xi32, #tpu.memory_space<vmem>> -> memref<1x100xi32, #tpu.memory_space<vmem>>
    %dma_wait3A_588 = tpu.memref_squeeze %dma_wait3A_587 : memref<1x100xi32, #tpu.memory_space<vmem>> -> memref<100xi32, #tpu.memory_space<vmem>>
    %dma_wait3A_589 = arith.constant 0 : i32
    %dma_wait3A_590 = arith.constant 0 : i32
    %dma_wait3A_591 = tpu.memref_slice %arg2[%dma_wait3A_589, %dma_wait3A_590] : memref<20000x128xf32, #tpu.memory_space<hbm>> -> memref<20000x128xf32, #tpu.memory_space<hbm>>
    tpu.wait_indirect_dma semaphore(%arg24 : memref<!tpu.dma_semaphore, #tpu.memory_space<semaphore_mem>>) src(%dma_wait3A_591 : memref<20000x128xf32, #tpu.memory_space<hbm>>) dst(%arg12 : memref<100x128xf32, #tpu.memory_space<vmem>>)
    %barrier3A_592 = arith.constant 0 : index
    tpu.barrier barrier_id(%barrier3A_592)
    %add3A_593 = arith.addi %mul3A_0, %mul3A_21 : i32
    %eq3A = arith.constant 15 : i32
    %eq3A_594 = arith.cmpi eq, %arg1, %eq3A : i32
    %jit3A_595 = arith.constant 5 : i32
    %jit3A_596 = arith.constant 8 : i32
    %select_n3A_597 = arith.select %eq3A_594, %jit3A_595, %jit3A_596 : i32
    %while3A = arith.constant 0 : i32
    %while3A_598 = arith.subi %select_n3A_597, %while3A : i32
    %while3A_599 = arith.addi %while3A, %while3A_598 : i32
    %while3A_600 = arith.constant 1 : i32
    %while3A_601 = arith.divsi %while3A_598, %while3A_600 : i32
    %while3A_602 = arith.muli %while3A_601, %while3A_600 : i32
    %while3A_603 = arith.addi %while3A, %while3A_602 : i32
    %while3A_604 = arith.constant 1 : i32
    scf.for %while3A_620 = %while3A to %while3A_603 step %while3A_604  : i32 {
      %mul3A_621 = arith.constant 80 : i32
      %mul3A_622 = arith.muli %while3A_620, %mul3A_621 : i32
      %add3A_623 = arith.addi %mul3A_21, %mul3A_622 : i32
      %mul3A_624 = arith.constant 80 : i32
      %mul3A_625 = arith.muli %while3A_620, %mul3A_624 : i32
      %add3A_626 = arith.addi %add3A_593, %mul3A_625 : i32
      %dma_start3A_627 = arith.constant 0 : i32
      %dma_start3A_628 = tpu.memref_slice %arg6[%add3A_626, %dma_start3A_627] : memref<20000x128xf32, #tpu.memory_space<hbm>> -> memref<80x128xf32, #tpu.memory_space<hbm>>
      %dma_start3A_629 = arith.constant 0 : i32
      %dma_start3A_630 = tpu.memref_slice %arg18[%add3A_623, %dma_start3A_629] : memref<10240x128xf32, #tpu.memory_space<vmem_shared>> -> memref<80x128xf32, #tpu.memory_space<vmem_shared>>
      tpu.enqueue_dma source(%dma_start3A_630 : memref<80x128xf32, #tpu.memory_space<vmem_shared>>) target(%dma_start3A_628 : memref<80x128xf32, #tpu.memory_space<hbm>>) target_semaphore(%arg26 : memref<!tpu.dma_semaphore, #tpu.memory_space<semaphore_mem>>)
    }
    %while3A_605 = arith.constant 1 : i32
    scf.for %while3A_620 = %while3A_603 to %while3A_599 step %while3A_605  : i32 {
      %mul3A_621 = arith.constant 80 : i32
      %mul3A_622 = arith.muli %while3A_620, %mul3A_621 : i32
      %add3A_623 = arith.addi %mul3A_21, %mul3A_622 : i32
      %mul3A_624 = arith.constant 80 : i32
      %mul3A_625 = arith.muli %while3A_620, %mul3A_624 : i32
      %add3A_626 = arith.addi %add3A_593, %mul3A_625 : i32
      %dma_start3A_627 = arith.constant 0 : i32
      %dma_start3A_628 = tpu.memref_slice %arg6[%add3A_626, %dma_start3A_627] : memref<20000x128xf32, #tpu.memory_space<hbm>> -> memref<80x128xf32, #tpu.memory_space<hbm>>
      %dma_start3A_629 = arith.constant 0 : i32
      %dma_start3A_630 = tpu.memref_slice %arg18[%add3A_623, %dma_start3A_629] : memref<10240x128xf32, #tpu.memory_space<vmem_shared>> -> memref<80x128xf32, #tpu.memory_space<vmem_shared>>
      tpu.enqueue_dma source(%dma_start3A_630 : memref<80x128xf32, #tpu.memory_space<vmem_shared>>) target(%dma_start3A_628 : memref<80x128xf32, #tpu.memory_space<hbm>>) target_semaphore(%arg26 : memref<!tpu.dma_semaphore, #tpu.memory_space<semaphore_mem>>)
    }
    %eq3A_606 = arith.constant 0 : i32
    %eq3A_607 = arith.cmpi eq, %arg0, %eq3A_606 : i32
    %eq3A_608 = arith.constant 0 : i32
    %eq3A_609 = arith.cmpi eq, %arg1, %eq3A_608 : i32
    %and3A = arith.andi %eq3A_607, %eq3A_609 : i1
    %convert_element_type3A = arith.extui %and3A : i1 to i32
    %cond3A = arith.constant 0 : i32
    %cond3A_610 = arith.cmpi ne, %convert_element_type3A, %cond3A : i32
    scf.if %cond3A_610 {
      "tpu.region"() ({
        %run_scoped3A = tpu.sem_alloc : memref<!tpu.dma_semaphore, #tpu.memory_space<semaphore_mem>>
        tpu.enqueue_dma source(%arg19 : memref<10112xf32, #tpu.memory_space<vmem_shared>>) target(%arg7 : memref<10112xf32, #tpu.memory_space<hbm>>) target_semaphore(%run_scoped3A : memref<!tpu.dma_semaphore, #tpu.memory_space<semaphore_mem>>)
        tpu.wait_dma2 semaphore(%run_scoped3A : memref<!tpu.dma_semaphore, #tpu.memory_space<semaphore_mem>>) src(%arg19 : memref<10112xf32, #tpu.memory_space<vmem_shared>>) dst(%arg7 : memref<10112xf32, #tpu.memory_space<hbm>>)
        tpu.yield
      }) : () -> ()
    } else {
    }
    %while3A_611 = arith.constant 0 : i32
    %while3A_612 = arith.subi %select_n3A_597, %while3A_611 : i32
    %while3A_613 = arith.addi %while3A_611, %while3A_612 : i32
    %while3A_614 = arith.constant 1 : i32
    %while3A_615 = arith.divsi %while3A_612, %while3A_614 : i32
    %while3A_616 = arith.muli %while3A_615, %while3A_614 : i32
    %while3A_617 = arith.addi %while3A_611, %while3A_616 : i32
    %while3A_618 = arith.constant 1 : i32
    scf.for %while3A_620 = %while3A_611 to %while3A_617 step %while3A_618  : i32 {
      %mul3A_621 = arith.constant 80 : i32
      %mul3A_622 = arith.muli %while3A_620, %mul3A_621 : i32
      %add3A_623 = arith.addi %mul3A_21, %mul3A_622 : i32
      %mul3A_624 = arith.constant 80 : i32
      %mul3A_625 = arith.muli %while3A_620, %mul3A_624 : i32
      %add3A_626 = arith.addi %add3A_593, %mul3A_625 : i32
      %dma_wait3A_627 = arith.constant 0 : i32
      %dma_wait3A_628 = tpu.memref_slice %arg6[%add3A_626, %dma_wait3A_627] : memref<20000x128xf32, #tpu.memory_space<hbm>> -> memref<80x128xf32, #tpu.memory_space<hbm>>
      %dma_wait3A_629 = arith.constant 0 : i32
      %dma_wait3A_630 = tpu.memref_slice %arg18[%add3A_623, %dma_wait3A_629] : memref<10240x128xf32, #tpu.memory_space<vmem_shared>> -> memref<80x128xf32, #tpu.memory_space<vmem_shared>>
      tpu.wait_dma2 semaphore(%arg26 : memref<!tpu.dma_semaphore, #tpu.memory_space<semaphore_mem>>) src(%dma_wait3A_630 : memref<80x128xf32, #tpu.memory_space<vmem_shared>>) dst(%dma_wait3A_628 : memref<80x128xf32, #tpu.memory_space<hbm>>)
    }
    %while3A_619 = arith.constant 1 : i32
    scf.for %while3A_620 = %while3A_617 to %while3A_613 step %while3A_619  : i32 {
      %mul3A_621 = arith.constant 80 : i32
      %mul3A_622 = arith.muli %while3A_620, %mul3A_621 : i32
      %add3A_623 = arith.addi %mul3A_21, %mul3A_622 : i32
      %mul3A_624 = arith.constant 80 : i32
      %mul3A_625 = arith.muli %while3A_620, %mul3A_624 : i32
      %add3A_626 = arith.addi %add3A_593, %mul3A_625 : i32
      %dma_wait3A_627 = arith.constant 0 : i32
      %dma_wait3A_628 = tpu.memref_slice %arg6[%add3A_626, %dma_wait3A_627] : memref<20000x128xf32, #tpu.memory_space<hbm>> -> memref<80x128xf32, #tpu.memory_space<hbm>>
      %dma_wait3A_629 = arith.constant 0 : i32
      %dma_wait3A_630 = tpu.memref_slice %arg18[%add3A_623, %dma_wait3A_629] : memref<10240x128xf32, #tpu.memory_space<vmem_shared>> -> memref<80x128xf32, #tpu.memory_space<vmem_shared>>
      tpu.wait_dma2 semaphore(%arg26 : memref<!tpu.dma_semaphore, #tpu.memory_space<semaphore_mem>>) src(%dma_wait3A_630 : memref<80x128xf32, #tpu.memory_space<vmem_shared>>) dst(%dma_wait3A_628 : memref<80x128xf32, #tpu.memory_space<hbm>>)
    }
    return
  }
}

module attributes {stable_mosaic.version = 14 : i64} {
  func.func @body(%arg0: memref<10000x256xf32, #tpu.memory_space<vmem>>, %arg1: memref<512x1xf32, #tpu.memory_space<vmem>>, %arg2: memref<20000x128xf32, #tpu.memory_space<vmem>>, %arg3: memref<10000xf32, #tpu.memory_space<vmem>>) attributes {dimension_semantics = [], scalar_prefetch = 0 : i64, scratch_operands = 0 : i64, tpu.core_type = #tpu.core_type<tc>} {
    %get3A = arith.constant 0 : index
    %get3A_0 = arith.constant 0 : index
    %get3A_1 = vector.load %arg0[%get3A, %get3A_0] : memref<10000x256xf32, #tpu.memory_space<vmem>>, vector<10000x256xf32>
    %get3A_2 = arith.constant 0 : index
    %get3A_3 = arith.constant 0 : index
    %get3A_4 = vector.load %arg1[%get3A_2, %get3A_3] : memref<512x1xf32, #tpu.memory_space<vmem>>, vector<256x1xf32>
    %get3A_5 = vector.shape_cast %get3A_4 : vector<256x1xf32> to vector<256xf32>
    %broadcast_in_dim3A = vector.shape_cast %get3A_5 : vector<256xf32> to vector<1x256xf32>
    %mul3A = vector.broadcast %broadcast_in_dim3A : vector<1x256xf32> to vector<10000x256xf32>
    %mul3A_6 = arith.mulf %get3A_1, %mul3A : vector<10000x256xf32>
    %reduce_sum3A = arith.constant dense<0.000000e+00> : vector<10000xf32>
    %reduce_sum3A_7 = vector.multi_reduction <add>, %mul3A_6, %reduce_sum3A [1] : vector<10000x256xf32> to vector<10000xf32>
    %reduce_max3A = vector.shape_cast %reduce_sum3A_7 : vector<10000xf32> to vector<1x10000xf32>
    %reduce_max3A_8 = arith.constant dense<0xFF800000> : vector<1xf32>
    %reduce_max3A_9 = vector.multi_reduction <maximumf>, %reduce_max3A, %reduce_max3A_8 [1] : vector<1x10000xf32> to vector<1xf32>
    %reduce_max3A_10 = vector.shape_cast %reduce_max3A_9 : vector<1xf32> to vector<1x1xf32>
    %reduce_max3A_11 = vector.extract %reduce_max3A_10[0, 0] : f32 from vector<1x1xf32>
    %sub3A = vector.broadcast %reduce_max3A_11 : f32 to vector<10000xf32>
    %sub3A_12 = arith.subf %reduce_sum3A_7, %sub3A : vector<10000xf32>
    %exp3A = math.exp %sub3A_12 : vector<10000xf32>
    %slice3A = vector.extract_strided_slice %get3A_1 {offsets = [0, 0], sizes = [10000, 128], strides = [1, 1]} : vector<10000x256xf32> to vector<10000x128xf32>
    %broadcast_in_dim3A_13 = vector.shape_cast %exp3A : vector<10000xf32> to vector<10000x1xf32>
    %mul3A_14 = vector.broadcast %broadcast_in_dim3A_13 : vector<10000x1xf32> to vector<10000x128xf32>
    %mul3A_15 = arith.mulf %slice3A, %mul3A_14 : vector<10000x128xf32>
    %swap3A = arith.constant 0 : index
    %swap3A_16 = arith.constant 0 : index
    %swap3A_17 = vector.load %arg2[%swap3A, %swap3A_16] : memref<20000x128xf32, #tpu.memory_space<vmem>>, vector<10000x128xf32>
    tpu.vector_store %arg2[%swap3A, %swap3A_16], %mul3A_15 {strides = array<i32>} : memref<20000x128xf32, #tpu.memory_space<vmem>>, vector<10000x128xf32>,
    %slice3A_18 = vector.extract_strided_slice %get3A_1 {offsets = [0, 128], sizes = [10000, 128], strides = [1, 1]} : vector<10000x256xf32> to vector<10000x128xf32>
    %broadcast_in_dim3A_19 = vector.shape_cast %exp3A : vector<10000xf32> to vector<10000x1xf32>
    %mul3A_20 = vector.broadcast %broadcast_in_dim3A_19 : vector<10000x1xf32> to vector<10000x128xf32>
    %mul3A_21 = arith.mulf %slice3A_18, %mul3A_20 : vector<10000x128xf32>
    %swap3A_22 = arith.constant 10000 : index
    %swap3A_23 = arith.constant 0 : index
    %swap3A_24 = vector.load %arg2[%swap3A_22, %swap3A_23] : memref<20000x128xf32, #tpu.memory_space<vmem>>, vector<10000x128xf32>
    tpu.vector_store %arg2[%swap3A_22, %swap3A_23], %mul3A_21 {strides = array<i32>} : memref<20000x128xf32, #tpu.memory_space<vmem>>, vector<10000x128xf32>,
    %swap3A_25 = arith.constant 0 : index
    %swap3A_26 = vector.load %arg3[%swap3A_25] : memref<10000xf32, #tpu.memory_space<vmem>>, vector<10000xf32>
    tpu.vector_store %arg3[%swap3A_25], %exp3A {strides = array<i32>} : memref<10000xf32, #tpu.memory_space<vmem>>, vector<10000xf32>,
    return
  }
}

module attributes {stable_mosaic.version = 14 : i64} {
  func.func @body(%arg0: i32, %arg1: memref<1x1000x128xf32, #tpu.memory_space<vmem>>, %arg2: memref<1x1000x128xf32, #tpu.memory_space<vmem>>, %arg3: memref<1000x1xf32, #tpu.memory_space<vmem>>, %arg4: memref<1000x256xf32, #tpu.memory_space<vmem>>, %arg5: memref<512x256xf32, #tpu.memory_space<vmem>>, %arg6: memref<1000x256xf32, #tpu.memory_space<vmem>>) attributes {dimension_semantics = [#tpu.dimension_semantics<arbitrary>], iteration_bounds = array<i64: 10>, scalar_prefetch = 0 : i64, scratch_operands = 0 : i64, tpu.core_type = #tpu.core_type<tc>, window_params = [{transform_indices = @transform_0, window_bounds = array<i64: 1, 1000, 128>}, {transform_indices = @transform_1, window_bounds = array<i64: 1, 1000, 128>}, {transform_indices = @transform_2, window_bounds = array<i64: 1000, 1>}, {transform_indices = @transform_3, window_bounds = array<i64: 1000, 256>}, {pipeline_mode = #tpu.pipeline_mode<synchronous>, transform_indices = @transform_4, window_bounds = array<i64: 512, 256>}, {transform_indices = @transform_5, window_bounds = array<i64: 1000, 256>}]} {
    %get3A = arith.constant 0 : index
    %get3A_0 = arith.constant 0 : index
    %get3A_1 = vector.load %arg3[%get3A, %get3A_0] : memref<1000x1xf32, #tpu.memory_space<vmem>>, vector<1000x1xf32>
    %gt3A = arith.constant 0.000000e+00 : f32
    %gt3A_2 = vector.broadcast %gt3A : f32 to vector<1000x1xf32>
    %gt3A_3 = arith.cmpf ogt, %get3A_1, %gt3A_2 : vector<1000x1xf32>
    %jit3A = arith.constant 1.000000e+00 : f32
    %broadcast_in_dim3A = vector.broadcast %jit3A : f32 to vector<1000x1xf32>
    %select_n3A = arith.select %gt3A_3, %get3A_1, %broadcast_in_dim3A : vector<1000x1xi1>, vector<1000x1xf32>
    %get3A_4 = arith.constant 0 : index
    %get3A_5 = arith.constant 0 : index
    %get3A_6 = arith.constant 0 : index
    %get3A_7 = vector.load %arg1[%get3A_4, %get3A_5, %get3A_6] : memref<1x1000x128xf32, #tpu.memory_space<vmem>>, vector<1x1000x128xf32>
    %get3A_8 = vector.shape_cast %get3A_7 : vector<1x1000x128xf32> to vector<1000x128xf32>
    %div3A = vector.broadcast %select_n3A : vector<1000x1xf32> to vector<1000x128xf32>
    %div3A_9 = arith.divf %get3A_8, %div3A : vector<1000x128xf32>
    %jit3A_10 = arith.constant 0.000000e+00 : f32
    %broadcast_in_dim3A_11 = vector.shape_cast %gt3A_3 : vector<1000x1xi1> to vector<1000x1xi1>
    %broadcast_in_dim3A_12 = vector.broadcast %broadcast_in_dim3A_11 : vector<1000x1xi1> to vector<1000x128xi1>
    %broadcast_in_dim3A_13 = vector.broadcast %jit3A_10 : f32 to vector<1000x128xf32>
    %select_n3A_14 = arith.select %broadcast_in_dim3A_12, %div3A_9, %broadcast_in_dim3A_13 : vector<1000x128xi1>, vector<1000x128xf32>
    %get3A_15 = arith.constant 0 : index
    %get3A_16 = arith.constant 0 : index
    %get3A_17 = arith.constant 0 : index
    %get3A_18 = vector.load %arg2[%get3A_15, %get3A_16, %get3A_17] : memref<1x1000x128xf32, #tpu.memory_space<vmem>>, vector<1x1000x128xf32>
    %get3A_19 = vector.shape_cast %get3A_18 : vector<1x1000x128xf32> to vector<1000x128xf32>
    %div3A_20 = vector.broadcast %select_n3A : vector<1000x1xf32> to vector<1000x128xf32>
    %div3A_21 = arith.divf %get3A_19, %div3A_20 : vector<1000x128xf32>
    %jit3A_22 = arith.constant 0.000000e+00 : f32
    %broadcast_in_dim3A_23 = vector.shape_cast %gt3A_3 : vector<1000x1xi1> to vector<1000x1xi1>
    %broadcast_in_dim3A_24 = vector.broadcast %broadcast_in_dim3A_23 : vector<1000x1xi1> to vector<1000x128xi1>
    %broadcast_in_dim3A_25 = vector.broadcast %jit3A_22 : f32 to vector<1000x128xf32>
    %select_n3A_26 = arith.select %broadcast_in_dim3A_24, %div3A_21, %broadcast_in_dim3A_25 : vector<1000x128xi1>, vector<1000x128xf32>
    %concatenate3A = tpu.concatenate %select_n3A_14, %select_n3A_26 in 1 : vector<1000x128xf32>, vector<1000x128xf32> -> vector<1000x256xf32>
    %convert_element_type3A = arith.truncf %concatenate3A : vector<1000x256xf32> to vector<1000x256xbf16>
    %get3A_27 = arith.constant 0 : index
    %get3A_28 = arith.constant 0 : index
    %get3A_29 = vector.load %arg4[%get3A_27, %get3A_28] : memref<1000x256xf32, #tpu.memory_space<vmem>>, vector<1000x256xf32>
    %convert_element_type3A_30 = arith.truncf %get3A_29 : vector<1000x256xf32> to vector<1000x256xbf16>
    %get3A_31 = arith.constant 0 : index
    %get3A_32 = arith.constant 0 : index
    %get3A_33 = vector.load %arg5[%get3A_31, %get3A_32] : memref<512x256xf32, #tpu.memory_space<vmem>>, vector<512x256xf32>
    %convert_element_type3A_34 = arith.truncf %get3A_33 : vector<512x256xf32> to vector<512x256xbf16>
    %slice3A = vector.extract_strided_slice %convert_element_type3A_34 {offsets = [0, 0], sizes = [256, 256], strides = [1, 1]} : vector<512x256xbf16> to vector<256x256xbf16>
    %dot_general3A = arith.constant dense<0.000000e+00> : vector<1000x256xf32>
    %dot_general3A_35 = tpu.matmul %convert_element_type3A_30, %slice3A, %dot_general3A {dimension_numbers = #tpu.dot_dimension_numbers<[1], [0], [0], [1], [0, 0, 1, 1], [], []>, transpose_lhs_hint = false} : vector<1000x256xbf16>, vector<256x256xbf16>, vector<1000x256xf32> -> vector<1000x256xf32>
    %slice3A_36 = vector.extract_strided_slice %convert_element_type3A_34 {offsets = [256, 0], sizes = [256, 256], strides = [1, 1]} : vector<512x256xbf16> to vector<256x256xbf16>
    %dot_general3A_37 = arith.constant dense<0.000000e+00> : vector<1000x256xf32>
    %dot_general3A_38 = tpu.matmul %convert_element_type3A, %slice3A_36, %dot_general3A_37 {dimension_numbers = #tpu.dot_dimension_numbers<[1], [0], [0], [1], [0, 0, 1, 1], [], []>, transpose_lhs_hint = false} : vector<1000x256xbf16>, vector<256x256xbf16>, vector<1000x256xf32> -> vector<1000x256xf32>
    %add3A = arith.addf %dot_general3A_35, %dot_general3A_38 : vector<1000x256xf32>
    %max3A = arith.constant 0.000000e+00 : f32
    %max3A_39 = vector.broadcast %max3A : f32 to vector<1000x256xf32>
    %max3A_40 = arith.maximumf %add3A, %max3A_39 : vector<1000x256xf32>
    %swap3A = arith.constant 0 : index
    %swap3A_41 = arith.constant 0 : index
    %swap3A_42 = vector.load %arg6[%swap3A, %swap3A_41] : memref<1000x256xf32, #tpu.memory_space<vmem>>, vector<1000x256xf32>
    tpu.vector_store %arg6[%swap3A, %swap3A_41], %max3A_40 {strides = array<i32>} : memref<1000x256xf32, #tpu.memory_space<vmem>>, vector<1000x256xf32>,
    return
  }
  func.func @transform_0(%arg0: i32) -> (i32, i32, i32) {
    %c0_i32 = arith.constant 0 : i32
    %c0_i32_0 = arith.constant 0 : i32
    %c0_i32_1 = arith.constant 0 : i32
    return %c0_i32, %arg0, %c0_i32_0 : i32, i32, i32
  }
  func.func @transform_1(%arg0: i32) -> (i32, i32, i32) {
    %c1_i32 = arith.constant 1 : i32
    %c0_i32 = arith.constant 0 : i32
    %c0_i32_0 = arith.constant 0 : i32
    return %c1_i32, %arg0, %c0_i32 : i32, i32, i32
  }
  func.func @transform_2(%arg0: i32) -> (i32, i32) {
    %c0_i32 = arith.constant 0 : i32
    %c0_i32_0 = arith.constant 0 : i32
    return %arg0, %c0_i32 : i32, i32
  }
  func.func @transform_3(%arg0: i32) -> (i32, i32) {
    %c0_i32 = arith.constant 0 : i32
    %c0_i32_0 = arith.constant 0 : i32
    return %arg0, %c0_i32 : i32, i32
  }
  func.func @transform_4(%arg0: i32) -> (i32, i32) {
    %c0_i32 = arith.constant 0 : i32
    %c0_i32_0 = arith.constant 0 : i32
    %c0_i32_1 = arith.constant 0 : i32
    return %c0_i32, %c0_i32_0 : i32, i32
  }
  func.func @transform_5(%arg0: i32) -> (i32, i32) {
    %c0_i32 = arith.constant 0 : i32
    %c0_i32_0 = arith.constant 0 : i32
    return %arg0, %c0_i32 : i32, i32
  }
}

</mosaic_0001>

<sc_bundles>
// kernel: kernel.5.cloned.1.call-start
scs
__scs_entry_jumppad:
0x0: {  	(pc) =	sbr.rel $0x88, $3  }
0x1: {  	(tag) =	ssettag $0x0;
	lr =	simm.s32 $0x1  }
0x2: {  	[smem:$0x3F9D] =	sst lr;
	_ =	strace $0xD0000000  }
0x3: {  	_ = 	snop  }
0x4: {  	_ = 	snop  }
0x5: {  	_ = 	snop  }
0x6: {  	_ = 	snop  }
0x7: {  	_ = 	snop  }
__scs_overlays_trampoline_lowered:
0x8: {  	[smem:$0x3FAC] =	sst s0  }
0x9: {  	[smem:$0x3FAD] =	sst s1  }
0xa: {  	[smem:$0x3FAE] =	sst s2  }
0xb: {  	[smem:$0x3FAF] =	sst s3  }
0xc: {  	[smem:$0x3FB0] =	sst s4  }
0xd: {  	[smem:$0x3FB1] =	sst s5  }
0xe: {  	[smem:$0x3FB2] =	sst s6  }
0xf: {  	[smem:$0x3FB3] =	sst s7  }
0x10: {  	[smem:$0x3FB4] =	sst s8  }
0x11: {  	[smem:$0x3FB5] =	sst s9;
	s0 =	simm.s32 @!p0 $0x0  }
0x12: {  	s1 =	sld [smem:$0x3F9B];
	s0 =	simm.s32 @p0 $0x1  }
0x13: {  	[smem:$0x3FB6] =	sst s0;
	s0 =	simm.s32 @!p1 $0x0  }
0x14: {  	s2 =	sld [smem:$0x3F9A];
	s0 =	simm.s32 @p1 $0x1  }
0x15: {  	[smem:$0x3FB7] =	sst s0;
	s0 =	simm.s32 @!p2 $0x0  }
0x16: {  	s3 =	sld [smem:$0x3FDB];
	s0 =	simm.s32 @p2 $0x1  }
0x17: {  	s4 =	simm.s32 $0x1BF5;
	[smem:$0x3FB9] =	sst s0  }
0x18: {  	s0 =	sld [smem:$0x3F9C];
	_ =	swait.ge [sflag:s4], $0x0  }
0x19: {  	s7 =	sld [smem:$0x3F9D]  }
0x1a: {  	s8 =	sadd.s32 $0xFFFFE003, lr  }
0x1b: {  	s9 =	sadd.s32 $0xFFFFFEF7, lr;
	s5 =	simm.s32 $0xFFFFFFFF;
	p2 =	slt.u32 s8, $0xFFFFF086  }
0x1c: {  	p1 =	slt.u32 s9, $0xF7A;
	s5 =	simm.s32 @!p2 $0x0  }
0x1d: {  	s5 =	simm.s32 @p1 $0x1;
	p0 =	seq.s32 s7, s2  }
0x1e: {  	s7 =	smul.u32 @!p0 $0xF7A, s2;
	p2 =	seq.s32 @!p0 s5, $0x0  }
0x1f: {  	s9 =	smul.u32 $0xF7A, s1;
	s8 =	simm.s32 @!p0 $0x1BF5;
	p2 =	por !p2, p0  }
0x20: {  	[sflag:s8] =	ssyncset.s32 @!p0 $0xFFFFF086;
	s6 =	sadd.s32 @!p0 s3, s7;
	s7 =	simm.s32 @!p0 $0x108  }
0x21: {  	s3 =	sadd.s32 s3, s9;
	s6 =	sadd.s32 @!p0 $0x88, s6;
	s7 =	simm.s32 @p2 $0x1082  }
0x22: {  	[simem:s7], [sflag:s8] =	dma.local @!p0 [hbm:s6], $0xF7A  }
0x23: {  	s9 =	sor.u32 $0xD0000000, s2;
	s6 =	simm.s32 $0x108;
	_ =	swait.ge @!p0 [sflag:s8], $0x0  }
0x24: {  	s3 =	sadd.s32 $0x88, s3;
	s6 =	simm.s32 @!p1 $0x1082;
	[sflag:s4] =	ssyncset.s32 $0xFFFFF086  }
0x25: {  	[simem:s6], [sflag:s4] =	dma.local [hbm:s3], $0xF7A  }
0x26: {  	[smem:$0x3F9D] =	sst s1;
	(tag) =	ssettag s2;
	_ =	strace s9  }
0x27: {  	s1 =	sld [smem:$0x3FAD]  }
0x28: {  	s2 =	sld [smem:$0x3FAE]  }
0x29: {  	s4 =	sld [smem:$0x3FB0]  }
0x2a: {  	p0 =	seq.s32 s5, $0x0;
	s5 =	sld [smem:$0x3FB1]  }
0x2b: {  	s6 =	sld [smem:$0x3FB2]  }
0x2c: {  	s7 =	sld [smem:$0x3FB3]  }
0x2d: {  	s3 =	simm.s32 $0x108;
	s8 =	sld [smem:$0x3FB4]  }
0x2e: {  	s3 =	simm.s32 @!p0 $0x1082;
	s9 =	sld [smem:$0x3FB5]  }
0x2f: {  	lr =	sadd.s32 s0, s3;
	s0 =	sld [smem:$0x3FAC]  }
0x30: {  	s3 =	sld [smem:$0x3FAF]  }
0x31: {  	[smem:$0x3FB8] =	sst s10  }
0x32: {  	s10 =	sld [smem:$0x3FB6];
	_ =	sdelay $0x3  }
0x33: {  	p0 =	seq.s32 s10, $0x1;
	s10 =	sld [smem:$0x3FB8];
	_ =	sdelay $0x3  }
0x34: {  	[smem:$0x3FB8] =	sst s10  }
0x35: {  	s10 =	sld [smem:$0x3FB7];
	_ =	sdelay $0x3  }
0x36: {  	p1 =	seq.s32 s10, $0x1;
	s10 =	sld [smem:$0x3FB8];
	_ =	sdelay $0x3  }
0x37: {  	[smem:$0x3FB8] =	sst s10  }
0x38: {  	s10 =	sld [smem:$0x3FB9]  }
0x39: {  	_ = 	snop;
	(pc) =	sbr.ind lr, $3  }
0x3a: {  	_ = 	snop  }
0x3b: {  	_ = 	snop  }
0x3c: {  	p2 =	seq.s32 s10, $0x1;
	s10 =	sld [smem:$0x3FB8]  }
0x3d: {  	_ =	shalt  }
0x3e: {  	_ =	shalt  }
0x3f: {  	_ =	shalt  }
0x40: {  	_ =	shalt  }
0x41: {  	_ =	shalt  }
0x42: {  	_ =	shalt  }
0x43: {  	_ =	shalt  }
0x44: {  	_ =	shalt  }
0x45: {  	_ =	shalt  }
0x46: {  	_ =	shalt  }
0x47: {  	_ =	shalt  }
0x48: {  	_ =	shalt  }
0x49: {  	_ =	shalt  }
0x4a: {  	_ =	shalt  }
0x4b: {  	_ =	shalt  }
0x4c: {  	_ =	shalt  }
0x4d: {  	_ =	shalt  }
0x4e: {  	_ =	shalt  }
0x4f: {  	_ =	shalt  }
0x50: {  	_ =	shalt  }
0x51: {  	_ =	shalt  }
0x52: {  	_ =	shalt  }
0x53: {  	_ =	shalt  }
0x54: {  	_ =	shalt  }
0x55: {  	_ =	shalt  }
0x56: {  	_ =	shalt  }
0x57: {  	_ =	shalt  }
0x58: {  	_ =	shalt  }
0x59: {  	_ =	shalt  }
0x5a: {  	_ =	shalt  }
0x5b: {  	_ =	shalt  }
0x5c: {  	_ =	shalt  }
0x5d: {  	_ =	shalt  }
0x5e: {  	_ =	shalt  }
0x5f: {  	_ =	shalt  }
0x60: {  	_ =	shalt  }
0x61: {  	_ =	shalt  }
0x62: {  	_ =	shalt  }
0x63: {  	_ =	shalt  }
0x64: {  	_ =	shalt  }
0x65: {  	_ =	shalt  }
0x66: {  	_ =	shalt  }
0x67: {  	_ =	shalt  }
0x68: {  	_ =	shalt  }
0x69: {  	_ =	shalt  }
0x6a: {  	_ =	shalt  }
0x6b: {  	_ =	shalt  }
0x6c: {  	_ =	shalt  }
0x6d: {  	_ =	shalt  }
0x6e: {  	_ =	shalt  }
0x6f: {  	_ =	shalt  }
0x70: {  	_ =	shalt  }
0x71: {  	_ =	shalt  }
0x72: {  	_ =	shalt  }
0x73: {  	_ =	shalt  }
0x74: {  	_ =	shalt  }
0x75: {  	_ =	shalt  }
0x76: {  	_ =	shalt  }
0x77: {  	_ =	shalt  }
0x78: {  	_ =	shalt  }
0x79: {  	_ =	shalt  }
0x7a: {  	_ =	shalt  }
0x7b: {  	_ =	shalt  }
0x7c: {  	_ =	shalt  }
0x7d: {  	_ =	shalt  }
0x7e: {  	_ =	shalt  }
0x7f: {  	_ =	shalt  }
0x80: {  	_ =	shalt  }
0x81: {  	_ =	shalt  }
0x82: {  	_ =	shalt  }
0x83: {  	_ =	shalt  }
0x84: {  	_ =	shalt  }
0x85: {  	_ =	shalt  }
0x86: {  	_ =	shalt  }
0x87: {  	_ =	shalt  }
.Lfunc_end0:
.L_simem_size_0:
called_computation_lowered:
.L_overlay_start_0:
0x88: {  	s2 =	sld [smem:$0x3FD9]  }
0x89: {  	s3 =	sld [smem:$0x3FFE];
	_ =	sdelay $0x1  }
0x8a: {  	s1 =	srdreg.scid  }
0x8b: {  	s0 =	sand.u32 $0x1, s1  }
0x8c: {  	s17 =	sshll.u32 s0, $0xA;
	s2 =	sadd.s32 s3, s2  }
0x8d: {  	s2 =	sadd.s32 s2, s17  }
0x8e: {  	[smem:$0x3FC4] =	sst s2  }
0x8f: {  	_ = 	snop  }
0x90: {  	s2 =	sld [smem:$0x3FD0];
	(tm) =	ssettm $0x1  }
0x91: {  	s18 =	sld [smem:$0x3FFB];
	_ =	sdelay $0x3  }
0x92: {  	_ =	strace s18  }
0x93: {  	s3 =	sld [smem:$0x3FFC];
	_ =	sdelay $0x3  }
0x94: {  	_ =	strace s3  }
0x95: {  	s3 =	sld [smem:$0x3FFD];
	_ =	sdelay $0x3  }
0x96: {  	_ =	strace s3  }
0x97: {  	_ =	strace $0x8FFFFFFF  }
0x98: {  	s19 =	sld [smem:$0x3FDB];
	_ =	sdelay $0x1  }
0x99: {  	s4 =	simm.s32 $_scs_section_size  }
0x9a: {  	s5 =	simm.s32 $_size__tile_overlayer_lowered;
	s6 =	simm.s32 $_tile_overlayer_lowered  }
0x9b: {  	s22 =	simm.s32 $0x1BFF;
	s21 =	sshll.u32 s6, $0x1;
	s3 =	sadd.s32 s4, s19  }
0x9c: {  	s7 =	simm.s32 $0x0;
	s20 =	sshll.u32 s5, $0x1;
	s5 =	sadd.s32 s21, s3  }
0x9d: {  	[timem:s7], [sflag:s22] =	dma.local [hbm:s5], s20  }
0x9e: {  	_ =	swait.ge [sflag:s22], s20  }
0x9f: {  	s4 =	ssub.s32 $0x0, s20;
	[sflag:s22] =	ssyncset.done $0x0  }
0xa0: {  	[sflag:s22] =	ssyncadd.s32 s4;
	_ =	sdelay $0x1  }
0xa1: {  	s23 =	simm.s32 $0x1B8B  }
0xa2: {  	_ =	swait.ge [sflag:s23], $0x1  }
0xa3: {  	[sflag:s23] =	ssyncset.done $0x0  }
0xa4: {  	s25 =	simm.s32 $0x1B8E;
	s24 =	sld [smem:$0x3FFE];
	[sflag:s23] =	ssyncadd.s32 $0xFFFFFFFF  }
0xa5: {  	s26 =	simm.s32 $execute0_lowered;
	[smem:$0x3FD2] =	sst s25  }
0xa6: {  	s5 =	sshll.u32 s26, $0x1;
	_ =	strace $0x80000046;
	[dreg:$0x1] =	wrdreg $0xFFFFFFFF  }
0xa7: {  	s28 =	simm.s32 $_size_execute0_lowered;
	s3 =	sadd.s32 s3, s5;
	[dreg:$0x0] =	wrdreg $0x0  }
0xa8: {  	s5 =	sshll.u32 s28, $0x1;
	[dreg:$0x2] =	wrdreg s3  }
0xa9: {  	[dreg:$0x3] =	wrdreg s5  }
0xaa: {  	[dreg:$0x4] =	wrdreg $0xC0  }
0xab: {  	_ =	task [dreg:s7], $0x5FFFF  }
0xac: {  	[dreg:$0x1] =	wrdreg $0xFFFFFFFF  }
0xad: {  	[dreg:$0x0] =	wrdreg $0x60  }
0xae: {  	[dreg:$0x2] =	wrdreg s2  }
0xaf: {  	[dreg:$0x3] =	wrdreg s24  }
0xb0: {  	[dreg:$0x4] =	wrdreg $0x92700  }
0xb1: {  	[dreg:$0x5] =	wrdreg $0x1D2700  }
0xb2: {  	[dreg:$0x6] =	wrdreg $0x9  }
0xb3: {  	_ =	task.clear_ibuf [dreg:s7], $0x7FFFF;
	_ =	strace $0x90000046  }
0xb4: {  	s29 =	simm.s32 $0x9;
	_ =	strace $0x80000048  }
0xb5: {  	_ =	swait.ge [sflag:s29], $0x1  }
0xb6: {  	[sflag:s29] =	ssyncadd.s32 $0xFFFFFFFF  }
0xb7: {  	_ =	strace $0x90000048  }
0xb8: {  	_ =	sfence  }
0xb9: {  	s30 =	sld [smem:$0x0];
	_ =	sdelay $0x2  }
0xba: {  	s31 =	sshll.u32 s1, $0xD;
	s1 =	sshrl.u32 s1, $0x2  }
0xbb: {  	s3 =	sand.u32 $0x4000, s31;
	s1 =	sadd.s32 s1, s30  }
0xbc: {  	s0 =	sor.u32 s3, s0;
	s1 =	sshll.u32 s1, $0x11  }
0xbd: {  	s0 =	sor.u32 s1, s0  }
0xbe: {  	s0 =	sadd.s32 $0x8F2B, s0  }
0xbf: {  	[sflag:s0] =	ssyncadd.remote.s32 $0x1  }
0xc0: {  	_ =	sfence.sel $0xFFFF  }
0xc1: {  	[dreg:$0x0] =	wrdreg $0xFFFFFFFF;
	(pc) =	sbr.abs _section_cstart, $3  }
0xc2: {  	[dreg:$0x1] =	wrdreg $0xFFFFFFFF  }
0xc3: {  	_ =	task.clear_ibuf [dreg:s7], $0x2FFFF;
	_ =	strace $0x9FFFFFFF  }
0xc4: {  	(tm) =	ssettm $0x7FFFFFFF  }
0xc5: {  	_ =	shalt  }
tec
execute0_lowered:
.L_overlay_start_1:
0x0: {  	(tag) =	ssettag $0x1  }
0x1: {  	s1 =	rddreg [dreg:$0x0]  }
0x2: {  	s0 =	rddreg [dreg:$0x1]  }
0x3: {  	s3 =	rddreg [dreg:$0x2]  }
0x4: {  	s4 =	rddreg [dreg:$0x3]  }
0x5: {  	s5 =	simm.s32 $0x0;
	s12 =	stileid.u32;
	s2 =	srdreg.scid  }
0x6: {  	s23 =	simm.s32 $0x68;
	s24 =	simm.s32 $0x6810;
	s25 =	simm.s32 $0x6878  }
0x7: {  	s26 =	simm.s32 $0x138;
	s28 =	simm.s32 $0x7;
	s29 =	simm.s32 $0x6  }
0x8: {  	s30 =	simm.s32 $0x1;
	[smem:$0x7FF] =	sst s5;
	s8 =	sadd.s32 $0xB000, s0  }
0x9: {  	s6 =	smul.u32 $0x514, s12;
	_ =	strace $0x80000047;
	[dreg:$0x9] =	wrdreg s8  }
0xa: {  	s31 =	simm.s32 $0x3;
	s9 =	smul.u32 $0x50000, s12;
	[dreg:$0x5] =	wrdreg s23  }
0xb: {  	s2 =	sand.u32 $0x1, s2;
	s15 =	smul.u32 $0x9E0, s12;
	[dreg:$0x6] =	wrdreg s24  }
0xc: {  	s21 =	smul.u32 $0x2800, s12;
	p0 =	seq.s32 s12, $0xF;
	[dreg:$0x7] =	wrdreg s25  }
0xd: {  	s7 =	smul.u32 $0x27100, s2;
	s11 =	ssub.s32 $0x2, s2;
	[dreg:$0x8] =	wrdreg s26  }
0xe: {  	s23 =	simm.s32 $0x1A0;
	s24 =	simm.s32 $0x68E0;
	s25 =	simm.s32 $0x340  }
0xf: {  	s26 =	simm.s32 $0x208;
	s6 =	sadd.s32 s6, s0;
	s10 =	sshrl.u32 s11, $0x1  }
0x10: {  	s9 =	sshrl.u32 s9, $0x2;
	s7 =	sadd.s32 s7, s0;
	s0 =	sadd.s32 $0xB600, s0  }
0x11: {  	s13 =	ssub.s32 s11, s10;
	s22 =	sadd.s32 s9, s3;
	[dreg:$0xa] =	wrdreg s0  }
0x12: {  	s11 =	smul.u32 $0x2710, s2;
	s14 =	sadd.s32 $0x2800, s22;
	[dreg:$0xb] =	wrdreg s22  }
0x13: {  	s8 =	sadd.s32 $0x5E00, s6;
	s9 =	sadd.s32 $0x5000, s22;
	[dreg:$0xc] =	wrdreg s14  }
0x14: {  	s10 =	sadd.s32 $0xC00, s6;
	s16 =	sadd.s32 $0x7800, s22;
	[dreg:$0xd] =	wrdreg s9  }
0x15: {  	s6 =	sshrl.u32 s15, $0x2;
	s17 =	sadd.s32 $0xA000, s22;
	[dreg:$0xe] =	wrdreg s16  }
0x16: {  	s2 =	sor.u32 s12, s2;
	s18 =	sadd.s32 $0xC800, s22;
	[dreg:$0xf] =	wrdreg s17  }
0x17: {  	s12 =	simm.s32 $0x3540;
	s19 =	sadd.s32 $0xF000, s22;
	[dreg:$0x10] =	wrdreg s18  }
0x18: {  	s15 =	simm.s32 $0x2D8;
	s20 =	sadd.s32 $0x11800, s22;
	[dreg:$0x11] =	wrdreg s19  }
0x19: {  	s6 =	sadd.s32 s6, s4;
	s0 =	smax.u32 s13, $0x1;
	[dreg:$0x12] =	wrdreg s20  }
0x1a: {  	s13 =	simm.s32 $0x2;
	[dreg:$0x13] =	wrdreg s6;
	s19 =	simm.s32 $0x5  }
0x1b: {  	s9 =	simm.s32 $0x5;
	s6 =	sadd.s32 s21, s7;
	[dreg:$0x15] =	wrdreg s0  }
0x1c: {  	s0 =	simm.s32 $0x64;
	s7 =	simm.s32 $0x270;
	s14 =	simm.s32 $0x4  }
0x1d: {  	s16 =	simm.s32 $0x8;
	s17 =	simm.s32 $0x9;
	s9 =	simm.s32 @!p0 $0x8  }
0x1e: {  	vm0 =	vcmask $0x3F30;
	v0 =	vmov s11;
	s6 =	sadd.s32 $0xBC00, s6;
	p0 =	sne.s32 s2, $0x0;
	[dreg:$0x14] =	wrdreg s9  }
0x1f: {  	v2 =	vimm.f32 $0.0e+00;
	v1 =	vnsel vm0, $0x0, v0;
	vm0 =	vmmov $0xfff;
	[dreg:$0x16] =	wrdreg s6;
	s6 =	simm.s32 $0xD0;
	s9 =	simm.s32 $0x0  }
.LBB2_1:
0x20: {  	[tilespmem:s5], [sflag:$0x1] =	stream.linear.gather [hbm4b:s8+s5], $0xD0, $0x38;
	[tilespmem:$0x1D4E8] =	vst v63  }
0x21: {  	_ = 	snop  }
0x22: {  	[tilespmem:s23], [sflag:$0x3] =	stream.linear.gather [hbm4b:s10+s5], $0xD0, $0x38;
	[tilespmem:$0x1D4E8] =	vst v63  }
0x23: {  	s2 =	rddreg [dreg:$0x9]  }
0x24: {  	[tilespmem:s24], [sflag:$0x6] =	stream.linear.gather [hbm4b:s2+s5], $0x2710, $0x38;
	[tilespmem:$0x1D4E8] =	vst v63  }
0x25: {  	[dreg:$0x17] =	wrdreg s9;
	s9 =	simm.s32 $0x200;
	s2 =	simm.s32 $0x0  }
.LBB2_2:
0x26: {  	p1 =	sne.s32 s9, $0x9E00;
	[tilespmem:s2+$0x3B0] =	vst v2  }
0x27: {  	[tilespmem:s2+$0x340] =	vst v2  }
0x28: {  	[tilespmem:s2+$0x350] =	vst v2  }
.Ltmp0:
0x29: {  	[tilespmem:s2+$0x360] =	vst v2;
	(pc) =	sbr.rel @p1 .LBB2_2-.Ltmp0, $4  }
0x2a: {  	[tilespmem:s2+$0x370] =	vst v2  }
0x2b: {  	[tilespmem:s2+$0x380] =	vst v2  }
0x2c: {  	[tilespmem:s2+$0x390] =	vst v2  }
0x2d: {  	[tilespmem:s2+$0x3A0] =	vst v2;
	s2 =	sshra.s32 s9, $0x2;
	s9 =	sadd.s32 $0x200, s9  }
0x2e: {  	[tilespmem:s2+$0x3B0] =	vst v2  }
0x2f: {  	[tilespmem:s2+$0x340] =	vst v2  }
0x30: {  	[tilespmem:s2+$0x350] =	vst v2  }
0x31: {  	[tilespmem:s2+$0x360] =	vst v2  }
0x32: {  	[tilespmem:s2+$0x370] =	vst v2  }
0x33: {  	[tilespmem:s2+$0x380] =	vst v2  }
0x34: {  	[tilespmem:s2+$0x390] =	vst v2  }
0x35: {  	[tilespmem:s2+$0x3A0] =	vst v2  }
0x36: {  	[tilespmem:$0x8FF0] =	vst v2  }
0x37: {  	[tilespmem:$0x9000] =	vst v2  }
0x38: {  	[tilespmem:$0x9010] =	vst v2  }
0x39: {  	[tilespmem:$0x9020] =	vst v2  }
0x3a: {  	[tilespmem:$0x9030] =	vst v2  }
0x3b: {  	[tilespmem:$0x9040] =	vst v2  }
0x3c: {  	[tilespmem:$0x9050] =	vst v2  }
0x3d: {  	[tilespmem:$0x9060] =	vst v2  }
0x3e: {  	[tilespmem:$0x9070] =	vst v2  }
0x3f: {  	[tilespmem:$0x9080] =	vst v2  }
0x40: {  	[tilespmem:$0x9090] =	vst v2  }
0x41: {  	[tilespmem:$0x90A0] =	vst v2  }
0x42: {  	[tilespmem:$0x90B0] =	vst v2  }
0x43: {  	[tilespmem:$0x90C0] =	vst v2  }
0x44: {  	[tilespmem:$0x90D0] =	vst v2  }
0x45: {  	[tilespmem:$0x90E0] =	vst v2  }
0x46: {  	[tilespmem:$0x90F0] =	vst v2  }
0x47: {  	[tilespmem:$0x9100] =	vst v2  }
0x48: {  	[tilespmem:$0x9110] =	vst v2  }
0x49: {  	[tilespmem:$0x9120] =	vst v2  }
0x4a: {  	[tilespmem:$0x9130] =	vst v2  }
0x4b: {  	[tilespmem:$0x9140] =	vst v2  }
0x4c: {  	[tilespmem:$0x9150] =	vst v2  }
0x4d: {  	[tilespmem:$0x9160] =	vst v2  }
0x4e: {  	[tilespmem:$0x9170] =	vst v2  }
0x4f: {  	[tilespmem:$0x9180] =	vst v2  }
0x50: {  	[tilespmem:$0x9190] =	vst v2  }
0x51: {  	[tilespmem:$0x91A0] =	vst v2  }
0x52: {  	[tilespmem:$0x91B0] =	vst v2  }
0x53: {  	[tilespmem:$0x91C0] =	vst v2  }
0x54: {  	[tilespmem:$0x91D0] =	vst v2  }
0x55: {  	[tilespmem:$0x91E0] =	vst v2  }
0x56: {  	[tilespmem:$0x91F0] =	vst v2  }
0x57: {  	[tilespmem:$0x9200] =	vst v2  }
0x58: {  	[tilespmem:$0x9210] =	vst v2  }
0x59: {  	[tilespmem:$0x9220] =	vst v2  }
0x5a: {  	[tilespmem:$0x9230] =	vst v2  }
0x5b: {  	[tilespmem:$0x9240] =	vst v2  }
0x5c: {  	[tilespmem:$0x9250] =	vst v2  }
0x5d: {  	[tilespmem:$0x9260] =	vst v2  }
0x5e: {  	[spmem:s22] =	stream.linear.scatter [tilespmem:s25], [sflag:$0x7], $0x2800, $0x38;
	[tilespmem:$0x1D4E8] =	vst v63  }
0x5f: {  	s21 =	rddreg [dreg:$0xc]  }
0x60: {  	[spmem:s21] =	stream.linear.scatter [tilespmem:s25], [sflag:$0x7], $0x2800, $0x38;
	[tilespmem:$0x1D4E8] =	vst v63  }
0x61: {  	s22 =	rddreg [dreg:$0xd]  }
0x62: {  	[spmem:s22] =	stream.linear.scatter [tilespmem:s25], [sflag:$0x7], $0x2800, $0x38;
	[tilespmem:$0x1D4E8] =	vst v63  }
0x63: {  	s9 =	rddreg [dreg:$0xe]  }
0x64: {  	[spmem:s9] =	stream.linear.scatter [tilespmem:s25], [sflag:$0x7], $0x2800, $0x38;
	[tilespmem:$0x1D4E8] =	vst v63  }
0x65: {  	s11 =	rddreg [dreg:$0xf]  }
0x66: {  	[spmem:s11] =	stream.linear.scatter [tilespmem:s25], [sflag:$0x7], $0x2800, $0x38;
	[tilespmem:$0x1D4E8] =	vst v63  }
0x67: {  	s18 =	rddreg [dreg:$0x10]  }
0x68: {  	[spmem:s18] =	stream.linear.scatter [tilespmem:s25], [sflag:$0x7], $0x2800, $0x38;
	[tilespmem:$0x1D4E8] =	vst v63  }
0x69: {  	s20 =	rddreg [dreg:$0x11]  }
0x6a: {  	[spmem:s20] =	stream.linear.scatter [tilespmem:s25], [sflag:$0x7], $0x2800, $0x38;
	[tilespmem:$0x1D4E8] =	vst v63  }
0x6b: {  	s21 =	rddreg [dreg:$0x12]  }
0x6c: {  	[spmem:s21] =	stream.linear.scatter [tilespmem:s25], [sflag:$0x7], $0x2800, $0x38;
	[tilespmem:$0x1D4E8] =	vst v63  }
0x6d: {  	s22 =	rddreg [dreg:$0x13];
	s9 =	simm.s32 $0x8FF0  }
0x6e: {  	[spmem:s22] =	stream.linear.scatter [tilespmem:s9], [sflag:$0x7], $0x278, $0x38;
	[tilespmem:$0x1D4E8] =	vst v63  }
0x6f: {  	_ =	swait.ge [sflag:s28], $0x2800  }
0x70: {  	[sflag:s28] =	ssyncset.done $0x0  }
0x71: {  	[sflag:s28] =	ssyncadd.s32 $0xFFFFD800  }
0x72: {  	_ =	swait.ge [sflag:s28], $0x2800  }
0x73: {  	[sflag:s28] =	ssyncset.done $0x0  }
0x74: {  	[sflag:s28] =	ssyncadd.s32 $0xFFFFD800  }
0x75: {  	_ =	swait.ge [sflag:s28], $0x2800  }
0x76: {  	[sflag:s28] =	ssyncset.done $0x0  }
0x77: {  	[sflag:s28] =	ssyncadd.s32 $0xFFFFD800  }
0x78: {  	_ =	swait.ge [sflag:s28], $0x2800  }
0x79: {  	[sflag:s28] =	ssyncset.done $0x0  }
0x7a: {  	[sflag:s28] =	ssyncadd.s32 $0xFFFFD800  }
0x7b: {  	_ =	swait.ge [sflag:s28], $0x2800  }
0x7c: {  	[sflag:s28] =	ssyncset.done $0x0  }
0x7d: {  	[sflag:s28] =	ssyncadd.s32 $0xFFFFD800  }
0x7e: {  	_ =	swait.ge [sflag:s28], $0x2800  }
0x7f: {  	[sflag:s28] =	ssyncset.done $0x0  }
0x80: {  	[sflag:s28] =	ssyncadd.s32 $0xFFFFD800  }
0x81: {  	_ =	swait.ge [sflag:s28], $0x2800  }
0x82: {  	[sflag:s28] =	ssyncset.done $0x0  }
0x83: {  	[sflag:s28] =	ssyncadd.s32 $0xFFFFD800  }
0x84: {  	_ =	swait.ge [sflag:s28], $0x2800  }
0x85: {  	[sflag:s28] =	ssyncset.done $0x0  }
0x86: {  	[sflag:s28] =	ssyncadd.s32 $0xFFFFD800  }
0x87: {  	_ =	swait.ge [sflag:s28], $0x278  }
0x88: {  	[sflag:s28] =	ssyncset.done $0x0  }
0x89: {  	[sflag:s28] =	ssyncadd.s32 $0xFFFFFD88  }
0x8a: {  	_ =	swait.ge [sflag:s29], $0x2710  }
0x8b: {  	[sflag:s29] =	ssyncset.done $0x0  }
0x8c: {  	[sflag:s29] =	ssyncadd.s32 $0xFFFFD8F0  }
0x8d: {  	[bflag:$0x0] =	sbarrier.arrive $0xFFFF  }
0x8e: {  	_ =	swait.ge [sflag:s30], $0xD0  }
0x8f: {  	[sflag:s30] =	ssyncset.done $0x0  }
0x90: {  	[sflag:s30] =	ssyncadd.s32 $0xFFFFFF30  }
0x91: {  	_ =	swait.ge [sflag:s31], $0xD0  }
0x92: {  	[sflag:s31] =	ssyncset.done $0x0  }
0x93: {  	[sflag:s31] =	ssyncadd.s32 $0xFFFFFF30  }
0x94: {  	v3 =	vld [tilespmem:$0x0];
	_ =	sdelay $0x5  }
0x95: {  	v4 =	vld [tilespmem:$0x10];
	_ =	sdelay $0x1  }
0x96: {  	v3 =	vld.idx.msk [tilespmem:v3+s24+$0x0], $0xffff;
	_ =	sdelay $0x3  }
0x97: {  	v5 =	vld [tilespmem:$0x20]  }
0x98: {  	[tilespmem:$0x6740] =	vst v3  }
0x99: {  	v3 =	vld.idx.msk [tilespmem:v4+s24+$0x0], $0xffff;
	_ =	sdelay $0x3  }
0x9a: {  	v31 =	vld [tilespmem:$0x30]  }
0x9b: {  	[tilespmem:$0x6750] =	vst v3  }
0x9c: {  	v3 =	vld.idx.msk [tilespmem:v5+s24+$0x0], $0xffff;
	_ =	sdelay $0x3  }
0x9d: {  	v32 =	vld [tilespmem:$0x40]  }
0x9e: {  	[tilespmem:$0x6760] =	vst v3  }
0x9f: {  	v3 =	vld.idx.msk [tilespmem:v31+s24+$0x0], $0xffff;
	_ =	sdelay $0x3  }
0xa0: {  	v33 =	vld [tilespmem:$0x50]  }
0xa1: {  	[tilespmem:$0x6770] =	vst v3  }
0xa2: {  	v3 =	vld.idx.msk [tilespmem:v32+s24+$0x0], $0xffff;
	_ =	sdelay $0x3  }
0xa3: {  	v34 =	vld [tilespmem:$0x54]  }
0xa4: {  	[tilespmem:$0x6780] =	vst v3  }
0xa5: {  	v3 =	vld.idx.msk [tilespmem:v33+s24+$0x0], $0xffff;
	_ =	sdelay $0x3  }
0xa6: {  	v36 =	vld [tilespmem:$0x50]  }
0xa7: {  	v6 =	vld [tilespmem:$0x0];
	[tilespmem:$0x6790] =	vst v3  }
0xa8: {  	v3 =	vld.idx.msk [tilespmem:v34+s24+$0x0], $0xffff  }
0xa9: {  	v35 =	vld [tilespmem:$0x6794]  }
0xaa: {  	v7 =	vld [tilespmem:$0x10]  }
0xab: {  	v8 =	vld [tilespmem:$0x20]  }
0xac: {  	v9 =	vld [tilespmem:$0x30]  }
0xad: {  	v10 =	vld [tilespmem:$0x40];
	v5 =	vadd.s32 v0, v36  }
0xae: {  	v37 =	vld [tilespmem:$0x68];
	[tilespmem:$0x50] =	vst v5;
	v3 =	vsel vm0, v35, v3  }
0xaf: {  	v5 =	vld [tilespmem:$0x54];
	[tilespmem:$0x6794] =	vst v3;
	v3 =	vadd.s32 v0, v6  }
0xb0: {  	[tilespmem:$0x0] =	vst v3;
	v3 =	vadd.s32 v0, v7  }
0xb1: {  	[tilespmem:$0x10] =	vst v3;
	v3 =	vadd.s32 v0, v8  }
0xb2: {  	[tilespmem:$0x20] =	vst v3;
	v3 =	vadd.s32 v0, v9  }
0xb3: {  	[tilespmem:$0x30] =	vst v3;
	v3 =	vadd.s32 v0, v10  }
0xb4: {  	v38 =	vld [tilespmem:$0x78];
	[tilespmem:$0x40] =	vst v3;
	v3 =	vadd.s32 v1, v5  }
0xb5: {  	[tilespmem:$0x54] =	vst v3  }
0xb6: {  	v3 =	vld.idx.msk [tilespmem:v37+s24+$0x0], $0xffff;
	_ =	sdelay $0x3  }
0xb7: {  	v39 =	vld [tilespmem:$0x88]  }
0xb8: {  	[tilespmem:$0x67A8] =	vst v3  }
0xb9: {  	v3 =	vld.idx.msk [tilespmem:v38+s24+$0x0], $0xffff;
	_ =	sdelay $0x3  }
0xba: {  	v40 =	vld [tilespmem:$0x98]  }
0xbb: {  	[tilespmem:$0x67B8] =	vst v3  }
0xbc: {  	v3 =	vld.idx.msk [tilespmem:v39+s24+$0x0], $0xffff;
	_ =	sdelay $0x3  }
0xbd: {  	v41 =	vld [tilespmem:$0xA8]  }
0xbe: {  	[tilespmem:$0x67C8] =	vst v3  }
0xbf: {  	v3 =	vld.idx.msk [tilespmem:v40+s24+$0x0], $0xffff;
	_ =	sdelay $0x3  }
0xc0: {  	v42 =	vld [tilespmem:$0xB8]  }
0xc1: {  	[tilespmem:$0x67D8] =	vst v3  }
0xc2: {  	v3 =	vld.idx.msk [tilespmem:v41+s24+$0x0], $0xffff;
	_ =	sdelay $0x3  }
0xc3: {  	v43 =	vld [tilespmem:$0xBC]  }
0xc4: {  	[tilespmem:$0x67E8] =	vst v3  }
0xc5: {  	v3 =	vld.idx.msk [tilespmem:v42+s24+$0x0], $0xffff;
	_ =	sdelay $0x4  }
0xc6: {  	v44 =	vld [tilespmem:$0xB8];
	[tilespmem:$0x67F8] =	vst v3  }
0xc7: {  	v3 =	vld.idx.msk [tilespmem:v43+s24+$0x0], $0xffff  }
0xc8: {  	v45 =	vld [tilespmem:$0x67FC]  }
0xc9: {  	v46 =	vld [tilespmem:$0x68]  }
0xca: {  	v47 =	vld [tilespmem:$0x78]  }
0xcb: {  	v48 =	vld [tilespmem:$0x88]  }
0xcc: {  	v49 =	vld [tilespmem:$0x98];
	v4 =	vadd.s32 v0, v44  }
0xcd: {  	v50 =	vld [tilespmem:$0xA8];
	[tilespmem:$0xB8] =	vst v4;
	v3 =	vsel vm0, v45, v3  }
0xce: {  	v4 =	vld [tilespmem:$0xBC];
	[tilespmem:$0x67FC] =	vst v3;
	v3 =	vadd.s32 v0, v46  }
0xcf: {  	[tilespmem:$0x68] =	vst v3;
	v3 =	vadd.s32 v0, v47  }
0xd0: {  	[tilespmem:$0x78] =	vst v3;
	v3 =	vadd.s32 v0, v48  }
0xd1: {  	[tilespmem:$0x88] =	vst v3;
	v3 =	vadd.s32 v0, v49  }
0xd2: {  	[tilespmem:$0x98] =	vst v3;
	v3 =	vadd.s32 v0, v50  }
0xd3: {  	[tilespmem:$0xA8] =	vst v3;
	v3 =	vadd.s32 v1, v4  }
0xd4: {  	s11 =	simm.s32 $0x6740;
	[tilespmem:$0xBC] =	vst v3  }
0xd5: {  	[spmem:s4] =	stream.indirect.scatter.add.f32 [tilespmem:s11], [sflag:$0x9], $0x1, s23, s0, $0xb8;
	[tilespmem:$0x1D4E8] =	vst v63  }
0xd6: {  	p1 =	por $0x1, $0x1;
	s18 =	simm.s32 $0x67A8  }
0xd7: {  	[spmem:s4] =	stream.indirect.scatter.add.f32 [tilespmem:s18], [sflag:$0x9], $0x1, s26, s0, $0xb8;
	[tilespmem:$0x1D4E8] =	vst v63  }
0xd8: {  	s2 =	simm.s32 @!p1 $0x8;
	s20 =	simm.s32 $0x0  }
0xd9: {  	[tilespmem:s25], [sflag:$0x5] =	stream.indirect.gather [hbm4b:s1+s0], $0x80, s20, s0, $0xb8;
	[tilespmem:$0x1D4E8] =	vst v63  }
0xda: {  	_ =	swait.ge @!p1 [sflag:s2], $0x3200  }
0xdb: {  	[sflag:s2] =	ssyncset.done @!p1 $0x0  }
0xdc: {  	s9 =	simm.s32 @!p1 $0xA;
	[sflag:s2] =	ssyncadd.s32 @!p1 $0xFFFFCE00  }
0xdd: {  	_ =	swait.ge @!p1 [sflag:s9], $0x64  }
0xde: {  	[sflag:s9] =	ssyncset.done @!p1 $0x0  }
0xdf: {  	[sflag:s9] =	ssyncadd.s32 @!p1 $0xFFFFFF9C  }
0xe0: {  	_ =	swait.ge @!p1 [sflag:s9], $0x64  }
0xe1: {  	s2 =	sadd.s32 $0x0, s8;
	[sflag:s9] =	ssyncset.done @!p1 $0x0  }
0xe2: {  	s11 =	sadd.s32 $0x1A, s2;
	[sflag:s9] =	ssyncadd.s32 @!p1 $0xFFFFFF9C;
	s9 =	sadd.s32 $0x0, s10  }
0xe3: {  	[tilespmem:s6], [sflag:$0x2] =	stream.linear.gather [hbm4b:s11+s5], $0xD0, $0x38;
	[tilespmem:$0x1D4E8] =	vst v63  }
0xe4: {  	s21 =	sadd.s32 $0x1A, s9  }
0xe5: {  	[tilespmem:s7], [sflag:$0x4] =	stream.linear.gather [hbm4b:s21+s5], $0xD0, $0x38;
	[tilespmem:$0x1D4E8] =	vst v63  }
0xe6: {  	s20 =	rddreg [dreg:$0x5]  }
0xe7: {  	[tilespmem:s12], [sflag:$0x6] =	stream.indirect.gather [hbm4b:s1+s0], $0x80, s20, s0, $0xb8;
	[tilespmem:$0x1D4E8] =	vst v63  }
0xe8: {  	_ =	swait.ge [sflag:s19], $0x3200  }
0xe9: {  	[sflag:s19] =	ssyncset.done $0x0  }
0xea: {  	[sflag:s19] =	ssyncadd.s32 $0xFFFFCE00  }
0xeb: {  	[spmem:s3] =	stream.indirect.scatter.add.f32 [tilespmem:s25], [sflag:$0x7], $0x80, s23, s0, $0xb8;
	[tilespmem:$0x1D4E8] =	vst v63  }
0xec: {  	_ =	swait.ge [sflag:s13], $0xD0  }
0xed: {  	[sflag:s13] =	ssyncset.done $0x0  }
0xee: {  	[sflag:s13] =	ssyncadd.s32 $0xFFFFFF30  }
0xef: {  	_ =	swait.ge [sflag:s14], $0xD0  }
0xf0: {  	[sflag:s14] =	ssyncset.done $0x0  }
0xf1: {  	[sflag:s14] =	ssyncadd.s32 $0xFFFFFF30  }
0xf2: {  	v3 =	vld [tilespmem:$0xD0];
	_ =	sdelay $0x5  }
0xf3: {  	v51 =	vld [tilespmem:$0xE0];
	_ =	sdelay $0x1  }
0xf4: {  	v3 =	vld.idx.msk [tilespmem:v3+s24+$0x0], $0xffff;
	_ =	sdelay $0x3  }
0xf5: {  	v52 =	vld [tilespmem:$0xF0]  }
0xf6: {  	[tilespmem:$0x6810] =	vst v3  }
0xf7: {  	v3 =	vld.idx.msk [tilespmem:v51+s24+$0x0], $0xffff;
	_ =	sdelay $0x3  }
0xf8: {  	v53 =	vld [tilespmem:$0x100]  }
0xf9: {  	[tilespmem:$0x6820] =	vst v3  }
0xfa: {  	v3 =	vld.idx.msk [tilespmem:v52+s24+$0x0], $0xffff;
	_ =	sdelay $0x3  }
0xfb: {  	v54 =	vld [tilespmem:$0x110]  }
0xfc: {  	[tilespmem:$0x6830] =	vst v3  }
0xfd: {  	v3 =	vld.idx.msk [tilespmem:v53+s24+$0x0], $0xffff;
	_ =	sdelay $0x3  }
0xfe: {  	v55 =	vld [tilespmem:$0x120]  }
0xff: {  	[tilespmem:$0x6840] =	vst v3  }
0x100: {  	v3 =	vld.idx.msk [tilespmem:v54+s24+$0x0], $0xffff;
	_ =	sdelay $0x2  }
0x101: {  	v56 =	vld [tilespmem:$0x110]  }
0x102: {  	v57 =	vld [tilespmem:$0x138]  }
0x103: {  	[tilespmem:$0x6850] =	vst v3;
	v3 =	vld [tilespmem:$0x124]  }
0x104: {  	v4 =	vld.idx.msk [tilespmem:v55+s24+$0x0], $0xffff  }
0x105: {  	v58 =	vld [tilespmem:$0x120]  }
0x106: {  	v59 =	vld [tilespmem:$0xD0]  }
0x107: {  	v60 =	vld [tilespmem:$0xE0]  }
0x108: {  	v61 =	vld [tilespmem:$0xF0]  }
0x109: {  	v62 =	vld [tilespmem:$0x100];
	[tilespmem:$0x6860] =	vst v4  }
0x10a: {  	v7 =	vadd.s32 v0, v58;
	v11 =	vld [tilespmem:$0x6864]  }
0x10b: {  	v8 =	vadd.s32 v0, v59;
	v3 =	vld.idx.msk [tilespmem:v3+s24+$0x0], $0xffff;
	[tilespmem:$0x120] =	vst v7  }
0x10c: {  	v63 =	vadd.s32 v0, v60;
	[tilespmem:$0xD0] =	vst v8;
	v12 =	vld [tilespmem:$0x124]  }
0x10d: {  	v13 =	vadd.s32 v0, v61;
	[tilespmem:$0xE0] =	vst v63  }
0x10e: {  	v4 =	vadd.s32 v0, v62;
	[tilespmem:$0xF0] =	vst v13  }
0x10f: {  	v14 =	vadd.s32 v0, v56;
	[tilespmem:$0x100] =	vst v4  }
0x110: {  	[tilespmem:$0x110] =	vst v14;
	v3 =	vsel vm0, v11, v3  }
0x111: {  	v15 =	vld [tilespmem:$0x148];
	[tilespmem:$0x6864] =	vst v3;
	v3 =	vadd.s32 v1, v12  }
0x112: {  	[tilespmem:$0x124] =	vst v3  }
0x113: {  	v3 =	vld.idx.msk [tilespmem:v57+s24+$0x0], $0xffff;
	_ =	sdelay $0x3  }
0x114: {  	v16 =	vld [tilespmem:$0x158]  }
0x115: {  	[tilespmem:$0x6878] =	vst v3  }
0x116: {  	v3 =	vld.idx.msk [tilespmem:v15+s24+$0x0], $0xffff;
	_ =	sdelay $0x3  }
0x117: {  	v17 =	vld [tilespmem:$0x168]  }
0x118: {  	[tilespmem:$0x6888] =	vst v3  }
0x119: {  	v3 =	vld.idx.msk [tilespmem:v16+s24+$0x0], $0xffff;
	_ =	sdelay $0x3  }
0x11a: {  	v18 =	vld [tilespmem:$0x178]  }
0x11b: {  	[tilespmem:$0x6898] =	vst v3  }
0x11c: {  	v3 =	vld.idx.msk [tilespmem:v17+s24+$0x0], $0xffff;
	_ =	sdelay $0x3  }
0x11d: {  	v19 =	vld [tilespmem:$0x188]  }
0x11e: {  	[tilespmem:$0x68A8] =	vst v3  }
0x11f: {  	v3 =	vld.idx.msk [tilespmem:v18+s24+$0x0], $0xffff;
	_ =	sdelay $0x3  }
0x120: {  	v20 =	vld [tilespmem:$0x178]  }
0x121: {  	[tilespmem:$0x68B8] =	vst v3;
	v3 =	vld [tilespmem:$0x18C]  }
0x122: {  	v4 =	vld.idx.msk [tilespmem:v19+s24+$0x0], $0xffff  }
0x123: {  	v21 =	vld [tilespmem:$0x188]  }
0x124: {  	v22 =	vld [tilespmem:$0x138]  }
0x125: {  	v23 =	vld [tilespmem:$0x148]  }
0x126: {  	v24 =	vld [tilespmem:$0x158]  }
0x127: {  	v25 =	vld [tilespmem:$0x168];
	[tilespmem:$0x68C8] =	vst v4  }
0x128: {  	v6 =	vadd.s32 v0, v21;
	v26 =	vld [tilespmem:$0x68CC]  }
0x129: {  	v7 =	vadd.s32 v0, v22;
	v3 =	vld.idx.msk [tilespmem:v3+s24+$0x0], $0xffff;
	[tilespmem:$0x188] =	vst v6  }
0x12a: {  	v27 =	vadd.s32 v0, v23;
	[tilespmem:$0x138] =	vst v7;
	v28 =	vld [tilespmem:$0x18C]  }
0x12b: {  	v29 =	vadd.s32 v0, v24;
	[tilespmem:$0x148] =	vst v27  }
0x12c: {  	v4 =	vadd.s32 v0, v25;
	[tilespmem:$0x158] =	vst v29  }
0x12d: {  	v30 =	vadd.s32 v0, v20;
	[tilespmem:$0x168] =	vst v4  }
0x12e: {  	[tilespmem:$0x178] =	vst v30;
	v3 =	vsel vm0, v26, v3  }
0x12f: {  	[tilespmem:$0x68CC] =	vst v3;
	v3 =	vadd.s32 v1, v28  }
0x130: {  	s22 =	rddreg [dreg:$0x6];
	[tilespmem:$0x18C] =	vst v3  }
0x131: {  	[spmem:s4] =	stream.indirect.scatter.add.f32 [tilespmem:s22], [sflag:$0xA], $0x1, s7, s0, $0xb8;
	[tilespmem:$0x1D4E8] =	vst v63  }
0x132: {  	s18 =	rddreg [dreg:$0x7]  }
0x133: {  	[spmem:s4] =	stream.indirect.scatter.add.f32 [tilespmem:s18], [sflag:$0xA], $0x1, s15, s0, $0xb8;
	[tilespmem:$0x1D4E8] =	vst v63  }
0x134: {  	_ =	swait.ge [sflag:s28], $0x3200  }
0x135: {  	[sflag:s28] =	ssyncset.done $0x0  }
0x136: {  	[sflag:s28] =	ssyncadd.s32 $0xFFFFCE00  }
0x137: {  	[tilespmem:s25], [sflag:$0x5] =	stream.indirect.gather [hbm4b:s1+s0], $0x80, s6, s0, $0xb8;
	[tilespmem:$0x1D4E8] =	vst v63  }
0x138: {  	_ =	swait.ge [sflag:s29], $0x3200  }
0x139: {  	[sflag:s29] =	ssyncset.done $0x0  }
0x13a: {  	[sflag:s29] =	ssyncadd.s32 $0xFFFFCE00  }
0x13b: {  	[spmem:s3] =	stream.indirect.scatter.add.f32 [tilespmem:s12], [sflag:$0x8], $0x80, s26, s0, $0xb8;
	[tilespmem:$0x1D4E8] =	vst v63  }
0x13c: {  	_ =	swait.ge [sflag:s16], $0x3200  }
0x13d: {  	[sflag:s16] =	ssyncset.done $0x0  }
0x13e: {  	[sflag:s16] =	ssyncadd.s32 $0xFFFFCE00  }
0x13f: {  	_ =	swait.ge [sflag:s17], $0x64  }
0x140: {  	[sflag:s17] =	ssyncset.done $0x0  }
0x141: {  	[sflag:s17] =	ssyncadd.s32 $0xFFFFFF9C  }
0x142: {  	_ =	swait.ge [sflag:s17], $0x64  }
0x143: {  	[sflag:s17] =	ssyncset.done $0x0  }
0x144: {  	s2 =	sadd.s32 $0x34, s2;
	[sflag:s17] =	ssyncadd.s32 $0xFFFFFF9C  }
0x145: {  	[tilespmem:s5], [sflag:$0x1] =	stream.linear.gather [hbm4b:s2+s5], $0xD0, $0x38;
	[tilespmem:$0x1D4E8] =	vst v63  }
0x146: {  	s21 =	sadd.s32 $0x34, s9  }
0x147: {  	[tilespmem:s23], [sflag:$0x3] =	stream.linear.gather [hbm4b:s21+s5], $0xD0, $0x38;
	[tilespmem:$0x1D4E8] =	vst v63  }
0x148: {  	s22 =	rddreg [dreg:$0x8]  }
0x149: {  	[tilespmem:s12], [sflag:$0x6] =	stream.indirect.gather [hbm4b:s1+s0], $0x80, s22, s0, $0xb8;
	[tilespmem:$0x1D4E8] =	vst v63  }
0x14a: {  	_ =	swait.ge [sflag:s19], $0x3200  }
0x14b: {  	[sflag:s19] =	ssyncset.done $0x0  }
0x14c: {  	[sflag:s19] =	ssyncadd.s32 $0xFFFFCE00  }
0x14d: {  	[spmem:s3] =	stream.indirect.scatter.add.f32 [tilespmem:s25], [sflag:$0x7], $0x80, s7, s0, $0xb8;
	[tilespmem:$0x1D4E8] =	vst v63  }
0x14e: {  	_ =	swait.ge [sflag:s30], $0xD0  }
0x14f: {  	[sflag:s30] =	ssyncset.done $0x0  }
0x150: {  	[sflag:s30] =	ssyncadd.s32 $0xFFFFFF30  }
0x151: {  	_ =	swait.ge [sflag:s31], $0xD0  }
0x152: {  	[sflag:s31] =	ssyncset.done $0x0  }
0x153: {  	[sflag:s31] =	ssyncadd.s32 $0xFFFFFF30  }
0x154: {  	v3 =	vld [tilespmem:$0x0];
	_ =	sdelay $0x5  }
0x155: {  	v31 =	vld [tilespmem:$0x10];
	_ =	sdelay $0x1  }
0x156: {  	v3 =	vld.idx.msk [tilespmem:v3+s24+$0x0], $0xffff;
	_ =	sdelay $0x3  }
0x157: {  	v32 =	vld [tilespmem:$0x20]  }
0x158: {  	[tilespmem:$0x6740] =	vst v3  }
0x159: {  	v3 =	vld.idx.msk [tilespmem:v31+s24+$0x0], $0xffff;
	_ =	sdelay $0x3  }
0x15a: {  	v33 =	vld [tilespmem:$0x30]  }
0x15b: {  	[tilespmem:$0x6750] =	vst v3  }
0x15c: {  	v3 =	vld.idx.msk [tilespmem:v32+s24+$0x0], $0xffff;
	_ =	sdelay $0x3  }
0x15d: {  	v34 =	vld [tilespmem:$0x40]  }
0x15e: {  	[tilespmem:$0x6760] =	vst v3  }
0x15f: {  	v3 =	vld.idx.msk [tilespmem:v33+s24+$0x0], $0xffff;
	_ =	sdelay $0x3  }
0x160: {  	v35 =	vld [tilespmem:$0x50]  }
0x161: {  	[tilespmem:$0x6770] =	vst v3  }
0x162: {  	v3 =	vld.idx.msk [tilespmem:v34+s24+$0x0], $0xffff;
	_ =	sdelay $0x2  }
0x163: {  	v36 =	vld [tilespmem:$0x68]  }
0x164: {  	v37 =	vld [tilespmem:$0x40]  }
0x165: {  	[tilespmem:$0x6780] =	vst v3;
	v3 =	vld [tilespmem:$0x54]  }
0x166: {  	v4 =	vld.idx.msk [tilespmem:v35+s24+$0x0], $0xffff  }
0x167: {  	v38 =	vld [tilespmem:$0x50]  }
0x168: {  	v39 =	vld [tilespmem:$0x0]  }
0x169: {  	v40 =	vld [tilespmem:$0x10]  }
0x16a: {  	v41 =	vld [tilespmem:$0x20]  }
0x16b: {  	v42 =	vld [tilespmem:$0x30];
	[tilespmem:$0x6790] =	vst v4  }
0x16c: {  	v7 =	vadd.s32 v0, v38;
	v43 =	vld [tilespmem:$0x6794]  }
0x16d: {  	v8 =	vadd.s32 v0, v39;
	v3 =	vld.idx.msk [tilespmem:v3+s24+$0x0], $0xffff;
	[tilespmem:$0x50] =	vst v7  }
0x16e: {  	v44 =	vadd.s32 v0, v40;
	[tilespmem:$0x0] =	vst v8;
	v45 =	vld [tilespmem:$0x54]  }
0x16f: {  	v46 =	vadd.s32 v0, v41;
	[tilespmem:$0x10] =	vst v44  }
0x170: {  	v4 =	vadd.s32 v0, v42;
	[tilespmem:$0x20] =	vst v46  }
0x171: {  	v47 =	vadd.s32 v0, v37;
	[tilespmem:$0x30] =	vst v4  }
0x172: {  	[tilespmem:$0x40] =	vst v47;
	v3 =	vsel vm0, v43, v3  }
0x173: {  	v48 =	vld [tilespmem:$0x78];
	[tilespmem:$0x6794] =	vst v3;
	v3 =	vadd.s32 v1, v45  }
0x174: {  	[tilespmem:$0x54] =	vst v3  }
0x175: {  	v3 =	vld.idx.msk [tilespmem:v36+s24+$0x0], $0xffff;
	_ =	sdelay $0x3  }
0x176: {  	v49 =	vld [tilespmem:$0x88]  }
0x177: {  	[tilespmem:$0x67A8] =	vst v3  }
0x178: {  	v3 =	vld.idx.msk [tilespmem:v48+s24+$0x0], $0xffff;
	_ =	sdelay $0x3  }
0x179: {  	v50 =	vld [tilespmem:$0x98]  }
0x17a: {  	[tilespmem:$0x67B8] =	vst v3  }
0x17b: {  	v3 =	vld.idx.msk [tilespmem:v49+s24+$0x0], $0xffff;
	_ =	sdelay $0x3  }
0x17c: {  	v51 =	vld [tilespmem:$0xA8]  }
0x17d: {  	[tilespmem:$0x67C8] =	vst v3  }
0x17e: {  	v3 =	vld.idx.msk [tilespmem:v50+s24+$0x0], $0xffff;
	_ =	sdelay $0x3  }
0x17f: {  	v52 =	vld [tilespmem:$0xB8]  }
0x180: {  	[tilespmem:$0x67D8] =	vst v3  }
0x181: {  	v3 =	vld.idx.msk [tilespmem:v51+s24+$0x0], $0xffff;
	_ =	sdelay $0x3  }
0x182: {  	v53 =	vld [tilespmem:$0xA8]  }
0x183: {  	[tilespmem:$0x67E8] =	vst v3;
	v3 =	vld [tilespmem:$0xBC]  }
0x184: {  	v4 =	vld.idx.msk [tilespmem:v52+s24+$0x0], $0xffff  }
0x185: {  	v54 =	vld [tilespmem:$0xB8]  }
0x186: {  	v55 =	vld [tilespmem:$0x68]  }
0x187: {  	v56 =	vld [tilespmem:$0x78]  }
0x188: {  	v57 =	vld [tilespmem:$0x88]  }
0x189: {  	v58 =	vld [tilespmem:$0x98];
	[tilespmem:$0x67F8] =	vst v4  }
0x18a: {  	v6 =	vadd.s32 v0, v54;
	v59 =	vld [tilespmem:$0x67FC]  }
0x18b: {  	v7 =	vadd.s32 v0, v55;
	v3 =	vld.idx.msk [tilespmem:v3+s24+$0x0], $0xffff;
	[tilespmem:$0xB8] =	vst v6  }
0x18c: {  	v60 =	vadd.s32 v0, v56;
	[tilespmem:$0x68] =	vst v7;
	v61 =	vld [tilespmem:$0xBC]  }
0x18d: {  	v62 =	vadd.s32 v0, v57;
	[tilespmem:$0x78] =	vst v60  }
0x18e: {  	v4 =	vadd.s32 v0, v58;
	[tilespmem:$0x88] =	vst v62  }
0x18f: {  	v63 =	vadd.s32 v0, v53;
	[tilespmem:$0x98] =	vst v4  }
0x190: {  	[tilespmem:$0xA8] =	vst v63;
	v3 =	vsel vm0, v59, v3  }
0x191: {  	p1 =	por $0x0, $0x0;
	[tilespmem:$0x67FC] =	vst v3;
	v3 =	vadd.s32 v1, v61  }
0x192: {  	s11 =	simm.s32 @!p1 $0x6740;
	s9 =	simm.s32 @!p1 $0x1A0;
	s2 =	simm.s32 @!p1 $0x64;
	[tilespmem:$0xBC] =	vst v3  }
0x193: {  	[spmem:s4] =	stream.indirect.scatter.add.f32 @!p1 [tilespmem:s11], [sflag:$0x9], $0x1, s9, s2, $0xb8;
	[tilespmem:$0x1D4E8] =	vst v63  }
0x194: {  	s9 =	simm.s32 @!p1 $0x208;
	s11 =	simm.s32 @!p1 $0x67A8  }
0x195: {  	[spmem:s4] =	stream.indirect.scatter.add.f32 @!p1 [tilespmem:s11], [sflag:$0x9], $0x1, s9, s2, $0xb8;
	[tilespmem:$0x1D4E8] =	vst v63  }
0x196: {  	_ =	swait.ge [sflag:s28], $0x3200  }
0x197: {  	[sflag:s28] =	ssyncset.done $0x0  }
0x198: {  	[sflag:s28] =	ssyncadd.s32 $0xFFFFCE00  }
0x199: {  	[tilespmem:s25], [sflag:$0x5] =	stream.indirect.gather [hbm4b:s1+s0], $0x80, s5, s0, $0xb8;
	[tilespmem:$0x1D4E8] =	vst v63  }
0x19a: {  	p2 =	por $0x0, $0x0;
	_ =	swait.ge [sflag:s29], $0x3200  }
0x19b: {  	s2 =	simm.s32 $0x34;
	s11 =	simm.s32 $0x68;
	[sflag:s29] =	ssyncset.done $0x0  }
.LBB2_4:
0x19c: {  	s9 =	simm.s32 @!p2 $0x8;
	[sflag:s29] =	ssyncadd.s32 $0xFFFFCE00  }
0x19d: {  	[spmem:s3] =	stream.indirect.scatter.add.f32 [tilespmem:s12], [sflag:$0x8], $0x80, s15, s0, $0xb8;
	[tilespmem:$0x1D4E8] =	vst v63  }
0x19e: {  	_ =	swait.ge @!p2 [sflag:s9], $0x3200  }
0x19f: {  	[sflag:s9] =	ssyncset.done @!p2 $0x0  }
0x1a0: {  	s20 =	simm.s32 @!p2 $0xA;
	[sflag:s9] =	ssyncadd.s32 @!p2 $0xFFFFCE00  }
0x1a1: {  	_ =	swait.ge @!p2 [sflag:s20], $0x64  }
0x1a2: {  	[sflag:s20] =	ssyncset.done @!p2 $0x0  }
0x1a3: {  	[sflag:s20] =	ssyncadd.s32 @!p2 $0xFFFFFF9C  }
0x1a4: {  	_ =	swait.ge @!p2 [sflag:s20], $0x64  }
0x1a5: {  	s9 =	sadd.s32 s2, s8;
	[sflag:s20] =	ssyncset.done @!p2 $0x0  }
0x1a6: {  	s18 =	sadd.s32 $0x1A, s9;
	[sflag:s20] =	ssyncadd.s32 @!p2 $0xFFFFFF9C;
	s20 =	sadd.s32 s2, s10  }
0x1a7: {  	[tilespmem:s6], [sflag:$0x2] =	stream.linear.gather [hbm4b:s18+s5], $0xD0, $0x38;
	[tilespmem:$0x1D4E8] =	vst v63  }
0x1a8: {  	s18 =	sadd.s32 $0x1A, s20  }
0x1a9: {  	[tilespmem:s7], [sflag:$0x4] =	stream.linear.gather [hbm4b:s18+s5], $0xD0, $0x38;
	[tilespmem:$0x1D4E8] =	vst v63  }
0x1aa: {  	s21 =	rddreg [dreg:$0x5]  }
0x1ab: {  	[tilespmem:s12], [sflag:$0x6] =	stream.indirect.gather [hbm4b:s1+s0], $0x80, s21, s0, $0xb8;
	[tilespmem:$0x1D4E8] =	vst v63  }
0x1ac: {  	_ =	swait.ge [sflag:s19], $0x3200  }
0x1ad: {  	[sflag:s19] =	ssyncset.done $0x0  }
0x1ae: {  	[sflag:s19] =	ssyncadd.s32 $0xFFFFCE00  }
0x1af: {  	[spmem:s3] =	stream.indirect.scatter.add.f32 [tilespmem:s25], [sflag:$0x7], $0x80, s23, s0, $0xb8;
	[tilespmem:$0x1D4E8] =	vst v63  }
0x1b0: {  	_ =	swait.ge [sflag:s13], $0xD0  }
0x1b1: {  	[sflag:s13] =	ssyncset.done $0x0  }
0x1b2: {  	[sflag:s13] =	ssyncadd.s32 $0xFFFFFF30  }
0x1b3: {  	_ =	swait.ge [sflag:s14], $0xD0  }
0x1b4: {  	[sflag:s14] =	ssyncset.done $0x0  }
0x1b5: {  	[sflag:s14] =	ssyncadd.s32 $0xFFFFFF30  }
0x1b6: {  	v3 =	vld [tilespmem:$0xD0];
	_ =	sdelay $0x6  }
0x1b7: {  	v4 =	vld [tilespmem:$0xE0]  }
0x1b8: {  	v3 =	vld.idx.msk [tilespmem:v3+s24+$0x0], $0xffff;
	_ =	sdelay $0x4  }
0x1b9: {  	[tilespmem:$0x6810] =	vst v3;
	v3 =	vld [tilespmem:$0xF0];
	_ =	sdelay $0x1  }
0x1ba: {  	v4 =	vld.idx.msk [tilespmem:v4+s24+$0x0], $0xffff;
	_ =	sdelay $0x4  }
0x1bb: {  	v18 =	vld [tilespmem:$0x100];
	[tilespmem:$0x6820] =	vst v4  }
0x1bc: {  	v3 =	vld.idx.msk [tilespmem:v3+s24+$0x0], $0xffff;
	_ =	sdelay $0x4  }
0x1bd: {  	[tilespmem:$0x6830] =	vst v3;
	v3 =	vld [tilespmem:$0x110];
	_ =	sdelay $0x1  }
0x1be: {  	v4 =	vld.idx.msk [tilespmem:v18+s24+$0x0], $0xffff;
	_ =	sdelay $0x3  }
0x1bf: {  	v19 =	vld [tilespmem:$0x120]  }
0x1c0: {  	[tilespmem:$0x6840] =	vst v4  }
0x1c1: {  	v3 =	vld.idx.msk [tilespmem:v3+s24+$0x0], $0xffff;
	_ =	sdelay $0x3  }
0x1c2: {  	v6 =	vld [tilespmem:$0x138]  }
0x1c3: {  	[tilespmem:$0x6850] =	vst v3;
	v3 =	vld [tilespmem:$0x124]  }
0x1c4: {  	v4 =	vld.idx.msk [tilespmem:v19+s24+$0x0], $0xffff  }
0x1c5: {  	v7 =	vld [tilespmem:$0x120]  }
0x1c6: {  	v8 =	vld [tilespmem:$0xD0]  }
0x1c7: {  	v9 =	vld [tilespmem:$0xE0]  }
0x1c8: {  	v10 =	vld [tilespmem:$0xF0]  }
0x1c9: {  	v20 =	vld [tilespmem:$0x100];
	[tilespmem:$0x6860] =	vst v4  }
0x1ca: {  	v7 =	vadd.s32 v0, v7;
	v11 =	vld [tilespmem:$0x6864]  }
0x1cb: {  	v3 =	vld.idx.msk [tilespmem:v3+s24+$0x0], $0xffff;
	[tilespmem:$0x120] =	vst v7  }
0x1cc: {  	v8 =	vadd.s32 v0, v8;
	v22 =	vld [tilespmem:$0x124]  }
0x1cd: {  	v5 =	vld [tilespmem:$0x110];
	v21 =	vadd.s32 v0, v9;
	[tilespmem:$0xD0] =	vst v8  }
0x1ce: {  	v23 =	vadd.s32 v0, v10;
	[tilespmem:$0xE0] =	vst v21  }
0x1cf: {  	v4 =	vadd.s32 v0, v20;
	[tilespmem:$0xF0] =	vst v23  }
0x1d0: {  	[tilespmem:$0x100] =	vst v4;
	v3 =	vsel vm0, v11, v3  }
0x1d1: {  	[tilespmem:$0x6864] =	vst v3;
	v3 =	vadd.s32 v1, v22  }
0x1d2: {  	v24 =	vadd.s32 v0, v5;
	[tilespmem:$0x124] =	vst v3;
	v3 =	vld [tilespmem:$0x148]  }
0x1d3: {  	[tilespmem:$0x110] =	vst v24  }
0x1d4: {  	v4 =	vld.idx.msk [tilespmem:v6+s24+$0x0], $0xffff;
	_ =	sdelay $0x4  }
0x1d5: {  	v25 =	vld [tilespmem:$0x158];
	[tilespmem:$0x6878] =	vst v4  }
0x1d6: {  	v3 =	vld.idx.msk [tilespmem:v3+s24+$0x0], $0xffff;
	_ =	sdelay $0x4  }
0x1d7: {  	[tilespmem:$0x6888] =	vst v3;
	v3 =	vld [tilespmem:$0x168];
	_ =	sdelay $0x1  }
0x1d8: {  	v4 =	vld.idx.msk [tilespmem:v25+s24+$0x0], $0xffff;
	_ =	sdelay $0x4  }
0x1d9: {  	v26 =	vld [tilespmem:$0x178];
	[tilespmem:$0x6898] =	vst v4  }
0x1da: {  	v3 =	vld.idx.msk [tilespmem:v3+s24+$0x0], $0xffff;
	_ =	sdelay $0x4  }
0x1db: {  	[tilespmem:$0x68A8] =	vst v3;
	v3 =	vld [tilespmem:$0x188];
	_ =	sdelay $0x1  }
0x1dc: {  	v4 =	vld.idx.msk [tilespmem:v26+s24+$0x0], $0xffff;
	_ =	sdelay $0x3  }
0x1dd: {  	v27 =	vld [tilespmem:$0x18C]  }
0x1de: {  	v28 =	vld [tilespmem:$0x178];
	[tilespmem:$0x68B8] =	vst v4  }
0x1df: {  	v3 =	vld.idx.msk [tilespmem:v3+s24+$0x0], $0xffff  }
0x1e0: {  	v29 =	vld [tilespmem:$0x188]  }
0x1e1: {  	v30 =	vld [tilespmem:$0x138]  }
0x1e2: {  	v31 =	vld [tilespmem:$0x148]  }
0x1e3: {  	v32 =	vld [tilespmem:$0x158]  }
0x1e4: {  	[tilespmem:$0x68C8] =	vst v3;
	v3 =	vld [tilespmem:$0x168]  }
0x1e5: {  	v6 =	vadd.s32 v0, v29;
	v4 =	vld.idx.msk [tilespmem:v27+s24+$0x0], $0xffff  }
0x1e6: {  	v7 =	vadd.s32 v0, v30;
	v33 =	vld [tilespmem:$0x68CC];
	[tilespmem:$0x188] =	vst v6  }
0x1e7: {  	v34 =	vadd.s32 v0, v31;
	[tilespmem:$0x138] =	vst v7;
	v35 =	vld [tilespmem:$0x18C]  }
0x1e8: {  	v36 =	vadd.s32 v0, v32;
	[tilespmem:$0x148] =	vst v34  }
0x1e9: {  	[tilespmem:$0x158] =	vst v36;
	v3 =	vadd.s32 v0, v3  }
0x1ea: {  	[tilespmem:$0x168] =	vst v3;
	v3 =	vadd.s32 v0, v28  }
0x1eb: {  	v4 =	vsel vm0, v33, v4;
	[tilespmem:$0x178] =	vst v3  }
0x1ec: {  	[tilespmem:$0x68CC] =	vst v4;
	v3 =	vadd.s32 v1, v35  }
0x1ed: {  	s18 =	rddreg [dreg:$0x6];
	[tilespmem:$0x18C] =	vst v3  }
0x1ee: {  	[spmem:s4] =	stream.indirect.scatter.add.f32 [tilespmem:s18], [sflag:$0xA], $0x1, s7, s0, $0xb8;
	[tilespmem:$0x1D4E8] =	vst v63  }
0x1ef: {  	s21 =	rddreg [dreg:$0x7]  }
0x1f0: {  	[spmem:s4] =	stream.indirect.scatter.add.f32 [tilespmem:s21], [sflag:$0xA], $0x1, s15, s0, $0xb8;
	[tilespmem:$0x1D4E8] =	vst v63  }
0x1f1: {  	_ =	swait.ge [sflag:s28], $0x3200  }
0x1f2: {  	[sflag:s28] =	ssyncset.done $0x0  }
0x1f3: {  	[sflag:s28] =	ssyncadd.s32 $0xFFFFCE00  }
0x1f4: {  	[tilespmem:s25], [sflag:$0x5] =	stream.indirect.gather [hbm4b:s1+s0], $0x80, s6, s0, $0xb8;
	[tilespmem:$0x1D4E8] =	vst v63  }
0x1f5: {  	_ =	swait.ge [sflag:s29], $0x3200  }
0x1f6: {  	[sflag:s29] =	ssyncset.done $0x0  }
0x1f7: {  	[sflag:s29] =	ssyncadd.s32 $0xFFFFCE00  }
0x1f8: {  	[spmem:s3] =	stream.indirect.scatter.add.f32 [tilespmem:s12], [sflag:$0x8], $0x80, s26, s0, $0xb8;
	[tilespmem:$0x1D4E8] =	vst v63  }
0x1f9: {  	_ =	swait.ge [sflag:s16], $0x3200  }
0x1fa: {  	[sflag:s16] =	ssyncset.done $0x0  }
0x1fb: {  	[sflag:s16] =	ssyncadd.s32 $0xFFFFCE00  }
0x1fc: {  	_ =	swait.ge [sflag:s17], $0x64  }
0x1fd: {  	[sflag:s17] =	ssyncset.done $0x0  }
0x1fe: {  	[sflag:s17] =	ssyncadd.s32 $0xFFFFFF9C  }
0x1ff: {  	_ =	swait.ge [sflag:s17], $0x64  }
0x200: {  	[sflag:s17] =	ssyncset.done $0x0  }
0x201: {  	s9 =	sadd.s32 $0x34, s9;
	[sflag:s17] =	ssyncadd.s32 $0xFFFFFF9C  }
0x202: {  	[tilespmem:s5], [sflag:$0x1] =	stream.linear.gather [hbm4b:s9+s5], $0xD0, $0x38;
	[tilespmem:$0x1D4E8] =	vst v63  }
0x203: {  	s20 =	sadd.s32 $0x34, s20  }
0x204: {  	[tilespmem:s23], [sflag:$0x3] =	stream.linear.gather [hbm4b:s20+s5], $0xD0, $0x38;
	[tilespmem:$0x1D4E8] =	vst v63  }
0x205: {  	s21 =	rddreg [dreg:$0x8]  }
0x206: {  	[tilespmem:s12], [sflag:$0x6] =	stream.indirect.gather [hbm4b:s1+s0], $0x80, s21, s0, $0xb8;
	[tilespmem:$0x1D4E8] =	vst v63  }
0x207: {  	_ =	swait.ge [sflag:s19], $0x3200  }
0x208: {  	[sflag:s19] =	ssyncset.done $0x0  }
0x209: {  	[sflag:s19] =	ssyncadd.s32 $0xFFFFCE00  }
0x20a: {  	[spmem:s3] =	stream.indirect.scatter.add.f32 [tilespmem:s25], [sflag:$0x7], $0x80, s7, s0, $0xb8;
	[tilespmem:$0x1D4E8] =	vst v63  }
0x20b: {  	_ =	swait.ge [sflag:s30], $0xD0  }
0x20c: {  	[sflag:s30] =	ssyncset.done $0x0  }
0x20d: {  	[sflag:s30] =	ssyncadd.s32 $0xFFFFFF30  }
0x20e: {  	_ =	swait.ge [sflag:s31], $0xD0  }
0x20f: {  	[sflag:s31] =	ssyncset.done $0x0  }
0x210: {  	[sflag:s31] =	ssyncadd.s32 $0xFFFFFF30  }
0x211: {  	v3 =	vld [tilespmem:$0x0];
	_ =	sdelay $0x6  }
0x212: {  	v37 =	vld [tilespmem:$0x10]  }
0x213: {  	v3 =	vld.idx.msk [tilespmem:v3+s24+$0x0], $0xffff;
	_ =	sdelay $0x4  }
0x214: {  	[tilespmem:$0x6740] =	vst v3;
	v3 =	vld [tilespmem:$0x20];
	_ =	sdelay $0x1  }
0x215: {  	v4 =	vld.idx.msk [tilespmem:v37+s24+$0x0], $0xffff;
	_ =	sdelay $0x4  }
0x216: {  	v38 =	vld [tilespmem:$0x30];
	[tilespmem:$0x6750] =	vst v4  }
0x217: {  	v3 =	vld.idx.msk [tilespmem:v3+s24+$0x0], $0xffff;
	_ =	sdelay $0x4  }
0x218: {  	[tilespmem:$0x6760] =	vst v3;
	v3 =	vld [tilespmem:$0x40];
	_ =	sdelay $0x1  }
0x219: {  	v4 =	vld.idx.msk [tilespmem:v38+s24+$0x0], $0xffff;
	_ =	sdelay $0x3  }
0x21a: {  	v39 =	vld [tilespmem:$0x50]  }
0x21b: {  	[tilespmem:$0x6770] =	vst v4  }
0x21c: {  	v3 =	vld.idx.msk [tilespmem:v3+s24+$0x0], $0xffff;
	_ =	sdelay $0x3  }
0x21d: {  	v40 =	vld [tilespmem:$0x68]  }
0x21e: {  	[tilespmem:$0x6780] =	vst v3;
	v3 =	vld [tilespmem:$0x54]  }
0x21f: {  	v4 =	vld.idx.msk [tilespmem:v39+s24+$0x0], $0xffff  }
0x220: {  	v42 =	vld [tilespmem:$0x50]  }
0x221: {  	v43 =	vld [tilespmem:$0x0]  }
0x222: {  	v44 =	vld [tilespmem:$0x10]  }
0x223: {  	v45 =	vld [tilespmem:$0x20]  }
0x224: {  	v46 =	vld [tilespmem:$0x30];
	[tilespmem:$0x6790] =	vst v4  }
0x225: {  	v7 =	vadd.s32 v0, v42;
	v47 =	vld [tilespmem:$0x6794]  }
0x226: {  	v3 =	vld.idx.msk [tilespmem:v3+s24+$0x0], $0xffff;
	[tilespmem:$0x50] =	vst v7  }
0x227: {  	v8 =	vadd.s32 v0, v43;
	v49 =	vld [tilespmem:$0x54]  }
0x228: {  	v41 =	vld [tilespmem:$0x40];
	v48 =	vadd.s32 v0, v44;
	[tilespmem:$0x0] =	vst v8  }
0x229: {  	v50 =	vadd.s32 v0, v45;
	[tilespmem:$0x10] =	vst v48  }
0x22a: {  	v4 =	vadd.s32 v0, v46;
	[tilespmem:$0x20] =	vst v50  }
0x22b: {  	[tilespmem:$0x30] =	vst v4;
	v3 =	vsel vm0, v47, v3  }
0x22c: {  	[tilespmem:$0x6794] =	vst v3;
	v3 =	vadd.s32 v1, v49  }
0x22d: {  	v51 =	vadd.s32 v0, v41;
	[tilespmem:$0x54] =	vst v3;
	v3 =	vld [tilespmem:$0x78]  }
0x22e: {  	[tilespmem:$0x40] =	vst v51  }
0x22f: {  	v4 =	vld.idx.msk [tilespmem:v40+s24+$0x0], $0xffff;
	_ =	sdelay $0x4  }
0x230: {  	v52 =	vld [tilespmem:$0x88];
	[tilespmem:$0x67A8] =	vst v4  }
0x231: {  	v3 =	vld.idx.msk [tilespmem:v3+s24+$0x0], $0xffff;
	_ =	sdelay $0x4  }
0x232: {  	[tilespmem:$0x67B8] =	vst v3;
	v3 =	vld [tilespmem:$0x98];
	_ =	sdelay $0x1  }
0x233: {  	v4 =	vld.idx.msk [tilespmem:v52+s24+$0x0], $0xffff;
	_ =	sdelay $0x4  }
0x234: {  	v53 =	vld [tilespmem:$0xA8];
	[tilespmem:$0x67C8] =	vst v4  }
0x235: {  	v3 =	vld.idx.msk [tilespmem:v3+s24+$0x0], $0xffff;
	_ =	sdelay $0x4  }
0x236: {  	[tilespmem:$0x67D8] =	vst v3;
	v3 =	vld [tilespmem:$0xB8];
	_ =	sdelay $0x1  }
0x237: {  	v4 =	vld.idx.msk [tilespmem:v53+s24+$0x0], $0xffff;
	_ =	sdelay $0x3  }
0x238: {  	v54 =	vld [tilespmem:$0xBC]  }
0x239: {  	v55 =	vld [tilespmem:$0xA8];
	[tilespmem:$0x67E8] =	vst v4  }
0x23a: {  	v3 =	vld.idx.msk [tilespmem:v3+s24+$0x0], $0xffff  }
0x23b: {  	v56 =	vld [tilespmem:$0xB8]  }
0x23c: {  	v57 =	vld [tilespmem:$0x68]  }
0x23d: {  	v58 =	vld [tilespmem:$0x78]  }
0x23e: {  	v59 =	vld [tilespmem:$0x88]  }
0x23f: {  	[tilespmem:$0x67F8] =	vst v3;
	v3 =	vld [tilespmem:$0x98]  }
0x240: {  	v6 =	vadd.s32 v0, v56;
	v4 =	vld.idx.msk [tilespmem:v54+s24+$0x0], $0xffff  }
0x241: {  	v7 =	vadd.s32 v0, v57;
	v60 =	vld [tilespmem:$0x67FC];
	[tilespmem:$0xB8] =	vst v6  }
0x242: {  	v61 =	vadd.s32 v0, v58;
	[tilespmem:$0x68] =	vst v7;
	v62 =	vld [tilespmem:$0xBC]  }
0x243: {  	v63 =	vadd.s32 v0, v59;
	[tilespmem:$0x78] =	vst v61  }
0x244: {  	[tilespmem:$0x88] =	vst v63;
	v3 =	vadd.s32 v0, v3  }
0x245: {  	[tilespmem:$0x98] =	vst v3;
	v3 =	vadd.s32 v0, v55  }
0x246: {  	v4 =	vsel vm0, v60, v4;
	[tilespmem:$0xA8] =	vst v3  }
0x247: {  	s22 =	smov.u32 s11;
	p2 =	seq.s32 s2, $0x4E0;
	[tilespmem:$0x67FC] =	vst v4;
	v3 =	vadd.s32 v1, v62  }
0x248: {  	s18 =	simm.s32 @!p2 $0x1A0;
	s9 =	simm.s32 @!p2 $0x64;
	s20 =	simm.s32 @!p2 $0x6740;
	[tilespmem:$0xBC] =	vst v3  }
0x249: {  	[spmem:s4] =	stream.indirect.scatter.add.f32 @!p2 [tilespmem:s20], [sflag:$0x9], $0x1, s18, s9, $0xb8;
	[tilespmem:$0x1D4E8] =	vst v63  }
0x24a: {  	s11 =	sadd.s32 $0x34, s11;
	s18 =	simm.s32 @!p2 $0x208;
	s20 =	simm.s32 @!p2 $0x67A8  }
0x24b: {  	[spmem:s4] =	stream.indirect.scatter.add.f32 @!p2 [tilespmem:s20], [sflag:$0x9], $0x1, s18, s9, $0xb8;
	[tilespmem:$0x1D4E8] =	vst v63  }
0x24c: {  	p1 =	sne.s32 s11, $0x514;
	_ =	swait.ge [sflag:s28], $0x3200  }
.Ltmp1:
0x24d: {  	[sflag:s28] =	ssyncset.done $0x0;
	(pc) =	sbr.rel @p1 .LBB2_4-.Ltmp1, $4  }
0x24e: {  	[sflag:s28] =	ssyncadd.s32 $0xFFFFCE00  }
0x24f: {  	[tilespmem:s25], [sflag:$0x5] =	stream.indirect.gather [hbm4b:s1+s0], $0x80, s5, s0, $0xb8;
	[tilespmem:$0x1D4E8] =	vst v63  }
0x250: {  	s2 =	smov.u32 s22;
	_ =	swait.ge [sflag:s29], $0x3200  }
0x251: {  	p2 =	seq.s32 s2, $0x0;
	[sflag:s29] =	ssyncset.done $0x0  }
0x252: {  	s9 =	simm.s32 @!p2 $0x8;
	[sflag:s29] =	ssyncadd.s32 $0xFFFFCE00  }
0x253: {  	[spmem:s3] =	stream.indirect.scatter.add.f32 [tilespmem:s12], [sflag:$0x8], $0x80, s15, s0, $0xb8;
	[tilespmem:$0x1D4E8] =	vst v63  }
0x254: {  	_ =	swait.ge @!p2 [sflag:s9], $0x3200  }
0x255: {  	[sflag:s9] =	ssyncset.done @!p2 $0x0  }
0x256: {  	s11 =	simm.s32 @!p2 $0xA;
	[sflag:s9] =	ssyncadd.s32 @!p2 $0xFFFFCE00  }
0x257: {  	_ =	swait.ge @!p2 [sflag:s11], $0x64  }
0x258: {  	[sflag:s11] =	ssyncset.done @!p2 $0x0  }
0x259: {  	[sflag:s11] =	ssyncadd.s32 @!p2 $0xFFFFFF9C  }
0x25a: {  	_ =	swait.ge @!p2 [sflag:s11], $0x64  }
0x25b: {  	s9 =	sadd.s32 s2, s8;
	[sflag:s11] =	ssyncset.done @!p2 $0x0  }
0x25c: {  	s18 =	sadd.s32 $0x1A, s9;
	[sflag:s11] =	ssyncadd.s32 @!p2 $0xFFFFFF9C;
	s11 =	sadd.s32 s2, s10  }
0x25d: {  	[tilespmem:s6], [sflag:$0x2] =	stream.linear.gather [hbm4b:s18+s5], $0xD0, $0x38;
	[tilespmem:$0x1D4E8] =	vst v63  }
0x25e: {  	s22 =	sadd.s32 $0x1A, s11  }
0x25f: {  	[tilespmem:s7], [sflag:$0x4] =	stream.linear.gather [hbm4b:s22+s5], $0xD0, $0x38;
	[tilespmem:$0x1D4E8] =	vst v63  }
0x260: {  	s20 =	rddreg [dreg:$0x5]  }
0x261: {  	[tilespmem:s12], [sflag:$0x6] =	stream.indirect.gather [hbm4b:s1+s0], $0x80, s20, s0, $0xb8;
	[tilespmem:$0x1D4E8] =	vst v63  }
0x262: {  	_ =	swait.ge [sflag:s19], $0x3200  }
0x263: {  	[sflag:s19] =	ssyncset.done $0x0  }
0x264: {  	[sflag:s19] =	ssyncadd.s32 $0xFFFFCE00  }
0x265: {  	[spmem:s3] =	stream.indirect.scatter.add.f32 [tilespmem:s25], [sflag:$0x7], $0x80, s23, s0, $0xb8;
	[tilespmem:$0x1D4E8] =	vst v63  }
0x266: {  	_ =	swait.ge [sflag:s13], $0xD0  }
0x267: {  	[sflag:s13] =	ssyncset.done $0x0  }
0x268: {  	[sflag:s13] =	ssyncadd.s32 $0xFFFFFF30  }
0x269: {  	_ =	swait.ge [sflag:s14], $0xD0  }
0x26a: {  	[sflag:s14] =	ssyncset.done $0x0  }
0x26b: {  	[sflag:s14] =	ssyncadd.s32 $0xFFFFFF30  }
0x26c: {  	v3 =	vld [tilespmem:$0xD0];
	_ =	sdelay $0x5  }
0x26d: {  	v4 =	vld [tilespmem:$0xE0];
	_ =	sdelay $0x1  }
0x26e: {  	v3 =	vld.idx.msk [tilespmem:v3+s24+$0x0], $0xffff;
	_ =	sdelay $0x3  }
0x26f: {  	v5 =	vld [tilespmem:$0xF0]  }
0x270: {  	[tilespmem:$0x6810] =	vst v3  }
0x271: {  	v3 =	vld.idx.msk [tilespmem:v4+s24+$0x0], $0xffff;
	_ =	sdelay $0x3  }
0x272: {  	v58 =	vld [tilespmem:$0x100]  }
0x273: {  	[tilespmem:$0x6820] =	vst v3  }
0x274: {  	v3 =	vld.idx.msk [tilespmem:v5+s24+$0x0], $0xffff;
	_ =	sdelay $0x3  }
0x275: {  	v59 =	vld [tilespmem:$0x110]  }
0x276: {  	[tilespmem:$0x6830] =	vst v3  }
0x277: {  	v3 =	vld.idx.msk [tilespmem:v58+s24+$0x0], $0xffff;
	_ =	sdelay $0x3  }
0x278: {  	v60 =	vld [tilespmem:$0x120]  }
0x279: {  	[tilespmem:$0x6840] =	vst v3  }
0x27a: {  	v3 =	vld.idx.msk [tilespmem:v59+s24+$0x0], $0xffff;
	_ =	sdelay $0x2  }
0x27b: {  	v61 =	vld [tilespmem:$0x110]  }
0x27c: {  	v6 =	vld [tilespmem:$0x138]  }
0x27d: {  	[tilespmem:$0x6850] =	vst v3;
	v3 =	vld [tilespmem:$0x124]  }
0x27e: {  	v4 =	vld.idx.msk [tilespmem:v60+s24+$0x0], $0xffff  }
0x27f: {  	v7 =	vld [tilespmem:$0x120]  }
0x280: {  	v8 =	vld [tilespmem:$0xD0]  }
0x281: {  	v9 =	vld [tilespmem:$0xE0]  }
0x282: {  	v10 =	vld [tilespmem:$0xF0]  }
0x283: {  	v62 =	vld [tilespmem:$0x100];
	[tilespmem:$0x6860] =	vst v4  }
0x284: {  	v7 =	vadd.s32 v0, v7;
	v11 =	vld [tilespmem:$0x6864]  }
0x285: {  	v8 =	vadd.s32 v0, v8;
	v3 =	vld.idx.msk [tilespmem:v3+s24+$0x0], $0xffff;
	[tilespmem:$0x120] =	vst v7  }
0x286: {  	v63 =	vadd.s32 v0, v9;
	[tilespmem:$0xD0] =	vst v8;
	v12 =	vld [tilespmem:$0x124]  }
0x287: {  	v13 =	vadd.s32 v0, v10;
	[tilespmem:$0xE0] =	vst v63  }
0x288: {  	v4 =	vadd.s32 v0, v62;
	[tilespmem:$0xF0] =	vst v13  }
0x289: {  	v14 =	vadd.s32 v0, v61;
	[tilespmem:$0x100] =	vst v4  }
0x28a: {  	[tilespmem:$0x110] =	vst v14;
	v3 =	vsel vm0, v11, v3  }
0x28b: {  	v15 =	vld [tilespmem:$0x148];
	[tilespmem:$0x6864] =	vst v3;
	v3 =	vadd.s32 v1, v12  }
0x28c: {  	[tilespmem:$0x124] =	vst v3  }
0x28d: {  	v3 =	vld.idx.msk [tilespmem:v6+s24+$0x0], $0xffff;
	_ =	sdelay $0x3  }
0x28e: {  	v16 =	vld [tilespmem:$0x158]  }
0x28f: {  	[tilespmem:$0x6878] =	vst v3  }
0x290: {  	v3 =	vld.idx.msk [tilespmem:v15+s24+$0x0], $0xffff;
	_ =	sdelay $0x3  }
0x291: {  	v17 =	vld [tilespmem:$0x168]  }
0x292: {  	[tilespmem:$0x6888] =	vst v3  }
0x293: {  	v3 =	vld.idx.msk [tilespmem:v16+s24+$0x0], $0xffff;
	_ =	sdelay $0x3  }
0x294: {  	v18 =	vld [tilespmem:$0x178]  }
0x295: {  	[tilespmem:$0x6898] =	vst v3  }
0x296: {  	v3 =	vld.idx.msk [tilespmem:v17+s24+$0x0], $0xffff;
	_ =	sdelay $0x3  }
0x297: {  	v19 =	vld [tilespmem:$0x188]  }
0x298: {  	[tilespmem:$0x68A8] =	vst v3  }
0x299: {  	v3 =	vld.idx.msk [tilespmem:v18+s24+$0x0], $0xffff;
	_ =	sdelay $0x3  }
0x29a: {  	v20 =	vld [tilespmem:$0x178]  }
0x29b: {  	[tilespmem:$0x68B8] =	vst v3;
	v3 =	vld [tilespmem:$0x18C]  }
0x29c: {  	v4 =	vld.idx.msk [tilespmem:v19+s24+$0x0], $0xffff  }
0x29d: {  	v21 =	vld [tilespmem:$0x188]  }
0x29e: {  	v22 =	vld [tilespmem:$0x138]  }
0x29f: {  	v23 =	vld [tilespmem:$0x148]  }
0x2a0: {  	v24 =	vld [tilespmem:$0x158]  }
0x2a1: {  	v25 =	vld [tilespmem:$0x168];
	[tilespmem:$0x68C8] =	vst v4  }
0x2a2: {  	v6 =	vadd.s32 v0, v21;
	v26 =	vld [tilespmem:$0x68CC]  }
0x2a3: {  	v7 =	vadd.s32 v0, v22;
	v3 =	vld.idx.msk [tilespmem:v3+s24+$0x0], $0xffff;
	[tilespmem:$0x188] =	vst v6  }
0x2a4: {  	v27 =	vadd.s32 v0, v23;
	[tilespmem:$0x138] =	vst v7;
	v28 =	vld [tilespmem:$0x18C]  }
0x2a5: {  	v29 =	vadd.s32 v0, v24;
	[tilespmem:$0x148] =	vst v27  }
0x2a6: {  	v4 =	vadd.s32 v0, v25;
	[tilespmem:$0x158] =	vst v29  }
0x2a7: {  	v30 =	vadd.s32 v0, v20;
	[tilespmem:$0x168] =	vst v4  }
0x2a8: {  	[tilespmem:$0x178] =	vst v30;
	v3 =	vsel vm0, v26, v3  }
0x2a9: {  	[tilespmem:$0x68CC] =	vst v3;
	v3 =	vadd.s32 v1, v28  }
0x2aa: {  	s21 =	rddreg [dreg:$0x6];
	[tilespmem:$0x18C] =	vst v3  }
0x2ab: {  	[spmem:s4] =	stream.indirect.scatter.add.f32 [tilespmem:s21], [sflag:$0xA], $0x1, s7, s0, $0xb8;
	[tilespmem:$0x1D4E8] =	vst v63  }
0x2ac: {  	s22 =	rddreg [dreg:$0x7]  }
0x2ad: {  	[spmem:s4] =	stream.indirect.scatter.add.f32 [tilespmem:s22], [sflag:$0xA], $0x1, s15, s0, $0xb8;
	[tilespmem:$0x1D4E8] =	vst v63  }
0x2ae: {  	_ =	swait.ge [sflag:s28], $0x3200  }
0x2af: {  	[sflag:s28] =	ssyncset.done $0x0  }
0x2b0: {  	[sflag:s28] =	ssyncadd.s32 $0xFFFFCE00  }
0x2b1: {  	[tilespmem:s25], [sflag:$0x5] =	stream.indirect.gather [hbm4b:s1+s0], $0x80, s6, s0, $0xb8;
	[tilespmem:$0x1D4E8] =	vst v63  }
0x2b2: {  	_ =	swait.ge [sflag:s29], $0x3200  }
0x2b3: {  	[sflag:s29] =	ssyncset.done $0x0  }
0x2b4: {  	[sflag:s29] =	ssyncadd.s32 $0xFFFFCE00  }
0x2b5: {  	[spmem:s3] =	stream.indirect.scatter.add.f32 [tilespmem:s12], [sflag:$0x8], $0x80, s26, s0, $0xb8;
	[tilespmem:$0x1D4E8] =	vst v63  }
0x2b6: {  	_ =	swait.ge [sflag:s16], $0x3200  }
0x2b7: {  	[sflag:s16] =	ssyncset.done $0x0  }
0x2b8: {  	[sflag:s16] =	ssyncadd.s32 $0xFFFFCE00  }
0x2b9: {  	_ =	swait.ge [sflag:s17], $0x64  }
0x2ba: {  	[sflag:s17] =	ssyncset.done $0x0  }
0x2bb: {  	[sflag:s17] =	ssyncadd.s32 $0xFFFFFF9C  }
0x2bc: {  	_ =	swait.ge [sflag:s17], $0x64  }
0x2bd: {  	[sflag:s17] =	ssyncset.done $0x0  }
0x2be: {  	s9 =	sadd.s32 $0x34, s9;
	[sflag:s17] =	ssyncadd.s32 $0xFFFFFF9C  }
0x2bf: {  	[tilespmem:s5], [sflag:$0x1] =	stream.linear.gather [hbm4b:s9+s5], $0xD0, $0x38;
	[tilespmem:$0x1D4E8] =	vst v63  }
0x2c0: {  	s21 =	sadd.s32 $0x34, s11  }
0x2c1: {  	[tilespmem:s23], [sflag:$0x3] =	stream.linear.gather [hbm4b:s21+s5], $0xD0, $0x38;
	[tilespmem:$0x1D4E8] =	vst v63  }
0x2c2: {  	s22 =	rddreg [dreg:$0x8]  }
0x2c3: {  	[tilespmem:s12], [sflag:$0x6] =	stream.indirect.gather [hbm4b:s1+s0], $0x80, s22, s0, $0xb8;
	[tilespmem:$0x1D4E8] =	vst v63  }
0x2c4: {  	_ =	swait.ge [sflag:s19], $0x3200  }
0x2c5: {  	[sflag:s19] =	ssyncset.done $0x0  }
0x2c6: {  	[sflag:s19] =	ssyncadd.s32 $0xFFFFCE00  }
0x2c7: {  	[spmem:s3] =	stream.indirect.scatter.add.f32 [tilespmem:s25], [sflag:$0x7], $0x80, s7, s0, $0xb8;
	[tilespmem:$0x1D4E8] =	vst v63  }
0x2c8: {  	_ =	swait.ge [sflag:s30], $0xD0  }
0x2c9: {  	[sflag:s30] =	ssyncset.done $0x0  }
0x2ca: {  	[sflag:s30] =	ssyncadd.s32 $0xFFFFFF30  }
0x2cb: {  	_ =	swait.ge [sflag:s31], $0xD0  }
0x2cc: {  	[sflag:s31] =	ssyncset.done $0x0  }
0x2cd: {  	[sflag:s31] =	ssyncadd.s32 $0xFFFFFF30  }
0x2ce: {  	v3 =	vld [tilespmem:$0x0];
	_ =	sdelay $0x5  }
0x2cf: {  	v31 =	vld [tilespmem:$0x10];
	_ =	sdelay $0x1  }
0x2d0: {  	v3 =	vld.idx.msk [tilespmem:v3+s24+$0x0], $0xffff;
	_ =	sdelay $0x3  }
0x2d1: {  	v32 =	vld [tilespmem:$0x20]  }
0x2d2: {  	[tilespmem:$0x6740] =	vst v3  }
0x2d3: {  	v3 =	vld.idx.msk [tilespmem:v31+s24+$0x0], $0xffff;
	_ =	sdelay $0x3  }
0x2d4: {  	v33 =	vld [tilespmem:$0x30]  }
0x2d5: {  	[tilespmem:$0x6750] =	vst v3  }
0x2d6: {  	v3 =	vld.idx.msk [tilespmem:v32+s24+$0x0], $0xffff;
	_ =	sdelay $0x3  }
0x2d7: {  	v34 =	vld [tilespmem:$0x40]  }
0x2d8: {  	[tilespmem:$0x6760] =	vst v3  }
0x2d9: {  	v3 =	vld.idx.msk [tilespmem:v33+s24+$0x0], $0xffff;
	_ =	sdelay $0x3  }
0x2da: {  	v35 =	vld [tilespmem:$0x50]  }
0x2db: {  	[tilespmem:$0x6770] =	vst v3  }
0x2dc: {  	v3 =	vld.idx.msk [tilespmem:v34+s24+$0x0], $0xffff;
	_ =	sdelay $0x2  }
0x2dd: {  	v36 =	vld [tilespmem:$0x68]  }
0x2de: {  	v37 =	vld [tilespmem:$0x40]  }
0x2df: {  	[tilespmem:$0x6780] =	vst v3;
	v3 =	vld [tilespmem:$0x54]  }
0x2e0: {  	v4 =	vld.idx.msk [tilespmem:v35+s24+$0x0], $0xffff  }
0x2e1: {  	v38 =	vld [tilespmem:$0x50]  }
0x2e2: {  	v39 =	vld [tilespmem:$0x0]  }
0x2e3: {  	v40 =	vld [tilespmem:$0x10]  }
0x2e4: {  	v41 =	vld [tilespmem:$0x20]  }
0x2e5: {  	v42 =	vld [tilespmem:$0x30];
	[tilespmem:$0x6790] =	vst v4  }
0x2e6: {  	v7 =	vadd.s32 v0, v38;
	v43 =	vld [tilespmem:$0x6794]  }
0x2e7: {  	v8 =	vadd.s32 v0, v39;
	v3 =	vld.idx.msk [tilespmem:v3+s24+$0x0], $0xffff;
	[tilespmem:$0x50] =	vst v7  }
0x2e8: {  	v44 =	vadd.s32 v0, v40;
	[tilespmem:$0x0] =	vst v8;
	v45 =	vld [tilespmem:$0x54]  }
0x2e9: {  	v46 =	vadd.s32 v0, v41;
	[tilespmem:$0x10] =	vst v44  }
0x2ea: {  	v4 =	vadd.s32 v0, v42;
	[tilespmem:$0x20] =	vst v46  }
0x2eb: {  	v47 =	vadd.s32 v0, v37;
	[tilespmem:$0x30] =	vst v4  }
0x2ec: {  	[tilespmem:$0x40] =	vst v47;
	v3 =	vsel vm0, v43, v3  }
0x2ed: {  	v48 =	vld [tilespmem:$0x78];
	[tilespmem:$0x6794] =	vst v3;
	v3 =	vadd.s32 v1, v45  }
0x2ee: {  	[tilespmem:$0x54] =	vst v3  }
0x2ef: {  	v3 =	vld.idx.msk [tilespmem:v36+s24+$0x0], $0xffff;
	_ =	sdelay $0x3  }
0x2f0: {  	v49 =	vld [tilespmem:$0x88]  }
0x2f1: {  	[tilespmem:$0x67A8] =	vst v3  }
0x2f2: {  	v3 =	vld.idx.msk [tilespmem:v48+s24+$0x0], $0xffff;
	_ =	sdelay $0x3  }
0x2f3: {  	v50 =	vld [tilespmem:$0x98]  }
0x2f4: {  	[tilespmem:$0x67B8] =	vst v3  }
0x2f5: {  	v3 =	vld.idx.msk [tilespmem:v49+s24+$0x0], $0xffff;
	_ =	sdelay $0x3  }
0x2f6: {  	v51 =	vld [tilespmem:$0xA8]  }
0x2f7: {  	[tilespmem:$0x67C8] =	vst v3  }
0x2f8: {  	v3 =	vld.idx.msk [tilespmem:v50+s24+$0x0], $0xffff;
	_ =	sdelay $0x3  }
0x2f9: {  	v52 =	vld [tilespmem:$0xB8]  }
0x2fa: {  	[tilespmem:$0x67D8] =	vst v3  }
0x2fb: {  	v3 =	vld.idx.msk [tilespmem:v51+s24+$0x0], $0xffff;
	_ =	sdelay $0x3  }
0x2fc: {  	v53 =	vld [tilespmem:$0xA8]  }
0x2fd: {  	[tilespmem:$0x67E8] =	vst v3;
	v3 =	vld [tilespmem:$0xBC]  }
0x2fe: {  	v4 =	vld.idx.msk [tilespmem:v52+s24+$0x0], $0xffff  }
0x2ff: {  	v54 =	vld [tilespmem:$0xB8]  }
0x300: {  	v55 =	vld [tilespmem:$0x68]  }
0x301: {  	v56 =	vld [tilespmem:$0x78]  }
0x302: {  	v57 =	vld [tilespmem:$0x88]  }
0x303: {  	v58 =	vld [tilespmem:$0x98];
	[tilespmem:$0x67F8] =	vst v4  }
0x304: {  	v6 =	vadd.s32 v0, v54;
	v59 =	vld [tilespmem:$0x67FC]  }
0x305: {  	v7 =	vadd.s32 v0, v55;
	v3 =	vld.idx.msk [tilespmem:v3+s24+$0x0], $0xffff;
	[tilespmem:$0xB8] =	vst v6  }
0x306: {  	v60 =	vadd.s32 v0, v56;
	[tilespmem:$0x68] =	vst v7;
	v61 =	vld [tilespmem:$0xBC]  }
0x307: {  	v62 =	vadd.s32 v0, v57;
	[tilespmem:$0x78] =	vst v60  }
0x308: {  	v4 =	vadd.s32 v0, v58;
	[tilespmem:$0x88] =	vst v62  }
0x309: {  	v63 =	vadd.s32 v0, v53;
	[tilespmem:$0x98] =	vst v4  }
0x30a: {  	[tilespmem:$0xA8] =	vst v63;
	v3 =	vsel vm0, v59, v3  }
0x30b: {  	p1 =	seq.s32 s2, $0x4E0;
	[tilespmem:$0x67FC] =	vst v3;
	v3 =	vadd.s32 v1, v61  }
0x30c: {  	s2 =	simm.s32 @!p1 $0x64;
	s11 =	simm.s32 @!p1 $0x6740;
	s9 =	simm.s32 @!p1 $0x1A0;
	[tilespmem:$0xBC] =	vst v3  }
0x30d: {  	[spmem:s4] =	stream.indirect.scatter.add.f32 @!p1 [tilespmem:s11], [sflag:$0x9], $0x1, s9, s2, $0xb8;
	[tilespmem:$0x1D4E8] =	vst v63  }
0x30e: {  	s9 =	simm.s32 @!p1 $0x208;
	s11 =	simm.s32 @!p1 $0x67A8  }
0x30f: {  	[spmem:s4] =	stream.indirect.scatter.add.f32 @!p1 [tilespmem:s11], [sflag:$0x9], $0x1, s9, s2, $0xb8;
	[tilespmem:$0x1D4E8] =	vst v63  }
0x310: {  	_ =	swait.ge [sflag:s28], $0x3200  }
0x311: {  	[sflag:s28] =	ssyncset.done $0x0  }
0x312: {  	[sflag:s28] =	ssyncadd.s32 $0xFFFFCE00  }
0x313: {  	[tilespmem:s25], [sflag:$0x5] =	stream.indirect.gather [hbm4b:s1+s0], $0x80, s5, s0, $0xb8;
	[tilespmem:$0x1D4E8] =	vst v63  }
0x314: {  	_ =	swait.ge [sflag:s29], $0x3200  }
0x315: {  	[sflag:s29] =	ssyncset.done $0x0  }
0x316: {  	[sflag:s29] =	ssyncadd.s32 $0xFFFFCE00  }
0x317: {  	[spmem:s3] =	stream.indirect.scatter.add.f32 [tilespmem:s12], [sflag:$0x8], $0x80, s15, s0, $0xb8;
	[tilespmem:$0x1D4E8] =	vst v63  }
0x318: {  	_ =	swait.ge [sflag:s16], $0x3200  }
0x319: {  	[sflag:s16] =	ssyncset.done $0x0  }
0x31a: {  	s9 =	simm.s32 $0xA;
	[sflag:s16] =	ssyncadd.s32 $0xFFFFCE00  }
0x31b: {  	_ =	swait.ge [sflag:s9], $0x64  }
0x31c: {  	[sflag:s9] =	ssyncset.done $0x0  }
0x31d: {  	[sflag:s9] =	ssyncadd.s32 $0xFFFFFF9C  }
0x31e: {  	_ =	swait.ge [sflag:s9], $0x64  }
0x31f: {  	[sflag:s9] =	ssyncset.done $0x0  }
0x320: {  	[sflag:s9] =	ssyncadd.s32 $0xFFFFFF9C  }
0x321: {  	_ =	swait.ge [sflag:s19], $0x3200  }
0x322: {  	[sflag:s19] =	ssyncset.done $0x0  }
0x323: {  	[sflag:s19] =	ssyncadd.s32 $0xFFFFCE00  }
0x324: {  	s21 =	stileid.u32;
	[bflag:$0x0] =	sbarrier.arrive $0xFFFF  }
0x325: {  	s11 =	sshll.u32 s21, $0x6;
	s22 =	rddreg [dreg:$0xb]  }
0x326: {  	s2 =	sor.u32 $0x1C07, s11;
	s20 =	rddreg [dreg:$0x16];
	s18 =	sshrl.u32 s22, $0x3  }
0x327: {  	[hbm:s20], [sflag:s2] =	dma.local [spmem:s18], $0x500  }
0x328: {  	s9 =	rddreg [dreg:$0x14]  }
0x329: {  	p1 =	sne.s32 s9, $0x1  }
.Ltmp2:
0x32a: {  	_ = 	snop;
	(pc) =	sbr.rel @!p1 .LBB2_7-.Ltmp2, $2  }
0x32b: {  	_ =	sdelay $0x2  }
0x32c: {  	s11 =	rddreg [dreg:$0xc];
	s9 =	sadd.s32 $0xFFFFFFFF, s9  }
.LBB2_6:
0x32d: {  	p2 =	sne.s32 s9, $0x1;
	s9 =	sadd.s32 $0xFFFFFFFF, s9  }
.Ltmp3:
0x32e: {  	s18 =	sshrl.u32 s11, $0x3;
	s20 =	sadd.s32 $0x500, s20;
	(pc) =	sbr.rel @p2 .LBB2_6-.Ltmp3, $3  }
0x32f: {  	[hbm:s20], [sflag:s2] =	dma.local [spmem:s18], $0x500  }
0x330: {  	_ =	sdelay $0x1  }
0x331: {  	s11 =	sadd.s32 $0x2800, s11  }
.LBB2_7:
0x332: {  	s2 =	sshll.u32 @!p0 s21, $0x6  }
0x333: {  	s9 =	sshrl.u32 @!p0 s4, $0x3;
	s11 =	rddreg [dreg:$0xa];
	s2 =	sor.u32 @!p0 $0x1C0B, s2  }
0x334: {  	[hbm:s11], [sflag:s2] =	dma.local @!p0 [spmem:s9], $0x4F0  }
0x335: {  	s2 =	simm.s32 @!p0 $0xB  }
0x336: {  	_ =	swait.ge @!p0 [sflag:s2], $0x4F0  }
.Ltmp4:
0x337: {  	[sflag:s2] =	ssyncset.done @!p0 $0x0;
	(pc) =	sbr.rel @!p1 .LBB2_9-.Ltmp4, $4  }
0x338: {  	[sflag:s2] =	ssyncadd.s32 @!p0 $0xFFFFFB10  }
0x339: {  	_ =	swait.ge [sflag:s28], $0x500  }
0x33a: {  	s20 =	rddreg [dreg:$0x14]  }
0x33b: {  	[sflag:s28] =	ssyncset.done $0x0;
	s2 =	sadd.s32 $0xFFFFFFFF, s20  }
.LBB2_8:
0x33c: {  	p1 =	sne.s32 s2, $0x1;
	s2 =	sadd.s32 $0xFFFFFFFF, s2;
	[sflag:s28] =	ssyncadd.s32 $0xFFFFFB00  }
.Ltmp5:
0x33d: {  	(pc) =	sbr.rel @p1 .LBB2_8-.Ltmp5, $3  }
0x33e: {  	_ =	sdelay $0x1  }
0x33f: {  	_ =	swait.ge [sflag:s28], $0x500  }
0x340: {  	[sflag:s28] =	ssyncset.done $0x0  }
.LBB2_9:
0x341: {  	s9 =	rddreg [dreg:$0x17]  }
0x342: {  	s2 =	rddreg [dreg:$0x15];
	s9 =	sadd.s32 $0x1, s9  }
0x343: {  	p1 =	sne.s32 s9, s2  }
.Ltmp6:
0x344: {  	_ = 	snop;
	(pc) =	sbr.rel @p1 .LBB2_1-.Ltmp6, $2  }
0x345: {  	_ =	sdelay $0x2  }
0x346: {  	[sflag:s28] =	ssyncadd.s32 $0xFFFFFB00  }
0x347: {  	_ =	sfence.sel $0x180000  }
0x348: {  	[bflag:$0x0] =	sbarrier.arrive $0xFFFF  }
0x349: {  	_ =	strace $0x90000047  }
0x34a: {  	[bflag:$0x2] =	sbarrier.arrive $0xFFFF  }
0x34b: {  	p0 =	sne.s32 s21, $0x0;
	s0 =	rddreg [dreg:$0x4]  }
0x34c: {  	s0 =	sadd.s32 @!p0 $0x100000, s0  }
0x34d: {  	[sflag:s0] =	ssyncadd.tile.s32 @!p0 $0x1;
	_ =	shalt  }
.Lfunc_end2:
_tile_overlayer_lowered:
.L_overlay_start_2:
0x34e: {  	(tag) =	ssettag $0x2  }
0x34f: {  	s0 =	rddreg [dreg:$0x0];
	s2 =	stileid.u32  }
0x350: {  	s1 =	rddreg [dreg:$0x1];
	p0 =	sne.s32 s2, $0x0  }
0x351: {  	s3 =	rddreg [dreg:$0x2];
	[bflag:$0x3] =	sbarrier.arrive $0xFFFF;
	s2 =	simm.s32 @!p0 $0x1C0B  }
0x352: {  	[timem:s3], [sflag:s2] =	dma.local @!p0 [hbm:s0], s1  }
0x353: {  	s0 =	simm.s32 @!p0 $0xB  }
0x354: {  	_ =	swait.ge @!p0 [sflag:s0], s1  }
0x355: {  	s1 =	ssub.s32 @!p0 $0x0, s1;
	[sflag:s0] =	ssyncset.done @!p0 $0x0  }
0x356: {  	[sflag:s0] =	ssyncadd.s32 @!p0 s1  }
0x357: {  	[bflag:$0x3] =	sbarrier.arrive $0xFFFF  }
0x358: {  	_ =	shalt  }

</sc_bundles>
